<compile_context>
chip_gen: v7x
topology: tpu7x:2x2x1
jax: 0.10.2.dev20260603
libtpu: 0.0.44.dev20260713+nightly
codegen_flags: <defaults>
</compile_context>

<pallas_src>
import functools
import math

import jax
import jax.numpy as jnp
from jax import lax
from jax.experimental import pallas as pl
from jax.experimental.pallas import tpu as pltpu
from jax.experimental.pallas import tpu_sc as plsc

B = 8
C = 19
HW = 512 * 512
N = B * HW
N_TOP = int(N * 0.16)
T_HARD = 0.7
T_LOSS = float(-math.log(0.7))

CHUNK = 131072
NW = 32
PER_W = N // NW
SC_CH = 32768
B1 = 2048
B1_SHIFT = 20
B1P = B1 + 1
B2 = 2048
B2_SHIFT = 9
B2P = B2 + 1
TIE = 512
CH5 = 131072
NSTEP5 = N // CH5


def _loss_body(x_ref, t_ref, bits_ref, stats_ref):
    b = pl.program_id(0)
    i = pl.program_id(1)
    x = x_ref[0]
    t = t_ref[0, 0]
    e = jnp.exp(x)
    cls = lax.broadcasted_iota(jnp.int32, (C, CHUNK), 0)
    z = jnp.where(cls == t[None, :], x, 0.0)
    ones_row = jnp.ones((1, C), jnp.float32)
    dims = (((1,), (0,)), ((), ()))
    se = lax.dot_general(ones_row, e, dims,
                         preferred_element_type=jnp.float32)
    picked = lax.dot_general(ones_row, z, dims,
                             preferred_element_type=jnp.float32)
    loss = jnp.maximum(jnp.log(se[0]) - picked[0], 0.0)
    bits_ref[0, 0] = lax.bitcast_convert_type(loss, jnp.int32)

    c07 = jnp.sum((loss > T_HARD).astype(jnp.float32))
    s07 = jnp.sum(jnp.where(loss > T_HARD, loss, 0.0))
    ct = jnp.sum((loss > T_LOSS).astype(jnp.float32))
    lanei = lax.broadcasted_iota(jnp.int32, (1, 128), 1)
    v = jnp.where(lanei == 0, c07,
                  jnp.where(lanei == 1, s07,
                            jnp.where(lanei == 2, ct, 0.0)))
    first = jnp.logical_and(b == 0, i == 0)

    @pl.when(first)
    def _():
        stats_ref[...] = v

    @pl.when(jnp.logical_not(first))
    def _():
        stats_ref[...] += v


def _run_loss(x, t):
    return pl.pallas_call(
        _loss_body,
        grid=(B, HW // CHUNK),
        in_specs=[
            pl.BlockSpec((1, C, CHUNK), lambda b, i: (b, 0, i)),
            pl.BlockSpec((1, 1, CHUNK),
                         lambda b, i: (b * (HW // CHUNK) + i, 0, 0)),
        ],
        out_specs=[
            pl.BlockSpec((1, 1, CHUNK),
                         lambda b, i: (b * (HW // CHUNK) + i, 0, 0)),
            pl.BlockSpec((1, 128), lambda b, i: (0, 0)),
        ],
        out_shape=[
            jax.ShapeDtypeStruct((N // CHUNK, 1, CHUNK), jnp.int32),
            jax.ShapeDtypeStruct((1, 128), jnp.float32),
        ],
    )(x, t)


def _sc_mesh():
    return plsc.VectorSubcoreMesh(core_axis_name="c", subcore_axis_name="s")


def _zero_hist(h, ncols):
    zi = jnp.zeros((16,), jnp.int32)

    @plsc.parallel_loop(0, ncols // 16, unroll=2)
    def zero_body(j):
        for r in range(16):
            h[r, pl.ds(j * 16, 16)] = zi


def _hist1_body(bits_hbm, cnt_hbm, buf0, buf1, h0, sem0, sem1):
    wid = lax.axis_index("s") * 2 + lax.axis_index("c")
    _zero_hist(h0, B1P)

    lane = lax.iota(jnp.int32, 16)
    ones = jnp.ones((16,), jnp.int32)
    base = wid * PER_W
    nch = PER_W // SC_CH
    bufs = [buf0, buf1]
    sems = [sem0, sem1]
    copies = [None] * nch
    copies[0] = pltpu.async_copy(
        bits_hbm.at[pl.ds(base, SC_CH)], bufs[0], sems[0])
    for c in range(nch):
        cur = bufs[c % 2]
        copies[c].wait()
        if c + 1 < nch:
            copies[c + 1] = pltpu.async_copy(
                bits_hbm.at[pl.ds(base + (c + 1) * SC_CH, SC_CH)],
                bufs[(c + 1) % 2], sems[(c + 1) % 2])

        @plsc.parallel_loop(0, SC_CH // 64, unroll=4)
        def body(i):
            for u in range(4):
                bits = cur[pl.ds(i * 64 + u * 16, 16)]
                b1 = lax.shift_right_logical(bits, B1_SHIFT)
                plsc.addupdate_scatter(h0, [lane, b1], ones)

    pltpu.sync_copy(h0, cnt_hbm.at[wid])


def _run_hist1(bits_flat):
    k = functools.partial(
        pl.kernel,
        out_type=jax.ShapeDtypeStruct((NW, 16, B1P), jnp.int32),
        mesh=_sc_mesh(),
        compiler_params=pltpu.CompilerParams(needs_layout_passes=False),
        scratch_types=[
            pltpu.VMEM((SC_CH,), jnp.int32),
            pltpu.VMEM((SC_CH,), jnp.int32),
            pltpu.VMEM((16, B1P), jnp.int32),
            pltpu.SemaphoreType.DMA,
            pltpu.SemaphoreType.DMA,
        ],
    )(_hist1_body)
    return k(bits_flat)


def _hist2_body(bits_hbm, sel_hbm, cnt_hbm, buf0, buf1, selbuf,
                h0, sem0, sem1):
    wid = lax.axis_index("s") * 2 + lax.axis_index("c")
    _zero_hist(h0, B2P)

    pltpu.sync_copy(sel_hbm.at[pl.ds(0, 16)], selbuf)
    pv = selbuf[...]
    lane = lax.iota(jnp.int32, 16)
    ones = jnp.ones((16,), jnp.int32)
    base = wid * PER_W
    nch = PER_W // SC_CH
    bufs = [buf0, buf1]
    sems = [sem0, sem1]
    copies = [None] * nch
    copies[0] = pltpu.async_copy(
        bits_hbm.at[pl.ds(base, SC_CH)], bufs[0], sems[0])
    for c in range(nch):
        cur = bufs[c % 2]
        copies[c].wait()
        if c + 1 < nch:
            copies[c + 1] = pltpu.async_copy(
                bits_hbm.at[pl.ds(base + (c + 1) * SC_CH, SC_CH)],
                bufs[(c + 1) % 2], sems[(c + 1) % 2])

        @plsc.parallel_loop(0, SC_CH // 64, unroll=4)
        def body(i):
            for u in range(4):
                bits = cur[pl.ds(i * 64 + u * 16, 16)]
                b1 = lax.shift_right_logical(bits, B1_SHIFT)
                msk = b1 == pv
                b2 = jnp.bitwise_and(
                    lax.shift_right_logical(bits, B2_SHIFT), B2 - 1)
                plsc.addupdate_scatter(h0, [lane, b2], ones, mask=msk)

    pltpu.sync_copy(h0, cnt_hbm.at[wid])


def _run_hist2(bits_flat, sel):
    k = functools.partial(
        pl.kernel,
        out_type=jax.ShapeDtypeStruct((NW, 16, B2P), jnp.int32),
        mesh=_sc_mesh(),
        compiler_params=pltpu.CompilerParams(needs_layout_passes=False),
        scratch_types=[
            pltpu.VMEM((SC_CH,), jnp.int32),
            pltpu.VMEM((SC_CH,), jnp.int32),
            pltpu.VMEM((16,), jnp.int32),
            pltpu.VMEM((16, B2P), jnp.int32),
            pltpu.SemaphoreType.DMA,
            pltpu.SemaphoreType.DMA,
        ],
    )(_hist2_body)
    return k(bits_flat, sel)


def _suffix_sum_2d(x):
    r, l = x.shape
    y = x
    k = 1
    while k < l:
        y = y + jnp.concatenate([y[:, k:], jnp.zeros((r, k), y.dtype)], axis=1)
        k *= 2
    rowtot = y[:, 0:1]
    z = rowtot
    k = 1
    while k < r:
        z = z + jnp.concatenate([z[k:, :], jnp.zeros((k, 1), x.dtype)], axis=0)
        k *= 2
    return y + (z - rowtot)


def _sel1_body(cnt_ref, sel_ref, aux_ref):
    cnt = cnt_ref[...][:, :B1].astype(jnp.float32)
    tot = jnp.sum(cnt, axis=0).reshape(B1 // 128, 128)
    s = _suffix_sum_2d(tot)
    nf = jnp.float32(N_TOP)
    beta1 = jnp.sum((s >= nf - 0.5).astype(jnp.float32)) - 1.0
    binidx = (lax.broadcasted_iota(jnp.int32, (B1 // 128, 128), 0) * 128
              + lax.broadcasted_iota(jnp.int32, (B1 // 128, 128), 1)
              ).astype(jnp.float32)
    above = binidx > beta1 + 0.5
    a_cnt = jnp.sum(jnp.where(above, tot, 0.0))
    r2 = nf - a_cnt
    sel_ref[...] = jnp.full((1, 128), beta1, jnp.float32).astype(jnp.int32)
    lanei = lax.broadcasted_iota(jnp.int32, (1, 128), 1)
    aux_ref[...] = jnp.where(lanei == 0, r2, 0.0)


def _run_sel1(cnt1):
    return pl.pallas_call(
        _sel1_body,
        in_specs=[pl.BlockSpec((NW * 16, B1P), lambda: (0, 0))],
        out_specs=[
            pl.BlockSpec((1, 128), lambda: (0, 0)),
            pl.BlockSpec((1, 128), lambda: (0, 0)),
        ],
        out_shape=[
            jax.ShapeDtypeStruct((1, 128), jnp.int32),
            jax.ShapeDtypeStruct((1, 128), jnp.float32),
        ],
    )(cnt1)


def _final_body(cnt2_ref, sel_ref, aux_ref, stats_ref, bits_ref, out_ref,
                smi, smf):
    step = pl.program_id(0)

    @pl.when(step == 0)
    def _():
        cnt2 = cnt2_ref[...][:, :B2].astype(jnp.float32)
        tot2 = jnp.sum(cnt2, axis=0).reshape(B2 // 128, 128)
        beta1 = jnp.max(sel_ref[...])
        aux = aux_ref[...]
        lanei = lax.broadcasted_iota(jnp.int32, (1, 128), 1)
        r2 = jnp.sum(jnp.where(lanei == 0, aux, 0.0))
        stats = stats_ref[...]
        c07 = jnp.sum(jnp.where(lanei == 0, stats, 0.0))
        s07 = jnp.sum(jnp.where(lanei == 1, stats, 0.0))
        ct = jnp.sum(jnp.where(lanei == 2, stats, 0.0))

        s2 = _suffix_sum_2d(tot2)
        beta2 = jnp.sum((s2 >= r2 - 0.5).astype(jnp.float32)) - 1.0
        binidx_i = (lax.broadcasted_iota(jnp.int32, (B2 // 128, 128), 0) * 128
                    + lax.broadcasted_iota(jnp.int32, (B2 // 128, 128), 1))
        above = binidx_i.astype(jnp.float32) > beta2 + 0.5
        a2 = jnp.sum(jnp.where(above, tot2, 0.0))
        p18 = beta1 * B2 + beta2.astype(jnp.int32)
        smi[0] = p18 * TIE + (TIE - 1)
        tau = lax.bitcast_convert_type(p18 * TIE + TIE // 2, jnp.float32)
        smf[0] = r2
        smf[1] = a2
        smf[2] = tau
        smf[3] = s07 / c07
        smf[4] = jnp.where(ct >= jnp.float32(N_TOP) + 0.5, 1.0, 0.0)
        smf[5] = 0.0

    x = bits_ref[0, 0]
    cutoff = smi[0]
    vals = lax.bitcast_convert_type(x, jnp.float32)
    smf[5] += jnp.sum(jnp.where(x > cutoff, vals, 0.0))

    @pl.when(step == NSTEP5 - 1)
    def _():
        sum_top = smf[5] + (smf[0] - smf[1]) * smf[2]
        topk = sum_top / jnp.float32(N_TOP)
        res = jnp.where(smf[4] > 0.5, smf[3], topk)
        out_ref[...] = jnp.full((1, 128), res)


def _run_final(cnt2, sel, aux, stats, bits):
    return pl.pallas_call(
        _final_body,
        grid=(NSTEP5,),
        in_specs=[
            pl.BlockSpec((NW * 16, B2P), lambda s: (0, 0)),
            pl.BlockSpec((1, 128), lambda s: (0, 0)),
            pl.BlockSpec((1, 128), lambda s: (0, 0)),
            pl.BlockSpec((1, 128), lambda s: (0, 0)),
            pl.BlockSpec((1, 1, CH5), lambda s: (s, 0, 0)),
        ],
        out_specs=pl.BlockSpec((1, 128), lambda s: (0, 0)),
        out_shape=jax.ShapeDtypeStruct((1, 128), jnp.float32),
        scratch_shapes=[
            pltpu.SMEM((2,), jnp.int32),
            pltpu.SMEM((8,), jnp.float32),
        ],
    )(cnt2, sel, aux, stats, bits)


def kernel(input, target):
    x = input.reshape(B, C, HW)
    t = target.reshape(N // CHUNK, 1, CHUNK)
    bits, stats = _run_loss(x, t)
    bits_flat = bits.reshape(N)
    cnt1 = _run_hist1(bits_flat)
    sel, aux = _run_sel1(cnt1.reshape(NW * 16, B1P))
    cnt2 = _run_hist2(bits_flat, sel.reshape(128))
    out = _run_final(cnt2.reshape(NW * 16, B2P), sel, aux, stats,
                     bits.reshape(NSTEP5, 1, CH5))
    return out[0, 0]

# --- scband reference (transcript-rebuilt; emitter-appended) ---
"""Pipeline reference for scband-ohemloss-75797582840169 (READ-ONLY COPY).

The authoritative reference and input builder live on the scoring server;
editing this copy changes nothing except your own understanding.
"""

import jax, jax.numpy as jnp
import numpy as np
from math import log


def setup_inputs(seed: int = 0) -> dict:
    key = jax.random.key(seed)
    k1, k2 = jax.random.split(key)
    inp = jax.random.normal(k1, (8, 19, 512, 512), dtype=jnp.float32)
    target = jax.random.randint(k2, (8, 512, 512), 0, 19, dtype=jnp.int32)
    return {"input": inp, "target": target}


def reference(input, target):
    thresh_loss = -log(0.7)
    min_numel_frac = 0.16
    # F.cross_entropy(input, target, ignore_index=255, reduction='none')
    logp = jax.nn.log_softmax(input, axis=1)
    valid = target != 255
    safe_tgt = jnp.where(valid, target, 0)
    nll = -jnp.take_along_axis(logp, safe_tgt[:, None, :, :], axis=1)[:, 0]
    loss = jnp.where(valid, nll, 0.0)
    loss = loss.reshape(-1)
    n = int(loss.size * min_numel_frac)
    loss_sorted = jnp.sort(loss)[::-1]  # descending
    mask = loss_sorted > 0.7
    cnt = jnp.sum(mask).astype(jnp.float32)
    hard_branch = jnp.sum(jnp.where(mask, loss_sorted, 0.0)) / cnt
    topk_branch = jnp.mean(loss_sorted[:n])
    return jnp.where(loss_sorted[n] > thresh_loss, hard_branch, topk_branch)

if __name__ == "__main__":
    import jax
    _d = setup_inputs()
    print(jax.jit(kernel)(*tuple(_d.values())))

</pallas_src>

<mosaic_0001>
#map = affine_map<(d0, d1) -> (0)>
#map1 = affine_map<(d0, d1) -> (0, 0, 0)>
module attributes {stable_mosaic.version = 14 : i64} {
  func.func @_hist2_body(%arg0: i32, %arg1: i32, %arg2: memref<2097152xi32, #tpu.memory_space<hbm>>, %arg3: memref<128xi32, #tpu.memory_space<hbm>>, %arg4: memref<32x16x2049xi32, #tpu.memory_space<hbm>>, %arg5: memref<32768xi32, #tpu.memory_space<vmem>>, %arg6: memref<32768xi32, #tpu.memory_space<vmem>>, %arg7: memref<16xi32, #tpu.memory_space<vmem>>, %arg8: memref<16x2049xi32, #tpu.memory_space<vmem>>, %arg9: memref<!tpu.dma_semaphore, #tpu.memory_space<semaphore_mem>>, %arg10: memref<!tpu.dma_semaphore, #tpu.memory_space<semaphore_mem>>) attributes {dimension_semantics = [#tpu.dimension_semantics<core_parallel>, #tpu.dimension_semantics<subcore_parallel>], iteration_bounds = array<i64: 2, 16>, scalar_prefetch = 0 : i64, scratch_operands = 6 : i64, tpu.core_type = #tpu.core_type<sc_vector_subcore>, window_params = [{transform_indices = #map}, {transform_indices = #map}, {transform_indices = #map1}]} {
    %mul3A = arith.constant 2 : i32
    %mul3A_0 = arith.muli %arg1, %mul3A : i32
    %add3A = arith.addi %mul3A_0, %arg0 : i32
    %broadcast_in_dim3A = arith.constant 0 : i32
    %broadcast_in_dim3A_1 = vector.broadcast %broadcast_in_dim3A : i32 to vector<16xi32>
    %parallel_loop3A = arith.constant 0 : i32
    %parallel_loop3A_2 = arith.constant 128 : i32
    %parallel_loop3A_3 = arith.constant 1 : i32
    scf.for %parallel_loop3A_23 = %parallel_loop3A to %parallel_loop3A_2 step %parallel_loop3A_3  : i32 {
      %parallel_loop3A_24 = arith.constant 16 : i32
      %parallel_loop3A_25 = arith.muli %parallel_loop3A_23, %parallel_loop3A_24 : i32
      %parallel_loop3A_26 = arith.constant 0 : i32
      %parallel_loop3A_27 = arith.index_cast %parallel_loop3A_26 : i32 to index
      %parallel_loop3A_28 = arith.index_cast %parallel_loop3A_25 : i32 to index
      %parallel_loop3A_29 = tpu.vector_load %arg8[%parallel_loop3A_27, %parallel_loop3A_28] {strides = array<i32>} : memref<16x2049xi32, #tpu.memory_space<vmem>>, vector<16xi32>,
      tpu.vector_store %arg8[%parallel_loop3A_27, %parallel_loop3A_28], %broadcast_in_dim3A_1 {strides = array<i32>} : memref<16x2049xi32, #tpu.memory_space<vmem>>, vector<16xi32>,
      %parallel_loop3A_30 = arith.constant 16 : i32
      %parallel_loop3A_31 = arith.muli %parallel_loop3A_23, %parallel_loop3A_30 : i32
      %parallel_loop3A_32 = arith.constant 1 : i32
      %parallel_loop3A_33 = arith.index_cast %parallel_loop3A_32 : i32 to index
      %parallel_loop3A_34 = arith.index_cast %parallel_loop3A_31 : i32 to index
      %parallel_loop3A_35 = tpu.vector_load %arg8[%parallel_loop3A_33, %parallel_loop3A_34] {strides = array<i32>} : memref<16x2049xi32, #tpu.memory_space<vmem>>, vector<16xi32>,
      tpu.vector_store %arg8[%parallel_loop3A_33, %parallel_loop3A_34], %broadcast_in_dim3A_1 {strides = array<i32>} : memref<16x2049xi32, #tpu.memory_space<vmem>>, vector<16xi32>,
      %parallel_loop3A_36 = arith.constant 16 : i32
      %parallel_loop3A_37 = arith.muli %parallel_loop3A_23, %parallel_loop3A_36 : i32
      %parallel_loop3A_38 = arith.constant 2 : i32
      %parallel_loop3A_39 = arith.index_cast %parallel_loop3A_38 : i32 to index
      %parallel_loop3A_40 = arith.index_cast %parallel_loop3A_37 : i32 to index
      %parallel_loop3A_41 = tpu.vector_load %arg8[%parallel_loop3A_39, %parallel_loop3A_40] {strides = array<i32>} : memref<16x2049xi32, #tpu.memory_space<vmem>>, vector<16xi32>,
      tpu.vector_store %arg8[%parallel_loop3A_39, %parallel_loop3A_40], %broadcast_in_dim3A_1 {strides = array<i32>} : memref<16x2049xi32, #tpu.memory_space<vmem>>, vector<16xi32>,
      %parallel_loop3A_42 = arith.constant 16 : i32
      %parallel_loop3A_43 = arith.muli %parallel_loop3A_23, %parallel_loop3A_42 : i32
      %parallel_loop3A_44 = arith.constant 3 : i32
      %parallel_loop3A_45 = arith.index_cast %parallel_loop3A_44 : i32 to index
      %parallel_loop3A_46 = arith.index_cast %parallel_loop3A_43 : i32 to index
      %parallel_loop3A_47 = tpu.vector_load %arg8[%parallel_loop3A_45, %parallel_loop3A_46] {strides = array<i32>} : memref<16x2049xi32, #tpu.memory_space<vmem>>, vector<16xi32>,
      tpu.vector_store %arg8[%parallel_loop3A_45, %parallel_loop3A_46], %broadcast_in_dim3A_1 {strides = array<i32>} : memref<16x2049xi32, #tpu.memory_space<vmem>>, vector<16xi32>,
      %parallel_loop3A_48 = arith.constant 16 : i32
      %parallel_loop3A_49 = arith.muli %parallel_loop3A_23, %parallel_loop3A_48 : i32
      %parallel_loop3A_50 = arith.constant 4 : i32
      %parallel_loop3A_51 = arith.index_cast %parallel_loop3A_50 : i32 to index
      %parallel_loop3A_52 = arith.index_cast %parallel_loop3A_49 : i32 to index
      %parallel_loop3A_53 = tpu.vector_load %arg8[%parallel_loop3A_51, %parallel_loop3A_52] {strides = array<i32>} : memref<16x2049xi32, #tpu.memory_space<vmem>>, vector<16xi32>,
      tpu.vector_store %arg8[%parallel_loop3A_51, %parallel_loop3A_52], %broadcast_in_dim3A_1 {strides = array<i32>} : memref<16x2049xi32, #tpu.memory_space<vmem>>, vector<16xi32>,
      %parallel_loop3A_54 = arith.constant 16 : i32
      %parallel_loop3A_55 = arith.muli %parallel_loop3A_23, %parallel_loop3A_54 : i32
      %parallel_loop3A_56 = arith.constant 5 : i32
      %parallel_loop3A_57 = arith.index_cast %parallel_loop3A_56 : i32 to index
      %parallel_loop3A_58 = arith.index_cast %parallel_loop3A_55 : i32 to index
      %parallel_loop3A_59 = tpu.vector_load %arg8[%parallel_loop3A_57, %parallel_loop3A_58] {strides = array<i32>} : memref<16x2049xi32, #tpu.memory_space<vmem>>, vector<16xi32>,
      tpu.vector_store %arg8[%parallel_loop3A_57, %parallel_loop3A_58], %broadcast_in_dim3A_1 {strides = array<i32>} : memref<16x2049xi32, #tpu.memory_space<vmem>>, vector<16xi32>,
      %parallel_loop3A_60 = arith.constant 16 : i32
      %parallel_loop3A_61 = arith.muli %parallel_loop3A_23, %parallel_loop3A_60 : i32
      %parallel_loop3A_62 = arith.constant 6 : i32
      %parallel_loop3A_63 = arith.index_cast %parallel_loop3A_62 : i32 to index
      %parallel_loop3A_64 = arith.index_cast %parallel_loop3A_61 : i32 to index
      %parallel_loop3A_65 = tpu.vector_load %arg8[%parallel_loop3A_63, %parallel_loop3A_64] {strides = array<i32>} : memref<16x2049xi32, #tpu.memory_space<vmem>>, vector<16xi32>,
      tpu.vector_store %arg8[%parallel_loop3A_63, %parallel_loop3A_64], %broadcast_in_dim3A_1 {strides = array<i32>} : memref<16x2049xi32, #tpu.memory_space<vmem>>, vector<16xi32>,
      %parallel_loop3A_66 = arith.constant 16 : i32
      %parallel_loop3A_67 = arith.muli %parallel_loop3A_23, %parallel_loop3A_66 : i32
      %parallel_loop3A_68 = arith.constant 7 : i32
      %parallel_loop3A_69 = arith.index_cast %parallel_loop3A_68 : i32 to index
      %parallel_loop3A_70 = arith.index_cast %parallel_loop3A_67 : i32 to index
      %parallel_loop3A_71 = tpu.vector_load %arg8[%parallel_loop3A_69, %parallel_loop3A_70] {strides = array<i32>} : memref<16x2049xi32, #tpu.memory_space<vmem>>, vector<16xi32>,
      tpu.vector_store %arg8[%parallel_loop3A_69, %parallel_loop3A_70], %broadcast_in_dim3A_1 {strides = array<i32>} : memref<16x2049xi32, #tpu.memory_space<vmem>>, vector<16xi32>,
      %parallel_loop3A_72 = arith.constant 16 : i32
      %parallel_loop3A_73 = arith.muli %parallel_loop3A_23, %parallel_loop3A_72 : i32
      %parallel_loop3A_74 = arith.constant 8 : i32
      %parallel_loop3A_75 = arith.index_cast %parallel_loop3A_74 : i32 to index
      %parallel_loop3A_76 = arith.index_cast %parallel_loop3A_73 : i32 to index
      %parallel_loop3A_77 = tpu.vector_load %arg8[%parallel_loop3A_75, %parallel_loop3A_76] {strides = array<i32>} : memref<16x2049xi32, #tpu.memory_space<vmem>>, vector<16xi32>,
      tpu.vector_store %arg8[%parallel_loop3A_75, %parallel_loop3A_76], %broadcast_in_dim3A_1 {strides = array<i32>} : memref<16x2049xi32, #tpu.memory_space<vmem>>, vector<16xi32>,
      %parallel_loop3A_78 = arith.constant 16 : i32
      %parallel_loop3A_79 = arith.muli %parallel_loop3A_23, %parallel_loop3A_78 : i32
      %parallel_loop3A_80 = arith.constant 9 : i32
      %parallel_loop3A_81 = arith.index_cast %parallel_loop3A_80 : i32 to index
      %parallel_loop3A_82 = arith.index_cast %parallel_loop3A_79 : i32 to index
      %parallel_loop3A_83 = tpu.vector_load %arg8[%parallel_loop3A_81, %parallel_loop3A_82] {strides = array<i32>} : memref<16x2049xi32, #tpu.memory_space<vmem>>, vector<16xi32>,
      tpu.vector_store %arg8[%parallel_loop3A_81, %parallel_loop3A_82], %broadcast_in_dim3A_1 {strides = array<i32>} : memref<16x2049xi32, #tpu.memory_space<vmem>>, vector<16xi32>,
      %parallel_loop3A_84 = arith.constant 16 : i32
      %parallel_loop3A_85 = arith.muli %parallel_loop3A_23, %parallel_loop3A_84 : i32
      %parallel_loop3A_86 = arith.constant 10 : i32
      %parallel_loop3A_87 = arith.index_cast %parallel_loop3A_86 : i32 to index
      %parallel_loop3A_88 = arith.index_cast %parallel_loop3A_85 : i32 to index
      %parallel_loop3A_89 = tpu.vector_load %arg8[%parallel_loop3A_87, %parallel_loop3A_88] {strides = array<i32>} : memref<16x2049xi32, #tpu.memory_space<vmem>>, vector<16xi32>,
      tpu.vector_store %arg8[%parallel_loop3A_87, %parallel_loop3A_88], %broadcast_in_dim3A_1 {strides = array<i32>} : memref<16x2049xi32, #tpu.memory_space<vmem>>, vector<16xi32>,
      %parallel_loop3A_90 = arith.constant 16 : i32
      %parallel_loop3A_91 = arith.muli %parallel_loop3A_23, %parallel_loop3A_90 : i32
      %parallel_loop3A_92 = arith.constant 11 : i32
      %parallel_loop3A_93 = arith.index_cast %parallel_loop3A_92 : i32 to index
      %parallel_loop3A_94 = arith.index_cast %parallel_loop3A_91 : i32 to index
      %parallel_loop3A_95 = tpu.vector_load %arg8[%parallel_loop3A_93, %parallel_loop3A_94] {strides = array<i32>} : memref<16x2049xi32, #tpu.memory_space<vmem>>, vector<16xi32>,
      tpu.vector_store %arg8[%parallel_loop3A_93, %parallel_loop3A_94], %broadcast_in_dim3A_1 {strides = array<i32>} : memref<16x2049xi32, #tpu.memory_space<vmem>>, vector<16xi32>,
      %parallel_loop3A_96 = arith.constant 16 : i32
      %parallel_loop3A_97 = arith.muli %parallel_loop3A_23, %parallel_loop3A_96 : i32
      %parallel_loop3A_98 = arith.constant 12 : i32
      %parallel_loop3A_99 = arith.index_cast %parallel_loop3A_98 : i32 to index
      %parallel_loop3A_100 = arith.index_cast %parallel_loop3A_97 : i32 to index
      %parallel_loop3A_101 = tpu.vector_load %arg8[%parallel_loop3A_99, %parallel_loop3A_100] {strides = array<i32>} : memref<16x2049xi32, #tpu.memory_space<vmem>>, vector<16xi32>,
      tpu.vector_store %arg8[%parallel_loop3A_99, %parallel_loop3A_100], %broadcast_in_dim3A_1 {strides = array<i32>} : memref<16x2049xi32, #tpu.memory_space<vmem>>, vector<16xi32>,
      %parallel_loop3A_102 = arith.constant 16 : i32
      %parallel_loop3A_103 = arith.muli %parallel_loop3A_23, %parallel_loop3A_102 : i32
      %parallel_loop3A_104 = arith.constant 13 : i32
      %parallel_loop3A_105 = arith.index_cast %parallel_loop3A_104 : i32 to index
      %parallel_loop3A_106 = arith.index_cast %parallel_loop3A_103 : i32 to index
      %parallel_loop3A_107 = tpu.vector_load %arg8[%parallel_loop3A_105, %parallel_loop3A_106] {strides = array<i32>} : memref<16x2049xi32, #tpu.memory_space<vmem>>, vector<16xi32>,
      tpu.vector_store %arg8[%parallel_loop3A_105, %parallel_loop3A_106], %broadcast_in_dim3A_1 {strides = array<i32>} : memref<16x2049xi32, #tpu.memory_space<vmem>>, vector<16xi32>,
      %parallel_loop3A_108 = arith.constant 16 : i32
      %parallel_loop3A_109 = arith.muli %parallel_loop3A_23, %parallel_loop3A_108 : i32
      %parallel_loop3A_110 = arith.constant 14 : i32
      %parallel_loop3A_111 = arith.index_cast %parallel_loop3A_110 : i32 to index
      %parallel_loop3A_112 = arith.index_cast %parallel_loop3A_109 : i32 to index
      %parallel_loop3A_113 = tpu.vector_load %arg8[%parallel_loop3A_111, %parallel_loop3A_112] {strides = array<i32>} : memref<16x2049xi32, #tpu.memory_space<vmem>>, vector<16xi32>,
      tpu.vector_store %arg8[%parallel_loop3A_111, %parallel_loop3A_112], %broadcast_in_dim3A_1 {strides = array<i32>} : memref<16x2049xi32, #tpu.memory_space<vmem>>, vector<16xi32>,
      %parallel_loop3A_114 = arith.constant 16 : i32
      %parallel_loop3A_115 = arith.muli %parallel_loop3A_23, %parallel_loop3A_114 : i32
      %parallel_loop3A_116 = arith.constant 15 : i32
      %parallel_loop3A_117 = arith.index_cast %parallel_loop3A_116 : i32 to index
      %parallel_loop3A_118 = arith.index_cast %parallel_loop3A_115 : i32 to index
      %parallel_loop3A_119 = tpu.vector_load %arg8[%parallel_loop3A_117, %parallel_loop3A_118] {strides = array<i32>} : memref<16x2049xi32, #tpu.memory_space<vmem>>, vector<16xi32>,
      tpu.vector_store %arg8[%parallel_loop3A_117, %parallel_loop3A_118], %broadcast_in_dim3A_1 {strides = array<i32>} : memref<16x2049xi32, #tpu.memory_space<vmem>>, vector<16xi32>,
    } {sc.loop_unroll_factor = 2 : i64, sc.parallel_access}
    "tpu.region"() ({
      %run_scoped3A = tpu.sem_alloc : memref<!tpu.dma_semaphore, #tpu.memory_space<semaphore_mem>>
      %dma_start3A_23 = arith.constant 0 : i32
      %dma_start3A_24 = tpu.memref_slice %arg3[%dma_start3A_23] : memref<128xi32, #tpu.memory_space<hbm>> -> memref<16xi32, #tpu.memory_space<hbm>>
      %dma_start3A_25 = arith.constant 0 : i32
      %dma_start3A_26 = tpu.memref_slice %arg3[%dma_start3A_25] : memref<128xi32, #tpu.memory_space<hbm>> -> memref<16xi32, #tpu.memory_space<hbm>>
      tpu.enqueue_dma source(%dma_start3A_26 : memref<16xi32, #tpu.memory_space<hbm>>) target(%arg7 : memref<16xi32, #tpu.memory_space<vmem>>) target_semaphore(%run_scoped3A : memref<!tpu.dma_semaphore, #tpu.memory_space<semaphore_mem>>)
      %dma_wait3A_27 = arith.constant 0 : i32
      %dma_wait3A_28 = tpu.memref_slice %arg3[%dma_wait3A_27] : memref<128xi32, #tpu.memory_space<hbm>> -> memref<16xi32, #tpu.memory_space<hbm>>
      %dma_wait3A_29 = arith.constant 0 : i32
      %dma_wait3A_30 = tpu.memref_slice %arg3[%dma_wait3A_29] : memref<128xi32, #tpu.memory_space<hbm>> -> memref<16xi32, #tpu.memory_space<hbm>>
      tpu.wait_dma2 semaphore(%run_scoped3A : memref<!tpu.dma_semaphore, #tpu.memory_space<semaphore_mem>>) src(%dma_wait3A_30 : memref<16xi32, #tpu.memory_space<hbm>>) dst(%arg7 : memref<16xi32, #tpu.memory_space<vmem>>)
      tpu.yield
    }) : () -> ()
    %get3A = arith.constant 0 : index
    %get3A_4 = tpu.vector_load %arg7[%get3A] {strides = array<i32>} : memref<16xi32, #tpu.memory_space<vmem>>, vector<16xi32>,
    %iota3A = tpu.iota {dimensions = array<i32: 0>} : vector<16xi32>
    %broadcast_in_dim3A_5 = arith.constant 1 : i32
    %broadcast_in_dim3A_6 = vector.broadcast %broadcast_in_dim3A_5 : i32 to vector<16xi32>
    %mul3A_7 = arith.constant 65536 : i32
    %mul3A_8 = arith.muli %add3A, %mul3A_7 : i32
    %dma_start3A = tpu.memref_slice %arg2[%mul3A_8] : memref<2097152xi32, #tpu.memory_space<hbm>> -> memref<32768xi32, #tpu.memory_space<hbm>>
    %dma_start3A_9 = tpu.memref_slice %arg2[%mul3A_8] : memref<2097152xi32, #tpu.memory_space<hbm>> -> memref<32768xi32, #tpu.memory_space<hbm>>
    tpu.enqueue_dma source(%dma_start3A_9 : memref<32768xi32, #tpu.memory_space<hbm>>) target(%arg5 : memref<32768xi32, #tpu.memory_space<vmem>>) target_semaphore(%arg9 : memref<!tpu.dma_semaphore, #tpu.memory_space<semaphore_mem>>)
    %dma_wait3A = tpu.memref_slice %arg2[%mul3A_8] : memref<2097152xi32, #tpu.memory_space<hbm>> -> memref<32768xi32, #tpu.memory_space<hbm>>
    %dma_wait3A_10 = tpu.memref_slice %arg2[%mul3A_8] : memref<2097152xi32, #tpu.memory_space<hbm>> -> memref<32768xi32, #tpu.memory_space<hbm>>
    tpu.wait_dma2 semaphore(%arg9 : memref<!tpu.dma_semaphore, #tpu.memory_space<semaphore_mem>>) src(%dma_wait3A_10 : memref<32768xi32, #tpu.memory_space<hbm>>) dst(%arg5 : memref<32768xi32, #tpu.memory_space<vmem>>)
    %add3A_11 = arith.constant 32768 : i32
    %add3A_12 = arith.addi %mul3A_8, %add3A_11 : i32
    %dma_start3A_13 = tpu.memref_slice %arg2[%add3A_12] : memref<2097152xi32, #tpu.memory_space<hbm>> -> memref<32768xi32, #tpu.memory_space<hbm>>
    %dma_start3A_14 = tpu.memref_slice %arg2[%add3A_12] : memref<2097152xi32, #tpu.memory_space<hbm>> -> memref<32768xi32, #tpu.memory_space<hbm>>
    tpu.enqueue_dma source(%dma_start3A_14 : memref<32768xi32, #tpu.memory_space<hbm>>) target(%arg6 : memref<32768xi32, #tpu.memory_space<vmem>>) target_semaphore(%arg10 : memref<!tpu.dma_semaphore, #tpu.memory_space<semaphore_mem>>)
    %parallel_loop3A_15 = arith.constant 0 : i32
    %parallel_loop3A_16 = arith.constant 512 : i32
    %parallel_loop3A_17 = arith.constant 1 : i32
    scf.for %parallel_loop3A_23 = %parallel_loop3A_15 to %parallel_loop3A_16 step %parallel_loop3A_17  : i32 {
      %parallel_loop3A_24 = arith.constant 64 : i32
      %parallel_loop3A_25 = arith.muli %parallel_loop3A_23, %parallel_loop3A_24 : i32
      %parallel_loop3A_26 = arith.constant 0 : i32
      %parallel_loop3A_27 = arith.addi %parallel_loop3A_25, %parallel_loop3A_26 : i32
      %parallel_loop3A_28 = arith.index_cast %parallel_loop3A_27 : i32 to index
      %parallel_loop3A_29 = tpu.vector_load %arg5[%parallel_loop3A_28] {strides = array<i32>} : memref<32768xi32, #tpu.memory_space<vmem>>, vector<16xi32>,
      %parallel_loop3A_30 = arith.constant 20 : i32
      %parallel_loop3A_31 = vector.broadcast %parallel_loop3A_30 : i32 to vector<16xi32>
      %parallel_loop3A_32 = arith.shrui %parallel_loop3A_29, %parallel_loop3A_31 : vector<16xi32>
      %parallel_loop3A_33 = arith.cmpi eq, %parallel_loop3A_32, %get3A_4 : vector<16xi32>
      %parallel_loop3A_34 = arith.constant 9 : i32
      %parallel_loop3A_35 = vector.broadcast %parallel_loop3A_34 : i32 to vector<16xi32>
      %parallel_loop3A_36 = arith.shrui %parallel_loop3A_29, %parallel_loop3A_35 : vector<16xi32>
      %parallel_loop3A_37 = arith.constant 2047 : i32
      %parallel_loop3A_38 = vector.broadcast %parallel_loop3A_37 : i32 to vector<16xi32>
      %parallel_loop3A_39 = arith.andi %parallel_loop3A_36, %parallel_loop3A_38 : vector<16xi32>
      tpu.vector_store_idx %arg8[%iota3A, %parallel_loop3A_39], %broadcast_in_dim3A_6 masked %parallel_loop3A_33 {add = true} : memref<16x2049xi32, #tpu.memory_space<vmem>>[vector<16xi32>, vector<16xi32>], vector<16xi32>, vector<16xi1>
      %parallel_loop3A_40 = arith.constant 64 : i32
      %parallel_loop3A_41 = arith.muli %parallel_loop3A_23, %parallel_loop3A_40 : i32
      %parallel_loop3A_42 = arith.constant 16 : i32
      %parallel_loop3A_43 = arith.addi %parallel_loop3A_41, %parallel_loop3A_42 : i32
      %parallel_loop3A_44 = arith.index_cast %parallel_loop3A_43 : i32 to index
      %parallel_loop3A_45 = tpu.vector_load %arg5[%parallel_loop3A_44] {strides = array<i32>} : memref<32768xi32, #tpu.memory_space<vmem>>, vector<16xi32>,
      %parallel_loop3A_46 = arith.constant 20 : i32
      %parallel_loop3A_47 = vector.broadcast %parallel_loop3A_46 : i32 to vector<16xi32>
      %parallel_loop3A_48 = arith.shrui %parallel_loop3A_45, %parallel_loop3A_47 : vector<16xi32>
      %parallel_loop3A_49 = arith.cmpi eq, %parallel_loop3A_48, %get3A_4 : vector<16xi32>
      %parallel_loop3A_50 = arith.constant 9 : i32
      %parallel_loop3A_51 = vector.broadcast %parallel_loop3A_50 : i32 to vector<16xi32>
      %parallel_loop3A_52 = arith.shrui %parallel_loop3A_45, %parallel_loop3A_51 : vector<16xi32>
      %parallel_loop3A_53 = arith.constant 2047 : i32
      %parallel_loop3A_54 = vector.broadcast %parallel_loop3A_53 : i32 to vector<16xi32>
      %parallel_loop3A_55 = arith.andi %parallel_loop3A_52, %parallel_loop3A_54 : vector<16xi32>
      tpu.vector_store_idx %arg8[%iota3A, %parallel_loop3A_55], %broadcast_in_dim3A_6 masked %parallel_loop3A_49 {add = true} : memref<16x2049xi32, #tpu.memory_space<vmem>>[vector<16xi32>, vector<16xi32>], vector<16xi32>, vector<16xi1>
      %parallel_loop3A_56 = arith.constant 64 : i32
      %parallel_loop3A_57 = arith.muli %parallel_loop3A_23, %parallel_loop3A_56 : i32
      %parallel_loop3A_58 = arith.constant 32 : i32
      %parallel_loop3A_59 = arith.addi %parallel_loop3A_57, %parallel_loop3A_58 : i32
      %parallel_loop3A_60 = arith.index_cast %parallel_loop3A_59 : i32 to index
      %parallel_loop3A_61 = tpu.vector_load %arg5[%parallel_loop3A_60] {strides = array<i32>} : memref<32768xi32, #tpu.memory_space<vmem>>, vector<16xi32>,
      %parallel_loop3A_62 = arith.constant 20 : i32
      %parallel_loop3A_63 = vector.broadcast %parallel_loop3A_62 : i32 to vector<16xi32>
      %parallel_loop3A_64 = arith.shrui %parallel_loop3A_61, %parallel_loop3A_63 : vector<16xi32>
      %parallel_loop3A_65 = arith.cmpi eq, %parallel_loop3A_64, %get3A_4 : vector<16xi32>
      %parallel_loop3A_66 = arith.constant 9 : i32
      %parallel_loop3A_67 = vector.broadcast %parallel_loop3A_66 : i32 to vector<16xi32>
      %parallel_loop3A_68 = arith.shrui %parallel_loop3A_61, %parallel_loop3A_67 : vector<16xi32>
      %parallel_loop3A_69 = arith.constant 2047 : i32
      %parallel_loop3A_70 = vector.broadcast %parallel_loop3A_69 : i32 to vector<16xi32>
      %parallel_loop3A_71 = arith.andi %parallel_loop3A_68, %parallel_loop3A_70 : vector<16xi32>
      tpu.vector_store_idx %arg8[%iota3A, %parallel_loop3A_71], %broadcast_in_dim3A_6 masked %parallel_loop3A_65 {add = true} : memref<16x2049xi32, #tpu.memory_space<vmem>>[vector<16xi32>, vector<16xi32>], vector<16xi32>, vector<16xi1>
      %parallel_loop3A_72 = arith.constant 64 : i32
      %parallel_loop3A_73 = arith.muli %parallel_loop3A_23, %parallel_loop3A_72 : i32
      %parallel_loop3A_74 = arith.constant 48 : i32
      %parallel_loop3A_75 = arith.addi %parallel_loop3A_73, %parallel_loop3A_74 : i32
      %parallel_loop3A_76 = arith.index_cast %parallel_loop3A_75 : i32 to index
      %parallel_loop3A_77 = tpu.vector_load %arg5[%parallel_loop3A_76] {strides = array<i32>} : memref<32768xi32, #tpu.memory_space<vmem>>, vector<16xi32>,
      %parallel_loop3A_78 = arith.constant 20 : i32
      %parallel_loop3A_79 = vector.broadcast %parallel_loop3A_78 : i32 to vector<16xi32>
      %parallel_loop3A_80 = arith.shrui %parallel_loop3A_77, %parallel_loop3A_79 : vector<16xi32>
      %parallel_loop3A_81 = arith.cmpi eq, %parallel_loop3A_80, %get3A_4 : vector<16xi32>
      %parallel_loop3A_82 = arith.constant 9 : i32
      %parallel_loop3A_83 = vector.broadcast %parallel_loop3A_82 : i32 to vector<16xi32>
      %parallel_loop3A_84 = arith.shrui %parallel_loop3A_77, %parallel_loop3A_83 : vector<16xi32>
      %parallel_loop3A_85 = arith.constant 2047 : i32
      %parallel_loop3A_86 = vector.broadcast %parallel_loop3A_85 : i32 to vector<16xi32>
      %parallel_loop3A_87 = arith.andi %parallel_loop3A_84, %parallel_loop3A_86 : vector<16xi32>
      tpu.vector_store_idx %arg8[%iota3A, %parallel_loop3A_87], %broadcast_in_dim3A_6 masked %parallel_loop3A_81 {add = true} : memref<16x2049xi32, #tpu.memory_space<vmem>>[vector<16xi32>, vector<16xi32>], vector<16xi32>, vector<16xi1>
    } {sc.loop_unroll_factor = 4 : i64, sc.parallel_access}
    %dma_wait3A_18 = tpu.memref_slice %arg2[%add3A_12] : memref<2097152xi32, #tpu.memory_space<hbm>> -> memref<32768xi32, #tpu.memory_space<hbm>>
    %dma_wait3A_19 = tpu.memref_slice %arg2[%add3A_12] : memref<2097152xi32, #tpu.memory_space<hbm>> -> memref<32768xi32, #tpu.memory_space<hbm>>
    tpu.wait_dma2 semaphore(%arg10 : memref<!tpu.dma_semaphore, #tpu.memory_space<semaphore_mem>>) src(%dma_wait3A_19 : memref<32768xi32, #tpu.memory_space<hbm>>) dst(%arg6 : memref<32768xi32, #tpu.memory_space<vmem>>)
    %parallel_loop3A_20 = arith.constant 0 : i32
    %parallel_loop3A_21 = arith.constant 512 : i32
    %parallel_loop3A_22 = arith.constant 1 : i32
    scf.for %parallel_loop3A_23 = %parallel_loop3A_20 to %parallel_loop3A_21 step %parallel_loop3A_22  : i32 {
      %parallel_loop3A_24 = arith.constant 64 : i32
      %parallel_loop3A_25 = arith.muli %parallel_loop3A_23, %parallel_loop3A_24 : i32
      %parallel_loop3A_26 = arith.constant 0 : i32
      %parallel_loop3A_27 = arith.addi %parallel_loop3A_25, %parallel_loop3A_26 : i32
      %parallel_loop3A_28 = arith.index_cast %parallel_loop3A_27 : i32 to index
      %parallel_loop3A_29 = tpu.vector_load %arg6[%parallel_loop3A_28] {strides = array<i32>} : memref<32768xi32, #tpu.memory_space<vmem>>, vector<16xi32>,
      %parallel_loop3A_30 = arith.constant 20 : i32
      %parallel_loop3A_31 = vector.broadcast %parallel_loop3A_30 : i32 to vector<16xi32>
      %parallel_loop3A_32 = arith.shrui %parallel_loop3A_29, %parallel_loop3A_31 : vector<16xi32>
      %parallel_loop3A_33 = arith.cmpi eq, %parallel_loop3A_32, %get3A_4 : vector<16xi32>
      %parallel_loop3A_34 = arith.constant 9 : i32
      %parallel_loop3A_35 = vector.broadcast %parallel_loop3A_34 : i32 to vector<16xi32>
      %parallel_loop3A_36 = arith.shrui %parallel_loop3A_29, %parallel_loop3A_35 : vector<16xi32>
      %parallel_loop3A_37 = arith.constant 2047 : i32
      %parallel_loop3A_38 = vector.broadcast %parallel_loop3A_37 : i32 to vector<16xi32>
      %parallel_loop3A_39 = arith.andi %parallel_loop3A_36, %parallel_loop3A_38 : vector<16xi32>
      tpu.vector_store_idx %arg8[%iota3A, %parallel_loop3A_39], %broadcast_in_dim3A_6 masked %parallel_loop3A_33 {add = true} : memref<16x2049xi32, #tpu.memory_space<vmem>>[vector<16xi32>, vector<16xi32>], vector<16xi32>, vector<16xi1>
      %parallel_loop3A_40 = arith.constant 64 : i32
      %parallel_loop3A_41 = arith.muli %parallel_loop3A_23, %parallel_loop3A_40 : i32
      %parallel_loop3A_42 = arith.constant 16 : i32
      %parallel_loop3A_43 = arith.addi %parallel_loop3A_41, %parallel_loop3A_42 : i32
      %parallel_loop3A_44 = arith.index_cast %parallel_loop3A_43 : i32 to index
      %parallel_loop3A_45 = tpu.vector_load %arg6[%parallel_loop3A_44] {strides = array<i32>} : memref<32768xi32, #tpu.memory_space<vmem>>, vector<16xi32>,
      %parallel_loop3A_46 = arith.constant 20 : i32
      %parallel_loop3A_47 = vector.broadcast %parallel_loop3A_46 : i32 to vector<16xi32>
      %parallel_loop3A_48 = arith.shrui %parallel_loop3A_45, %parallel_loop3A_47 : vector<16xi32>
      %parallel_loop3A_49 = arith.cmpi eq, %parallel_loop3A_48, %get3A_4 : vector<16xi32>
      %parallel_loop3A_50 = arith.constant 9 : i32
      %parallel_loop3A_51 = vector.broadcast %parallel_loop3A_50 : i32 to vector<16xi32>
      %parallel_loop3A_52 = arith.shrui %parallel_loop3A_45, %parallel_loop3A_51 : vector<16xi32>
      %parallel_loop3A_53 = arith.constant 2047 : i32
      %parallel_loop3A_54 = vector.broadcast %parallel_loop3A_53 : i32 to vector<16xi32>
      %parallel_loop3A_55 = arith.andi %parallel_loop3A_52, %parallel_loop3A_54 : vector<16xi32>
      tpu.vector_store_idx %arg8[%iota3A, %parallel_loop3A_55], %broadcast_in_dim3A_6 masked %parallel_loop3A_49 {add = true} : memref<16x2049xi32, #tpu.memory_space<vmem>>[vector<16xi32>, vector<16xi32>], vector<16xi32>, vector<16xi1>
      %parallel_loop3A_56 = arith.constant 64 : i32
      %parallel_loop3A_57 = arith.muli %parallel_loop3A_23, %parallel_loop3A_56 : i32
      %parallel_loop3A_58 = arith.constant 32 : i32
      %parallel_loop3A_59 = arith.addi %parallel_loop3A_57, %parallel_loop3A_58 : i32
      %parallel_loop3A_60 = arith.index_cast %parallel_loop3A_59 : i32 to index
      %parallel_loop3A_61 = tpu.vector_load %arg6[%parallel_loop3A_60] {strides = array<i32>} : memref<32768xi32, #tpu.memory_space<vmem>>, vector<16xi32>,
      %parallel_loop3A_62 = arith.constant 20 : i32
      %parallel_loop3A_63 = vector.broadcast %parallel_loop3A_62 : i32 to vector<16xi32>
      %parallel_loop3A_64 = arith.shrui %parallel_loop3A_61, %parallel_loop3A_63 : vector<16xi32>
      %parallel_loop3A_65 = arith.cmpi eq, %parallel_loop3A_64, %get3A_4 : vector<16xi32>
      %parallel_loop3A_66 = arith.constant 9 : i32
      %parallel_loop3A_67 = vector.broadcast %parallel_loop3A_66 : i32 to vector<16xi32>
      %parallel_loop3A_68 = arith.shrui %parallel_loop3A_61, %parallel_loop3A_67 : vector<16xi32>
      %parallel_loop3A_69 = arith.constant 2047 : i32
      %parallel_loop3A_70 = vector.broadcast %parallel_loop3A_69 : i32 to vector<16xi32>
      %parallel_loop3A_71 = arith.andi %parallel_loop3A_68, %parallel_loop3A_70 : vector<16xi32>
      tpu.vector_store_idx %arg8[%iota3A, %parallel_loop3A_71], %broadcast_in_dim3A_6 masked %parallel_loop3A_65 {add = true} : memref<16x2049xi32, #tpu.memory_space<vmem>>[vector<16xi32>, vector<16xi32>], vector<16xi32>, vector<16xi1>
      %parallel_loop3A_72 = arith.constant 64 : i32
      %parallel_loop3A_73 = arith.muli %parallel_loop3A_23, %parallel_loop3A_72 : i32
      %parallel_loop3A_74 = arith.constant 48 : i32
      %parallel_loop3A_75 = arith.addi %parallel_loop3A_73, %parallel_loop3A_74 : i32
      %parallel_loop3A_76 = arith.index_cast %parallel_loop3A_75 : i32 to index
      %parallel_loop3A_77 = tpu.vector_load %arg6[%parallel_loop3A_76] {strides = array<i32>} : memref<32768xi32, #tpu.memory_space<vmem>>, vector<16xi32>,
      %parallel_loop3A_78 = arith.constant 20 : i32
      %parallel_loop3A_79 = vector.broadcast %parallel_loop3A_78 : i32 to vector<16xi32>
      %parallel_loop3A_80 = arith.shrui %parallel_loop3A_77, %parallel_loop3A_79 : vector<16xi32>
      %parallel_loop3A_81 = arith.cmpi eq, %parallel_loop3A_80, %get3A_4 : vector<16xi32>
      %parallel_loop3A_82 = arith.constant 9 : i32
      %parallel_loop3A_83 = vector.broadcast %parallel_loop3A_82 : i32 to vector<16xi32>
      %parallel_loop3A_84 = arith.shrui %parallel_loop3A_77, %parallel_loop3A_83 : vector<16xi32>
      %parallel_loop3A_85 = arith.constant 2047 : i32
      %parallel_loop3A_86 = vector.broadcast %parallel_loop3A_85 : i32 to vector<16xi32>
      %parallel_loop3A_87 = arith.andi %parallel_loop3A_84, %parallel_loop3A_86 : vector<16xi32>
      tpu.vector_store_idx %arg8[%iota3A, %parallel_loop3A_87], %broadcast_in_dim3A_6 masked %parallel_loop3A_81 {add = true} : memref<16x2049xi32, #tpu.memory_space<vmem>>[vector<16xi32>, vector<16xi32>], vector<16xi32>, vector<16xi1>
    } {sc.loop_unroll_factor = 4 : i64, sc.parallel_access}
    "tpu.region"() ({
      %run_scoped3A = tpu.sem_alloc : memref<!tpu.dma_semaphore, #tpu.memory_space<semaphore_mem>>
      %dma_start3A_23 = arith.constant 0 : i32
      %dma_start3A_24 = arith.constant 0 : i32
      %dma_start3A_25 = tpu.memref_slice %arg4[%add3A, %dma_start3A_23, %dma_start3A_24] : memref<32x16x2049xi32, #tpu.memory_space<hbm>> -> memref<1x16x2049xi32, #tpu.memory_space<hbm>>
      %dma_start3A_26 = tpu.memref_squeeze %dma_start3A_25 : memref<1x16x2049xi32, #tpu.memory_space<hbm>> -> memref<16x2049xi32, #tpu.memory_space<hbm>>
      %dma_start3A_27 = arith.constant 0 : i32
      %dma_start3A_28 = arith.constant 0 : i32
      %dma_start3A_29 = tpu.memref_slice %arg4[%add3A, %dma_start3A_27, %dma_start3A_28] : memref<32x16x2049xi32, #tpu.memory_space<hbm>> -> memref<1x16x2049xi32, #tpu.memory_space<hbm>>
      %dma_start3A_30 = tpu.memref_squeeze %dma_start3A_29 : memref<1x16x2049xi32, #tpu.memory_space<hbm>> -> memref<16x2049xi32, #tpu.memory_space<hbm>>
      tpu.enqueue_dma source(%arg8 : memref<16x2049xi32, #tpu.memory_space<vmem>>) target(%dma_start3A_30 : memref<16x2049xi32, #tpu.memory_space<hbm>>) target_semaphore(%run_scoped3A : memref<!tpu.dma_semaphore, #tpu.memory_space<semaphore_mem>>)
      %dma_wait3A_31 = arith.constant 0 : i32
      %dma_wait3A_32 = arith.constant 0 : i32
      %dma_wait3A_33 = tpu.memref_slice %arg4[%add3A, %dma_wait3A_31, %dma_wait3A_32] : memref<32x16x2049xi32, #tpu.memory_space<hbm>> -> memref<1x16x2049xi32, #tpu.memory_space<hbm>>
      %dma_wait3A_34 = tpu.memref_squeeze %dma_wait3A_33 : memref<1x16x2049xi32, #tpu.memory_space<hbm>> -> memref<16x2049xi32, #tpu.memory_space<hbm>>
      %dma_wait3A_35 = arith.constant 0 : i32
      %dma_wait3A_36 = arith.constant 0 : i32
      %dma_wait3A_37 = tpu.memref_slice %arg4[%add3A, %dma_wait3A_35, %dma_wait3A_36] : memref<32x16x2049xi32, #tpu.memory_space<hbm>> -> memref<1x16x2049xi32, #tpu.memory_space<hbm>>
      %dma_wait3A_38 = tpu.memref_squeeze %dma_wait3A_37 : memref<1x16x2049xi32, #tpu.memory_space<hbm>> -> memref<16x2049xi32, #tpu.memory_space<hbm>>
      tpu.wait_dma2 semaphore(%run_scoped3A : memref<!tpu.dma_semaphore, #tpu.memory_space<semaphore_mem>>) src(%arg8 : memref<16x2049xi32, #tpu.memory_space<vmem>>) dst(%dma_wait3A_38 : memref<16x2049xi32, #tpu.memory_space<hbm>>)
      tpu.yield
    }) : () -> ()
    return
  }
}

#map = affine_map<(d0, d1) -> (0)>
#map1 = affine_map<(d0, d1) -> (0, 0, 0)>
module attributes {stable_mosaic.version = 14 : i64} {
  func.func @_hist1_body(%arg0: i32, %arg1: i32, %arg2: memref<2097152xi32, #tpu.memory_space<hbm>>, %arg3: memref<32x16x2049xi32, #tpu.memory_space<hbm>>, %arg4: memref<32768xi32, #tpu.memory_space<vmem>>, %arg5: memref<32768xi32, #tpu.memory_space<vmem>>, %arg6: memref<16x2049xi32, #tpu.memory_space<vmem>>, %arg7: memref<!tpu.dma_semaphore, #tpu.memory_space<semaphore_mem>>, %arg8: memref<!tpu.dma_semaphore, #tpu.memory_space<semaphore_mem>>) attributes {dimension_semantics = [#tpu.dimension_semantics<core_parallel>, #tpu.dimension_semantics<subcore_parallel>], iteration_bounds = array<i64: 2, 16>, scalar_prefetch = 0 : i64, scratch_operands = 5 : i64, tpu.core_type = #tpu.core_type<sc_vector_subcore>, window_params = [{transform_indices = #map}, {transform_indices = #map1}]} {
    %mul3A = arith.constant 2 : i32
    %mul3A_0 = arith.muli %arg1, %mul3A : i32
    %add3A = arith.addi %mul3A_0, %arg0 : i32
    %broadcast_in_dim3A = arith.constant 0 : i32
    %broadcast_in_dim3A_1 = vector.broadcast %broadcast_in_dim3A : i32 to vector<16xi32>
    %parallel_loop3A = arith.constant 0 : i32
    %parallel_loop3A_2 = arith.constant 128 : i32
    %parallel_loop3A_3 = arith.constant 1 : i32
    scf.for %parallel_loop3A_22 = %parallel_loop3A to %parallel_loop3A_2 step %parallel_loop3A_3  : i32 {
      %parallel_loop3A_23 = arith.constant 16 : i32
      %parallel_loop3A_24 = arith.muli %parallel_loop3A_22, %parallel_loop3A_23 : i32
      %parallel_loop3A_25 = arith.constant 0 : i32
      %parallel_loop3A_26 = arith.index_cast %parallel_loop3A_25 : i32 to index
      %parallel_loop3A_27 = arith.index_cast %parallel_loop3A_24 : i32 to index
      %parallel_loop3A_28 = tpu.vector_load %arg6[%parallel_loop3A_26, %parallel_loop3A_27] {strides = array<i32>} : memref<16x2049xi32, #tpu.memory_space<vmem>>, vector<16xi32>,
      tpu.vector_store %arg6[%parallel_loop3A_26, %parallel_loop3A_27], %broadcast_in_dim3A_1 {strides = array<i32>} : memref<16x2049xi32, #tpu.memory_space<vmem>>, vector<16xi32>,
      %parallel_loop3A_29 = arith.constant 16 : i32
      %parallel_loop3A_30 = arith.muli %parallel_loop3A_22, %parallel_loop3A_29 : i32
      %parallel_loop3A_31 = arith.constant 1 : i32
      %parallel_loop3A_32 = arith.index_cast %parallel_loop3A_31 : i32 to index
      %parallel_loop3A_33 = arith.index_cast %parallel_loop3A_30 : i32 to index
      %parallel_loop3A_34 = tpu.vector_load %arg6[%parallel_loop3A_32, %parallel_loop3A_33] {strides = array<i32>} : memref<16x2049xi32, #tpu.memory_space<vmem>>, vector<16xi32>,
      tpu.vector_store %arg6[%parallel_loop3A_32, %parallel_loop3A_33], %broadcast_in_dim3A_1 {strides = array<i32>} : memref<16x2049xi32, #tpu.memory_space<vmem>>, vector<16xi32>,
      %parallel_loop3A_35 = arith.constant 16 : i32
      %parallel_loop3A_36 = arith.muli %parallel_loop3A_22, %parallel_loop3A_35 : i32
      %parallel_loop3A_37 = arith.constant 2 : i32
      %parallel_loop3A_38 = arith.index_cast %parallel_loop3A_37 : i32 to index
      %parallel_loop3A_39 = arith.index_cast %parallel_loop3A_36 : i32 to index
      %parallel_loop3A_40 = tpu.vector_load %arg6[%parallel_loop3A_38, %parallel_loop3A_39] {strides = array<i32>} : memref<16x2049xi32, #tpu.memory_space<vmem>>, vector<16xi32>,
      tpu.vector_store %arg6[%parallel_loop3A_38, %parallel_loop3A_39], %broadcast_in_dim3A_1 {strides = array<i32>} : memref<16x2049xi32, #tpu.memory_space<vmem>>, vector<16xi32>,
      %parallel_loop3A_41 = arith.constant 16 : i32
      %parallel_loop3A_42 = arith.muli %parallel_loop3A_22, %parallel_loop3A_41 : i32
      %parallel_loop3A_43 = arith.constant 3 : i32
      %parallel_loop3A_44 = arith.index_cast %parallel_loop3A_43 : i32 to index
      %parallel_loop3A_45 = arith.index_cast %parallel_loop3A_42 : i32 to index
      %parallel_loop3A_46 = tpu.vector_load %arg6[%parallel_loop3A_44, %parallel_loop3A_45] {strides = array<i32>} : memref<16x2049xi32, #tpu.memory_space<vmem>>, vector<16xi32>,
      tpu.vector_store %arg6[%parallel_loop3A_44, %parallel_loop3A_45], %broadcast_in_dim3A_1 {strides = array<i32>} : memref<16x2049xi32, #tpu.memory_space<vmem>>, vector<16xi32>,
      %parallel_loop3A_47 = arith.constant 16 : i32
      %parallel_loop3A_48 = arith.muli %parallel_loop3A_22, %parallel_loop3A_47 : i32
      %parallel_loop3A_49 = arith.constant 4 : i32
      %parallel_loop3A_50 = arith.index_cast %parallel_loop3A_49 : i32 to index
      %parallel_loop3A_51 = arith.index_cast %parallel_loop3A_48 : i32 to index
      %parallel_loop3A_52 = tpu.vector_load %arg6[%parallel_loop3A_50, %parallel_loop3A_51] {strides = array<i32>} : memref<16x2049xi32, #tpu.memory_space<vmem>>, vector<16xi32>,
      tpu.vector_store %arg6[%parallel_loop3A_50, %parallel_loop3A_51], %broadcast_in_dim3A_1 {strides = array<i32>} : memref<16x2049xi32, #tpu.memory_space<vmem>>, vector<16xi32>,
      %parallel_loop3A_53 = arith.constant 16 : i32
      %parallel_loop3A_54 = arith.muli %parallel_loop3A_22, %parallel_loop3A_53 : i32
      %parallel_loop3A_55 = arith.constant 5 : i32
      %parallel_loop3A_56 = arith.index_cast %parallel_loop3A_55 : i32 to index
      %parallel_loop3A_57 = arith.index_cast %parallel_loop3A_54 : i32 to index
      %parallel_loop3A_58 = tpu.vector_load %arg6[%parallel_loop3A_56, %parallel_loop3A_57] {strides = array<i32>} : memref<16x2049xi32, #tpu.memory_space<vmem>>, vector<16xi32>,
      tpu.vector_store %arg6[%parallel_loop3A_56, %parallel_loop3A_57], %broadcast_in_dim3A_1 {strides = array<i32>} : memref<16x2049xi32, #tpu.memory_space<vmem>>, vector<16xi32>,
      %parallel_loop3A_59 = arith.constant 16 : i32
      %parallel_loop3A_60 = arith.muli %parallel_loop3A_22, %parallel_loop3A_59 : i32
      %parallel_loop3A_61 = arith.constant 6 : i32
      %parallel_loop3A_62 = arith.index_cast %parallel_loop3A_61 : i32 to index
      %parallel_loop3A_63 = arith.index_cast %parallel_loop3A_60 : i32 to index
      %parallel_loop3A_64 = tpu.vector_load %arg6[%parallel_loop3A_62, %parallel_loop3A_63] {strides = array<i32>} : memref<16x2049xi32, #tpu.memory_space<vmem>>, vector<16xi32>,
      tpu.vector_store %arg6[%parallel_loop3A_62, %parallel_loop3A_63], %broadcast_in_dim3A_1 {strides = array<i32>} : memref<16x2049xi32, #tpu.memory_space<vmem>>, vector<16xi32>,
      %parallel_loop3A_65 = arith.constant 16 : i32
      %parallel_loop3A_66 = arith.muli %parallel_loop3A_22, %parallel_loop3A_65 : i32
      %parallel_loop3A_67 = arith.constant 7 : i32
      %parallel_loop3A_68 = arith.index_cast %parallel_loop3A_67 : i32 to index
      %parallel_loop3A_69 = arith.index_cast %parallel_loop3A_66 : i32 to index
      %parallel_loop3A_70 = tpu.vector_load %arg6[%parallel_loop3A_68, %parallel_loop3A_69] {strides = array<i32>} : memref<16x2049xi32, #tpu.memory_space<vmem>>, vector<16xi32>,
      tpu.vector_store %arg6[%parallel_loop3A_68, %parallel_loop3A_69], %broadcast_in_dim3A_1 {strides = array<i32>} : memref<16x2049xi32, #tpu.memory_space<vmem>>, vector<16xi32>,
      %parallel_loop3A_71 = arith.constant 16 : i32
      %parallel_loop3A_72 = arith.muli %parallel_loop3A_22, %parallel_loop3A_71 : i32
      %parallel_loop3A_73 = arith.constant 8 : i32
      %parallel_loop3A_74 = arith.index_cast %parallel_loop3A_73 : i32 to index
      %parallel_loop3A_75 = arith.index_cast %parallel_loop3A_72 : i32 to index
      %parallel_loop3A_76 = tpu.vector_load %arg6[%parallel_loop3A_74, %parallel_loop3A_75] {strides = array<i32>} : memref<16x2049xi32, #tpu.memory_space<vmem>>, vector<16xi32>,
      tpu.vector_store %arg6[%parallel_loop3A_74, %parallel_loop3A_75], %broadcast_in_dim3A_1 {strides = array<i32>} : memref<16x2049xi32, #tpu.memory_space<vmem>>, vector<16xi32>,
      %parallel_loop3A_77 = arith.constant 16 : i32
      %parallel_loop3A_78 = arith.muli %parallel_loop3A_22, %parallel_loop3A_77 : i32
      %parallel_loop3A_79 = arith.constant 9 : i32
      %parallel_loop3A_80 = arith.index_cast %parallel_loop3A_79 : i32 to index
      %parallel_loop3A_81 = arith.index_cast %parallel_loop3A_78 : i32 to index
      %parallel_loop3A_82 = tpu.vector_load %arg6[%parallel_loop3A_80, %parallel_loop3A_81] {strides = array<i32>} : memref<16x2049xi32, #tpu.memory_space<vmem>>, vector<16xi32>,
      tpu.vector_store %arg6[%parallel_loop3A_80, %parallel_loop3A_81], %broadcast_in_dim3A_1 {strides = array<i32>} : memref<16x2049xi32, #tpu.memory_space<vmem>>, vector<16xi32>,
      %parallel_loop3A_83 = arith.constant 16 : i32
      %parallel_loop3A_84 = arith.muli %parallel_loop3A_22, %parallel_loop3A_83 : i32
      %parallel_loop3A_85 = arith.constant 10 : i32
      %parallel_loop3A_86 = arith.index_cast %parallel_loop3A_85 : i32 to index
      %parallel_loop3A_87 = arith.index_cast %parallel_loop3A_84 : i32 to index
      %parallel_loop3A_88 = tpu.vector_load %arg6[%parallel_loop3A_86, %parallel_loop3A_87] {strides = array<i32>} : memref<16x2049xi32, #tpu.memory_space<vmem>>, vector<16xi32>,
      tpu.vector_store %arg6[%parallel_loop3A_86, %parallel_loop3A_87], %broadcast_in_dim3A_1 {strides = array<i32>} : memref<16x2049xi32, #tpu.memory_space<vmem>>, vector<16xi32>,
      %parallel_loop3A_89 = arith.constant 16 : i32
      %parallel_loop3A_90 = arith.muli %parallel_loop3A_22, %parallel_loop3A_89 : i32
      %parallel_loop3A_91 = arith.constant 11 : i32
      %parallel_loop3A_92 = arith.index_cast %parallel_loop3A_91 : i32 to index
      %parallel_loop3A_93 = arith.index_cast %parallel_loop3A_90 : i32 to index
      %parallel_loop3A_94 = tpu.vector_load %arg6[%parallel_loop3A_92, %parallel_loop3A_93] {strides = array<i32>} : memref<16x2049xi32, #tpu.memory_space<vmem>>, vector<16xi32>,
      tpu.vector_store %arg6[%parallel_loop3A_92, %parallel_loop3A_93], %broadcast_in_dim3A_1 {strides = array<i32>} : memref<16x2049xi32, #tpu.memory_space<vmem>>, vector<16xi32>,
      %parallel_loop3A_95 = arith.constant 16 : i32
      %parallel_loop3A_96 = arith.muli %parallel_loop3A_22, %parallel_loop3A_95 : i32
      %parallel_loop3A_97 = arith.constant 12 : i32
      %parallel_loop3A_98 = arith.index_cast %parallel_loop3A_97 : i32 to index
      %parallel_loop3A_99 = arith.index_cast %parallel_loop3A_96 : i32 to index
      %parallel_loop3A_100 = tpu.vector_load %arg6[%parallel_loop3A_98, %parallel_loop3A_99] {strides = array<i32>} : memref<16x2049xi32, #tpu.memory_space<vmem>>, vector<16xi32>,
      tpu.vector_store %arg6[%parallel_loop3A_98, %parallel_loop3A_99], %broadcast_in_dim3A_1 {strides = array<i32>} : memref<16x2049xi32, #tpu.memory_space<vmem>>, vector<16xi32>,
      %parallel_loop3A_101 = arith.constant 16 : i32
      %parallel_loop3A_102 = arith.muli %parallel_loop3A_22, %parallel_loop3A_101 : i32
      %parallel_loop3A_103 = arith.constant 13 : i32
      %parallel_loop3A_104 = arith.index_cast %parallel_loop3A_103 : i32 to index
      %parallel_loop3A_105 = arith.index_cast %parallel_loop3A_102 : i32 to index
      %parallel_loop3A_106 = tpu.vector_load %arg6[%parallel_loop3A_104, %parallel_loop3A_105] {strides = array<i32>} : memref<16x2049xi32, #tpu.memory_space<vmem>>, vector<16xi32>,
      tpu.vector_store %arg6[%parallel_loop3A_104, %parallel_loop3A_105], %broadcast_in_dim3A_1 {strides = array<i32>} : memref<16x2049xi32, #tpu.memory_space<vmem>>, vector<16xi32>,
      %parallel_loop3A_107 = arith.constant 16 : i32
      %parallel_loop3A_108 = arith.muli %parallel_loop3A_22, %parallel_loop3A_107 : i32
      %parallel_loop3A_109 = arith.constant 14 : i32
      %parallel_loop3A_110 = arith.index_cast %parallel_loop3A_109 : i32 to index
      %parallel_loop3A_111 = arith.index_cast %parallel_loop3A_108 : i32 to index
      %parallel_loop3A_112 = tpu.vector_load %arg6[%parallel_loop3A_110, %parallel_loop3A_111] {strides = array<i32>} : memref<16x2049xi32, #tpu.memory_space<vmem>>, vector<16xi32>,
      tpu.vector_store %arg6[%parallel_loop3A_110, %parallel_loop3A_111], %broadcast_in_dim3A_1 {strides = array<i32>} : memref<16x2049xi32, #tpu.memory_space<vmem>>, vector<16xi32>,
      %parallel_loop3A_113 = arith.constant 16 : i32
      %parallel_loop3A_114 = arith.muli %parallel_loop3A_22, %parallel_loop3A_113 : i32
      %parallel_loop3A_115 = arith.constant 15 : i32
      %parallel_loop3A_116 = arith.index_cast %parallel_loop3A_115 : i32 to index
      %parallel_loop3A_117 = arith.index_cast %parallel_loop3A_114 : i32 to index
      %parallel_loop3A_118 = tpu.vector_load %arg6[%parallel_loop3A_116, %parallel_loop3A_117] {strides = array<i32>} : memref<16x2049xi32, #tpu.memory_space<vmem>>, vector<16xi32>,
      tpu.vector_store %arg6[%parallel_loop3A_116, %parallel_loop3A_117], %broadcast_in_dim3A_1 {strides = array<i32>} : memref<16x2049xi32, #tpu.memory_space<vmem>>, vector<16xi32>,
    } {sc.loop_unroll_factor = 2 : i64, sc.parallel_access}
    %iota3A = tpu.iota {dimensions = array<i32: 0>} : vector<16xi32>
    %broadcast_in_dim3A_4 = arith.constant 1 : i32
    %broadcast_in_dim3A_5 = vector.broadcast %broadcast_in_dim3A_4 : i32 to vector<16xi32>
    %mul3A_6 = arith.constant 65536 : i32
    %mul3A_7 = arith.muli %add3A, %mul3A_6 : i32
    %dma_start3A = tpu.memref_slice %arg2[%mul3A_7] : memref<2097152xi32, #tpu.memory_space<hbm>> -> memref<32768xi32, #tpu.memory_space<hbm>>
    %dma_start3A_8 = tpu.memref_slice %arg2[%mul3A_7] : memref<2097152xi32, #tpu.memory_space<hbm>> -> memref<32768xi32, #tpu.memory_space<hbm>>
    tpu.enqueue_dma source(%dma_start3A_8 : memref<32768xi32, #tpu.memory_space<hbm>>) target(%arg4 : memref<32768xi32, #tpu.memory_space<vmem>>) target_semaphore(%arg7 : memref<!tpu.dma_semaphore, #tpu.memory_space<semaphore_mem>>)
    %dma_wait3A = tpu.memref_slice %arg2[%mul3A_7] : memref<2097152xi32, #tpu.memory_space<hbm>> -> memref<32768xi32, #tpu.memory_space<hbm>>
    %dma_wait3A_9 = tpu.memref_slice %arg2[%mul3A_7] : memref<2097152xi32, #tpu.memory_space<hbm>> -> memref<32768xi32, #tpu.memory_space<hbm>>
    tpu.wait_dma2 semaphore(%arg7 : memref<!tpu.dma_semaphore, #tpu.memory_space<semaphore_mem>>) src(%dma_wait3A_9 : memref<32768xi32, #tpu.memory_space<hbm>>) dst(%arg4 : memref<32768xi32, #tpu.memory_space<vmem>>)
    %add3A_10 = arith.constant 32768 : i32
    %add3A_11 = arith.addi %mul3A_7, %add3A_10 : i32
    %dma_start3A_12 = tpu.memref_slice %arg2[%add3A_11] : memref<2097152xi32, #tpu.memory_space<hbm>> -> memref<32768xi32, #tpu.memory_space<hbm>>
    %dma_start3A_13 = tpu.memref_slice %arg2[%add3A_11] : memref<2097152xi32, #tpu.memory_space<hbm>> -> memref<32768xi32, #tpu.memory_space<hbm>>
    tpu.enqueue_dma source(%dma_start3A_13 : memref<32768xi32, #tpu.memory_space<hbm>>) target(%arg5 : memref<32768xi32, #tpu.memory_space<vmem>>) target_semaphore(%arg8 : memref<!tpu.dma_semaphore, #tpu.memory_space<semaphore_mem>>)
    %parallel_loop3A_14 = arith.constant 0 : i32
    %parallel_loop3A_15 = arith.constant 512 : i32
    %parallel_loop3A_16 = arith.constant 1 : i32
    scf.for %parallel_loop3A_22 = %parallel_loop3A_14 to %parallel_loop3A_15 step %parallel_loop3A_16  : i32 {
      %parallel_loop3A_23 = arith.constant 64 : i32
      %parallel_loop3A_24 = arith.muli %parallel_loop3A_22, %parallel_loop3A_23 : i32
      %parallel_loop3A_25 = arith.constant 0 : i32
      %parallel_loop3A_26 = arith.addi %parallel_loop3A_24, %parallel_loop3A_25 : i32
      %parallel_loop3A_27 = arith.index_cast %parallel_loop3A_26 : i32 to index
      %parallel_loop3A_28 = tpu.vector_load %arg4[%parallel_loop3A_27] {strides = array<i32>} : memref<32768xi32, #tpu.memory_space<vmem>>, vector<16xi32>,
      %parallel_loop3A_29 = arith.constant 20 : i32
      %parallel_loop3A_30 = vector.broadcast %parallel_loop3A_29 : i32 to vector<16xi32>
      %parallel_loop3A_31 = arith.shrui %parallel_loop3A_28, %parallel_loop3A_30 : vector<16xi32>
      tpu.vector_store_idx %arg6[%iota3A, %parallel_loop3A_31], %broadcast_in_dim3A_5 {add = true} : memref<16x2049xi32, #tpu.memory_space<vmem>>[vector<16xi32>, vector<16xi32>], vector<16xi32>,
      %parallel_loop3A_32 = arith.constant 64 : i32
      %parallel_loop3A_33 = arith.muli %parallel_loop3A_22, %parallel_loop3A_32 : i32
      %parallel_loop3A_34 = arith.constant 16 : i32
      %parallel_loop3A_35 = arith.addi %parallel_loop3A_33, %parallel_loop3A_34 : i32
      %parallel_loop3A_36 = arith.index_cast %parallel_loop3A_35 : i32 to index
      %parallel_loop3A_37 = tpu.vector_load %arg4[%parallel_loop3A_36] {strides = array<i32>} : memref<32768xi32, #tpu.memory_space<vmem>>, vector<16xi32>,
      %parallel_loop3A_38 = arith.constant 20 : i32
      %parallel_loop3A_39 = vector.broadcast %parallel_loop3A_38 : i32 to vector<16xi32>
      %parallel_loop3A_40 = arith.shrui %parallel_loop3A_37, %parallel_loop3A_39 : vector<16xi32>
      tpu.vector_store_idx %arg6[%iota3A, %parallel_loop3A_40], %broadcast_in_dim3A_5 {add = true} : memref<16x2049xi32, #tpu.memory_space<vmem>>[vector<16xi32>, vector<16xi32>], vector<16xi32>,
      %parallel_loop3A_41 = arith.constant 64 : i32
      %parallel_loop3A_42 = arith.muli %parallel_loop3A_22, %parallel_loop3A_41 : i32
      %parallel_loop3A_43 = arith.constant 32 : i32
      %parallel_loop3A_44 = arith.addi %parallel_loop3A_42, %parallel_loop3A_43 : i32
      %parallel_loop3A_45 = arith.index_cast %parallel_loop3A_44 : i32 to index
      %parallel_loop3A_46 = tpu.vector_load %arg4[%parallel_loop3A_45] {strides = array<i32>} : memref<32768xi32, #tpu.memory_space<vmem>>, vector<16xi32>,
      %parallel_loop3A_47 = arith.constant 20 : i32
      %parallel_loop3A_48 = vector.broadcast %parallel_loop3A_47 : i32 to vector<16xi32>
      %parallel_loop3A_49 = arith.shrui %parallel_loop3A_46, %parallel_loop3A_48 : vector<16xi32>
      tpu.vector_store_idx %arg6[%iota3A, %parallel_loop3A_49], %broadcast_in_dim3A_5 {add = true} : memref<16x2049xi32, #tpu.memory_space<vmem>>[vector<16xi32>, vector<16xi32>], vector<16xi32>,
      %parallel_loop3A_50 = arith.constant 64 : i32
      %parallel_loop3A_51 = arith.muli %parallel_loop3A_22, %parallel_loop3A_50 : i32
      %parallel_loop3A_52 = arith.constant 48 : i32
      %parallel_loop3A_53 = arith.addi %parallel_loop3A_51, %parallel_loop3A_52 : i32
      %parallel_loop3A_54 = arith.index_cast %parallel_loop3A_53 : i32 to index
      %parallel_loop3A_55 = tpu.vector_load %arg4[%parallel_loop3A_54] {strides = array<i32>} : memref<32768xi32, #tpu.memory_space<vmem>>, vector<16xi32>,
      %parallel_loop3A_56 = arith.constant 20 : i32
      %parallel_loop3A_57 = vector.broadcast %parallel_loop3A_56 : i32 to vector<16xi32>
      %parallel_loop3A_58 = arith.shrui %parallel_loop3A_55, %parallel_loop3A_57 : vector<16xi32>
      tpu.vector_store_idx %arg6[%iota3A, %parallel_loop3A_58], %broadcast_in_dim3A_5 {add = true} : memref<16x2049xi32, #tpu.memory_space<vmem>>[vector<16xi32>, vector<16xi32>], vector<16xi32>,
    } {sc.loop_unroll_factor = 4 : i64, sc.parallel_access}
    %dma_wait3A_17 = tpu.memref_slice %arg2[%add3A_11] : memref<2097152xi32, #tpu.memory_space<hbm>> -> memref<32768xi32, #tpu.memory_space<hbm>>
    %dma_wait3A_18 = tpu.memref_slice %arg2[%add3A_11] : memref<2097152xi32, #tpu.memory_space<hbm>> -> memref<32768xi32, #tpu.memory_space<hbm>>
    tpu.wait_dma2 semaphore(%arg8 : memref<!tpu.dma_semaphore, #tpu.memory_space<semaphore_mem>>) src(%dma_wait3A_18 : memref<32768xi32, #tpu.memory_space<hbm>>) dst(%arg5 : memref<32768xi32, #tpu.memory_space<vmem>>)
    %parallel_loop3A_19 = arith.constant 0 : i32
    %parallel_loop3A_20 = arith.constant 512 : i32
    %parallel_loop3A_21 = arith.constant 1 : i32
    scf.for %parallel_loop3A_22 = %parallel_loop3A_19 to %parallel_loop3A_20 step %parallel_loop3A_21  : i32 {
      %parallel_loop3A_23 = arith.constant 64 : i32
      %parallel_loop3A_24 = arith.muli %parallel_loop3A_22, %parallel_loop3A_23 : i32
      %parallel_loop3A_25 = arith.constant 0 : i32
      %parallel_loop3A_26 = arith.addi %parallel_loop3A_24, %parallel_loop3A_25 : i32
      %parallel_loop3A_27 = arith.index_cast %parallel_loop3A_26 : i32 to index
      %parallel_loop3A_28 = tpu.vector_load %arg5[%parallel_loop3A_27] {strides = array<i32>} : memref<32768xi32, #tpu.memory_space<vmem>>, vector<16xi32>,
      %parallel_loop3A_29 = arith.constant 20 : i32
      %parallel_loop3A_30 = vector.broadcast %parallel_loop3A_29 : i32 to vector<16xi32>
      %parallel_loop3A_31 = arith.shrui %parallel_loop3A_28, %parallel_loop3A_30 : vector<16xi32>
      tpu.vector_store_idx %arg6[%iota3A, %parallel_loop3A_31], %broadcast_in_dim3A_5 {add = true} : memref<16x2049xi32, #tpu.memory_space<vmem>>[vector<16xi32>, vector<16xi32>], vector<16xi32>,
      %parallel_loop3A_32 = arith.constant 64 : i32
      %parallel_loop3A_33 = arith.muli %parallel_loop3A_22, %parallel_loop3A_32 : i32
      %parallel_loop3A_34 = arith.constant 16 : i32
      %parallel_loop3A_35 = arith.addi %parallel_loop3A_33, %parallel_loop3A_34 : i32
      %parallel_loop3A_36 = arith.index_cast %parallel_loop3A_35 : i32 to index
      %parallel_loop3A_37 = tpu.vector_load %arg5[%parallel_loop3A_36] {strides = array<i32>} : memref<32768xi32, #tpu.memory_space<vmem>>, vector<16xi32>,
      %parallel_loop3A_38 = arith.constant 20 : i32
      %parallel_loop3A_39 = vector.broadcast %parallel_loop3A_38 : i32 to vector<16xi32>
      %parallel_loop3A_40 = arith.shrui %parallel_loop3A_37, %parallel_loop3A_39 : vector<16xi32>
      tpu.vector_store_idx %arg6[%iota3A, %parallel_loop3A_40], %broadcast_in_dim3A_5 {add = true} : memref<16x2049xi32, #tpu.memory_space<vmem>>[vector<16xi32>, vector<16xi32>], vector<16xi32>,
      %parallel_loop3A_41 = arith.constant 64 : i32
      %parallel_loop3A_42 = arith.muli %parallel_loop3A_22, %parallel_loop3A_41 : i32
      %parallel_loop3A_43 = arith.constant 32 : i32
      %parallel_loop3A_44 = arith.addi %parallel_loop3A_42, %parallel_loop3A_43 : i32
      %parallel_loop3A_45 = arith.index_cast %parallel_loop3A_44 : i32 to index
      %parallel_loop3A_46 = tpu.vector_load %arg5[%parallel_loop3A_45] {strides = array<i32>} : memref<32768xi32, #tpu.memory_space<vmem>>, vector<16xi32>,
      %parallel_loop3A_47 = arith.constant 20 : i32
      %parallel_loop3A_48 = vector.broadcast %parallel_loop3A_47 : i32 to vector<16xi32>
      %parallel_loop3A_49 = arith.shrui %parallel_loop3A_46, %parallel_loop3A_48 : vector<16xi32>
      tpu.vector_store_idx %arg6[%iota3A, %parallel_loop3A_49], %broadcast_in_dim3A_5 {add = true} : memref<16x2049xi32, #tpu.memory_space<vmem>>[vector<16xi32>, vector<16xi32>], vector<16xi32>,
      %parallel_loop3A_50 = arith.constant 64 : i32
      %parallel_loop3A_51 = arith.muli %parallel_loop3A_22, %parallel_loop3A_50 : i32
      %parallel_loop3A_52 = arith.constant 48 : i32
      %parallel_loop3A_53 = arith.addi %parallel_loop3A_51, %parallel_loop3A_52 : i32
      %parallel_loop3A_54 = arith.index_cast %parallel_loop3A_53 : i32 to index
      %parallel_loop3A_55 = tpu.vector_load %arg5[%parallel_loop3A_54] {strides = array<i32>} : memref<32768xi32, #tpu.memory_space<vmem>>, vector<16xi32>,
      %parallel_loop3A_56 = arith.constant 20 : i32
      %parallel_loop3A_57 = vector.broadcast %parallel_loop3A_56 : i32 to vector<16xi32>
      %parallel_loop3A_58 = arith.shrui %parallel_loop3A_55, %parallel_loop3A_57 : vector<16xi32>
      tpu.vector_store_idx %arg6[%iota3A, %parallel_loop3A_58], %broadcast_in_dim3A_5 {add = true} : memref<16x2049xi32, #tpu.memory_space<vmem>>[vector<16xi32>, vector<16xi32>], vector<16xi32>,
    } {sc.loop_unroll_factor = 4 : i64, sc.parallel_access}
    "tpu.region"() ({
      %run_scoped3A = tpu.sem_alloc : memref<!tpu.dma_semaphore, #tpu.memory_space<semaphore_mem>>
      %dma_start3A_22 = arith.constant 0 : i32
      %dma_start3A_23 = arith.constant 0 : i32
      %dma_start3A_24 = tpu.memref_slice %arg3[%add3A, %dma_start3A_22, %dma_start3A_23] : memref<32x16x2049xi32, #tpu.memory_space<hbm>> -> memref<1x16x2049xi32, #tpu.memory_space<hbm>>
      %dma_start3A_25 = tpu.memref_squeeze %dma_start3A_24 : memref<1x16x2049xi32, #tpu.memory_space<hbm>> -> memref<16x2049xi32, #tpu.memory_space<hbm>>
      %dma_start3A_26 = arith.constant 0 : i32
      %dma_start3A_27 = arith.constant 0 : i32
      %dma_start3A_28 = tpu.memref_slice %arg3[%add3A, %dma_start3A_26, %dma_start3A_27] : memref<32x16x2049xi32, #tpu.memory_space<hbm>> -> memref<1x16x2049xi32, #tpu.memory_space<hbm>>
      %dma_start3A_29 = tpu.memref_squeeze %dma_start3A_28 : memref<1x16x2049xi32, #tpu.memory_space<hbm>> -> memref<16x2049xi32, #tpu.memory_space<hbm>>
      tpu.enqueue_dma source(%arg6 : memref<16x2049xi32, #tpu.memory_space<vmem>>) target(%dma_start3A_29 : memref<16x2049xi32, #tpu.memory_space<hbm>>) target_semaphore(%run_scoped3A : memref<!tpu.dma_semaphore, #tpu.memory_space<semaphore_mem>>)
      %dma_wait3A_30 = arith.constant 0 : i32
      %dma_wait3A_31 = arith.constant 0 : i32
      %dma_wait3A_32 = tpu.memref_slice %arg3[%add3A, %dma_wait3A_30, %dma_wait3A_31] : memref<32x16x2049xi32, #tpu.memory_space<hbm>> -> memref<1x16x2049xi32, #tpu.memory_space<hbm>>
      %dma_wait3A_33 = tpu.memref_squeeze %dma_wait3A_32 : memref<1x16x2049xi32, #tpu.memory_space<hbm>> -> memref<16x2049xi32, #tpu.memory_space<hbm>>
      %dma_wait3A_34 = arith.constant 0 : i32
      %dma_wait3A_35 = arith.constant 0 : i32
      %dma_wait3A_36 = tpu.memref_slice %arg3[%add3A, %dma_wait3A_34, %dma_wait3A_35] : memref<32x16x2049xi32, #tpu.memory_space<hbm>> -> memref<1x16x2049xi32, #tpu.memory_space<hbm>>
      %dma_wait3A_37 = tpu.memref_squeeze %dma_wait3A_36 : memref<1x16x2049xi32, #tpu.memory_space<hbm>> -> memref<16x2049xi32, #tpu.memory_space<hbm>>
      tpu.wait_dma2 semaphore(%run_scoped3A : memref<!tpu.dma_semaphore, #tpu.memory_space<semaphore_mem>>) src(%arg6 : memref<16x2049xi32, #tpu.memory_space<vmem>>) dst(%dma_wait3A_37 : memref<16x2049xi32, #tpu.memory_space<hbm>>)
      tpu.yield
    }) : () -> ()
    return
  }
}

module attributes {stable_mosaic.version = 14 : i64} {
  func.func @_sel1_body(%arg0: memref<512x2049xi32, #tpu.memory_space<vmem>>, %arg1: memref<1x128xi32, #tpu.memory_space<vmem>>, %arg2: memref<1x128xf32, #tpu.memory_space<vmem>>) attributes {dimension_semantics = [], scalar_prefetch = 0 : i64, scratch_operands = 0 : i64, tpu.core_type = #tpu.core_type<tc>} {
    %get3A = arith.constant 0 : index
    %get3A_0 = arith.constant 0 : index
    %get3A_1 = vector.load %arg0[%get3A, %get3A_0] : memref<512x2049xi32, #tpu.memory_space<vmem>>, vector<512x2049xi32>
    %slice3A = vector.extract_strided_slice %get3A_1 {offsets = [0, 0], sizes = [512, 2048], strides = [1, 1]} : vector<512x2049xi32> to vector<512x2048xi32>
    %convert_element_type3A = arith.sitofp %slice3A : vector<512x2048xi32> to vector<512x2048xf32>
    %reduce_sum3A = arith.constant dense<0.000000e+00> : vector<2048xf32>
    %reduce_sum3A_2 = vector.multi_reduction <add>, %convert_element_type3A, %reduce_sum3A [0] : vector<512x2048xf32> to vector<2048xf32>
    %reshape3A = vector.shape_cast %reduce_sum3A_2 : vector<2048xf32> to vector<16x128xf32>
    %slice3A_3 = vector.extract_strided_slice %reshape3A {offsets = [0, 1], sizes = [16, 127], strides = [1, 1]} : vector<16x128xf32> to vector<16x127xf32>
    %broadcast_in_dim3A = arith.constant 0.000000e+00 : f32
    %broadcast_in_dim3A_4 = vector.broadcast %broadcast_in_dim3A : f32 to vector<16x1xf32>
    %concatenate3A = tpu.concatenate %slice3A_3, %broadcast_in_dim3A_4 in 1 : vector<16x127xf32>, vector<16x1xf32> -> vector<16x128xf32>
    %add3A = arith.addf %reshape3A, %concatenate3A : vector<16x128xf32>
    %slice3A_5 = vector.extract_strided_slice %add3A {offsets = [0, 2], sizes = [16, 126], strides = [1, 1]} : vector<16x128xf32> to vector<16x126xf32>
    %broadcast_in_dim3A_6 = arith.constant 0.000000e+00 : f32
    %broadcast_in_dim3A_7 = vector.broadcast %broadcast_in_dim3A_6 : f32 to vector<16x2xf32>
    %concatenate3A_8 = tpu.concatenate %slice3A_5, %broadcast_in_dim3A_7 in 1 : vector<16x126xf32>, vector<16x2xf32> -> vector<16x128xf32>
    %add3A_9 = arith.addf %add3A, %concatenate3A_8 : vector<16x128xf32>
    %slice3A_10 = vector.extract_strided_slice %add3A_9 {offsets = [0, 4], sizes = [16, 124], strides = [1, 1]} : vector<16x128xf32> to vector<16x124xf32>
    %broadcast_in_dim3A_11 = arith.constant 0.000000e+00 : f32
    %broadcast_in_dim3A_12 = vector.broadcast %broadcast_in_dim3A_11 : f32 to vector<16x4xf32>
    %concatenate3A_13 = tpu.concatenate %slice3A_10, %broadcast_in_dim3A_12 in 1 : vector<16x124xf32>, vector<16x4xf32> -> vector<16x128xf32>
    %add3A_14 = arith.addf %add3A_9, %concatenate3A_13 : vector<16x128xf32>
    %slice3A_15 = vector.extract_strided_slice %add3A_14 {offsets = [0, 8], sizes = [16, 120], strides = [1, 1]} : vector<16x128xf32> to vector<16x120xf32>
    %broadcast_in_dim3A_16 = arith.constant 0.000000e+00 : f32
    %broadcast_in_dim3A_17 = vector.broadcast %broadcast_in_dim3A_16 : f32 to vector<16x8xf32>
    %concatenate3A_18 = tpu.concatenate %slice3A_15, %broadcast_in_dim3A_17 in 1 : vector<16x120xf32>, vector<16x8xf32> -> vector<16x128xf32>
    %add3A_19 = arith.addf %add3A_14, %concatenate3A_18 : vector<16x128xf32>
    %slice3A_20 = vector.extract_strided_slice %add3A_19 {offsets = [0, 16], sizes = [16, 112], strides = [1, 1]} : vector<16x128xf32> to vector<16x112xf32>
    %broadcast_in_dim3A_21 = arith.constant 0.000000e+00 : f32
    %broadcast_in_dim3A_22 = vector.broadcast %broadcast_in_dim3A_21 : f32 to vector<16x16xf32>
    %concatenate3A_23 = tpu.concatenate %slice3A_20, %broadcast_in_dim3A_22 in 1 : vector<16x112xf32>, vector<16x16xf32> -> vector<16x128xf32>
    %add3A_24 = arith.addf %add3A_19, %concatenate3A_23 : vector<16x128xf32>
    %slice3A_25 = vector.extract_strided_slice %add3A_24 {offsets = [0, 32], sizes = [16, 96], strides = [1, 1]} : vector<16x128xf32> to vector<16x96xf32>
    %broadcast_in_dim3A_26 = arith.constant 0.000000e+00 : f32
    %broadcast_in_dim3A_27 = vector.broadcast %broadcast_in_dim3A_26 : f32 to vector<16x32xf32>
    %concatenate3A_28 = tpu.concatenate %slice3A_25, %broadcast_in_dim3A_27 in 1 : vector<16x96xf32>, vector<16x32xf32> -> vector<16x128xf32>
    %add3A_29 = arith.addf %add3A_24, %concatenate3A_28 : vector<16x128xf32>
    %slice3A_30 = vector.extract_strided_slice %add3A_29 {offsets = [0, 64], sizes = [16, 64], strides = [1, 1]} : vector<16x128xf32> to vector<16x64xf32>
    %broadcast_in_dim3A_31 = arith.constant 0.000000e+00 : f32
    %broadcast_in_dim3A_32 = vector.broadcast %broadcast_in_dim3A_31 : f32 to vector<16x64xf32>
    %concatenate3A_33 = tpu.concatenate %slice3A_30, %broadcast_in_dim3A_32 in 1 : vector<16x64xf32>, vector<16x64xf32> -> vector<16x128xf32>
    %add3A_34 = arith.addf %add3A_29, %concatenate3A_33 : vector<16x128xf32>
    %slice3A_35 = vector.extract_strided_slice %add3A_34 {offsets = [0, 0], sizes = [16, 1], strides = [1, 1]} : vector<16x128xf32> to vector<16x1xf32>
    %slice3A_36 = vector.extract_strided_slice %slice3A_35 {offsets = [1, 0], sizes = [15, 1], strides = [1, 1]} : vector<16x1xf32> to vector<15x1xf32>
    %broadcast_in_dim3A_37 = arith.constant 0.000000e+00 : f32
    %broadcast_in_dim3A_38 = vector.broadcast %broadcast_in_dim3A_37 : f32 to vector<1x1xf32>
    %concatenate3A_39 = tpu.concatenate %slice3A_36, %broadcast_in_dim3A_38 in 0 : vector<15x1xf32>, vector<1x1xf32> -> vector<16x1xf32>
    %add3A_40 = arith.addf %slice3A_35, %concatenate3A_39 : vector<16x1xf32>
    %slice3A_41 = vector.extract_strided_slice %add3A_40 {offsets = [2, 0], sizes = [14, 1], strides = [1, 1]} : vector<16x1xf32> to vector<14x1xf32>
    %broadcast_in_dim3A_42 = arith.constant 0.000000e+00 : f32
    %broadcast_in_dim3A_43 = vector.broadcast %broadcast_in_dim3A_42 : f32 to vector<2x1xf32>
    %concatenate3A_44 = tpu.concatenate %slice3A_41, %broadcast_in_dim3A_43 in 0 : vector<14x1xf32>, vector<2x1xf32> -> vector<16x1xf32>
    %add3A_45 = arith.addf %add3A_40, %concatenate3A_44 : vector<16x1xf32>
    %slice3A_46 = vector.extract_strided_slice %add3A_45 {offsets = [4, 0], sizes = [12, 1], strides = [1, 1]} : vector<16x1xf32> to vector<12x1xf32>
    %broadcast_in_dim3A_47 = arith.constant 0.000000e+00 : f32
    %broadcast_in_dim3A_48 = vector.broadcast %broadcast_in_dim3A_47 : f32 to vector<4x1xf32>
    %concatenate3A_49 = tpu.concatenate %slice3A_46, %broadcast_in_dim3A_48 in 0 : vector<12x1xf32>, vector<4x1xf32> -> vector<16x1xf32>
    %add3A_50 = arith.addf %add3A_45, %concatenate3A_49 : vector<16x1xf32>
    %slice3A_51 = vector.extract_strided_slice %add3A_50 {offsets = [8, 0], sizes = [8, 1], strides = [1, 1]} : vector<16x1xf32> to vector<8x1xf32>
    %broadcast_in_dim3A_52 = arith.constant 0.000000e+00 : f32
    %broadcast_in_dim3A_53 = vector.broadcast %broadcast_in_dim3A_52 : f32 to vector<8x1xf32>
    %concatenate3A_54 = tpu.concatenate %slice3A_51, %broadcast_in_dim3A_53 in 0 : vector<8x1xf32>, vector<8x1xf32> -> vector<16x1xf32>
    %add3A_55 = arith.addf %add3A_50, %concatenate3A_54 : vector<16x1xf32>
    %sub3A = arith.subf %add3A_55, %slice3A_35 : vector<16x1xf32>
    %add3A_56 = vector.broadcast %sub3A : vector<16x1xf32> to vector<16x128xf32>
    %add3A_57 = arith.addf %add3A_34, %add3A_56 : vector<16x128xf32>
    %sub3A_58 = arith.constant 3.355440e+05 : f32
    %sub3A_59 = arith.constant 5.000000e-01 : f32
    %sub3A_60 = arith.subf %sub3A_58, %sub3A_59 : f32
    %ge3A = vector.broadcast %sub3A_60 : f32 to vector<16x128xf32>
    %ge3A_61 = arith.cmpf oge, %add3A_57, %ge3A : vector<16x128xf32>
    %convert_element_type3A_62 = arith.extui %ge3A_61 : vector<16x128xi1> to vector<16x128xi32>
    %convert_element_type3A_63 = arith.sitofp %convert_element_type3A_62 : vector<16x128xi32> to vector<16x128xf32>
    %reduce_sum3A_64 = vector.shape_cast %convert_element_type3A_63 : vector<16x128xf32> to vector<1x16x128xf32>
    %reduce_sum3A_65 = arith.constant dense<0.000000e+00> : vector<1xf32>
    %reduce_sum3A_66 = vector.multi_reduction <add>, %reduce_sum3A_64, %reduce_sum3A_65 [1, 2] : vector<1x16x128xf32> to vector<1xf32>
    %reduce_sum3A_67 = vector.shape_cast %reduce_sum3A_66 : vector<1xf32> to vector<1x1x1xf32>
    %reduce_sum3A_68 = vector.extract %reduce_sum3A_67[0, 0, 0] : f32 from vector<1x1x1xf32>
    %sub3A_69 = arith.constant 1.000000e+00 : f32
    %sub3A_70 = arith.subf %reduce_sum3A_68, %sub3A_69 : f32
    %iota3A = tpu.iota {dimensions = array<i32: 0>} : vector<16x128xi32>
    %mul3A = arith.constant 128 : i32
    %mul3A_71 = vector.broadcast %mul3A : i32 to vector<16x128xi32>
    %mul3A_72 = arith.muli %iota3A, %mul3A_71 : vector<16x128xi32>
    %iota3A_73 = tpu.iota {dimensions = array<i32: 1>} : vector<16x128xi32>
    %add3A_74 = arith.addi %mul3A_72, %iota3A_73 : vector<16x128xi32>
    %convert_element_type3A_75 = arith.sitofp %add3A_74 : vector<16x128xi32> to vector<16x128xf32>
    %add3A_76 = arith.constant 5.000000e-01 : f32
    %add3A_77 = arith.addf %sub3A_70, %add3A_76 : f32
    %gt3A = vector.broadcast %add3A_77 : f32 to vector<16x128xf32>
    %gt3A_78 = arith.cmpf ogt, %convert_element_type3A_75, %gt3A : vector<16x128xf32>
    %jit3A = arith.constant 0.000000e+00 : f32
    %broadcast_in_dim3A_79 = vector.broadcast %jit3A : f32 to vector<16x128xf32>
    %select_n3A = arith.select %gt3A_78, %reshape3A, %broadcast_in_dim3A_79 : vector<16x128xi1>, vector<16x128xf32>
    %reduce_sum3A_80 = vector.shape_cast %select_n3A : vector<16x128xf32> to vector<1x16x128xf32>
    %reduce_sum3A_81 = arith.constant dense<0.000000e+00> : vector<1xf32>
    %reduce_sum3A_82 = vector.multi_reduction <add>, %reduce_sum3A_80, %reduce_sum3A_81 [1, 2] : vector<1x16x128xf32> to vector<1xf32>
    %reduce_sum3A_83 = vector.shape_cast %reduce_sum3A_82 : vector<1xf32> to vector<1x1x1xf32>
    %reduce_sum3A_84 = vector.extract %reduce_sum3A_83[0, 0, 0] : f32 from vector<1x1x1xf32>
    %sub3A_85 = arith.constant 3.355440e+05 : f32
    %sub3A_86 = arith.subf %sub3A_85, %reduce_sum3A_84 : f32
    %broadcast_in_dim3A_87 = vector.broadcast %sub3A_70 : f32 to vector<1x128xf32>
    %convert_element_type3A_88 = arith.fptosi %broadcast_in_dim3A_87 : vector<1x128xf32> to vector<1x128xi32>
    %swap3A = arith.constant 0 : index
    %swap3A_89 = arith.constant 0 : index
    %swap3A_90 = vector.load %arg1[%swap3A, %swap3A_89] : memref<1x128xi32, #tpu.memory_space<vmem>>, vector<1x128xi32>
    tpu.vector_store %arg1[%swap3A, %swap3A_89], %convert_element_type3A_88 {strides = array<i32>} : memref<1x128xi32, #tpu.memory_space<vmem>>, vector<1x128xi32>,
    %iota3A_91 = tpu.iota {dimensions = array<i32: 1>} : vector<1x128xi32>
    %eq3A = arith.constant 0 : i32
    %eq3A_92 = vector.broadcast %eq3A : i32 to vector<1x128xi32>
    %eq3A_93 = arith.cmpi eq, %iota3A_91, %eq3A_92 : vector<1x128xi32>
    %jit3A_94 = arith.constant 0.000000e+00 : f32
    %broadcast_in_dim3A_95 = vector.broadcast %sub3A_86 : f32 to vector<1x128xf32>
    %broadcast_in_dim3A_96 = vector.broadcast %jit3A_94 : f32 to vector<1x128xf32>
    %select_n3A_97 = arith.select %eq3A_93, %broadcast_in_dim3A_95, %broadcast_in_dim3A_96 : vector<1x128xi1>, vector<1x128xf32>
    %swap3A_98 = arith.constant 0 : index
    %swap3A_99 = arith.constant 0 : index
    %swap3A_100 = vector.load %arg2[%swap3A_98, %swap3A_99] : memref<1x128xf32, #tpu.memory_space<vmem>>, vector<1x128xf32>
    tpu.vector_store %arg2[%swap3A_98, %swap3A_99], %select_n3A_97 {strides = array<i32>} : memref<1x128xf32, #tpu.memory_space<vmem>>, vector<1x128xf32>,
    return
  }
}

module attributes {stable_mosaic.version = 14 : i64} {
  func.func @_loss_body(%arg0: i32, %arg1: i32, %arg2: memref<1x19x131072xf32, #tpu.memory_space<vmem>>, %arg3: memref<1x1x131072xi32, #tpu.memory_space<vmem>>, %arg4: memref<1x1x131072xi32, #tpu.memory_space<vmem>>, %arg5: memref<1x128xf32, #tpu.memory_space<vmem>>) attributes {dimension_semantics = [#tpu.dimension_semantics<arbitrary>, #tpu.dimension_semantics<arbitrary>], iteration_bounds = array<i64: 8, 2>, scalar_prefetch = 0 : i64, scratch_operands = 0 : i64, tpu.core_type = #tpu.core_type<tc>, window_params = [{transform_indices = @transform_0, window_bounds = array<i64: 1, 19, 131072>}, {transform_indices = @transform_1, window_bounds = array<i64: 1, 1, 131072>}, {transform_indices = @transform_2, window_bounds = array<i64: 1, 1, 131072>}, {pipeline_mode = #tpu.pipeline_mode<synchronous>, transform_indices = @transform_3, window_bounds = array<i64: 1, 128>}]} {
    %get3A = arith.constant 0 : index
    %get3A_0 = arith.constant 0 : index
    %get3A_1 = arith.constant 0 : index
    %get3A_2 = vector.load %arg2[%get3A, %get3A_0, %get3A_1] : memref<1x19x131072xf32, #tpu.memory_space<vmem>>, vector<1x19x131072xf32>
    %get3A_3 = vector.shape_cast %get3A_2 : vector<1x19x131072xf32> to vector<19x131072xf32>
    %get3A_4 = arith.constant 0 : index
    %get3A_5 = arith.constant 0 : index
    %get3A_6 = arith.constant 0 : index
    %get3A_7 = vector.load %arg3[%get3A_4, %get3A_5, %get3A_6] : memref<1x1x131072xi32, #tpu.memory_space<vmem>>, vector<1x1x131072xi32>
    %get3A_8 = vector.shape_cast %get3A_7 : vector<1x1x131072xi32> to vector<131072xi32>
    %exp3A = math.exp %get3A_3 : vector<19x131072xf32>
    %iota3A = tpu.iota {dimensions = array<i32: 0>} : vector<19x131072xi32>
    %broadcast_in_dim3A = vector.shape_cast %get3A_8 : vector<131072xi32> to vector<1x131072xi32>
    %eq3A = vector.broadcast %broadcast_in_dim3A : vector<1x131072xi32> to vector<19x131072xi32>
    %eq3A_9 = arith.cmpi eq, %iota3A, %eq3A : vector<19x131072xi32>
    %jit3A = arith.constant 0.000000e+00 : f32
    %broadcast_in_dim3A_10 = vector.broadcast %jit3A : f32 to vector<19x131072xf32>
    %select_n3A = arith.select %eq3A_9, %get3A_3, %broadcast_in_dim3A_10 : vector<19x131072xi1>, vector<19x131072xf32>
    %broadcast_in_dim3A_11 = arith.constant 1.000000e+00 : f32
    %broadcast_in_dim3A_12 = vector.broadcast %broadcast_in_dim3A_11 : f32 to vector<1x19xf32>
    %dot_general3A = arith.constant dense<0.000000e+00> : vector<1x131072xf32>
    %dot_general3A_13 = tpu.matmul %broadcast_in_dim3A_12, %exp3A, %dot_general3A {dimension_numbers = #tpu.dot_dimension_numbers<[1], [0], [0], [1], [0, 0, 1, 1], [], []>, transpose_lhs_hint = false} : vector<1x19xf32>, vector<19x131072xf32>, vector<1x131072xf32> -> vector<1x131072xf32>
    %dot_general3A_14 = arith.constant dense<0.000000e+00> : vector<1x131072xf32>
    %dot_general3A_15 = tpu.matmul %broadcast_in_dim3A_12, %select_n3A, %dot_general3A_14 {dimension_numbers = #tpu.dot_dimension_numbers<[1], [0], [0], [1], [0, 0, 1, 1], [], []>, transpose_lhs_hint = false} : vector<1x19xf32>, vector<19x131072xf32>, vector<1x131072xf32> -> vector<1x131072xf32>
    %squeeze3A = vector.shape_cast %dot_general3A_13 : vector<1x131072xf32> to vector<131072xf32>
    %log3A = math.log %squeeze3A : vector<131072xf32>
    %squeeze3A_16 = vector.shape_cast %dot_general3A_15 : vector<1x131072xf32> to vector<131072xf32>
    %sub3A = arith.subf %log3A, %squeeze3A_16 : vector<131072xf32>
    %max3A = arith.constant 0.000000e+00 : f32
    %max3A_17 = vector.broadcast %max3A : f32 to vector<131072xf32>
    %max3A_18 = arith.maximumf %sub3A, %max3A_17 : vector<131072xf32>
    %bitcast_convert_type3A = tpu.bitcast %max3A_18 : vector<131072xf32> -> vector<131072xi32>
    %swap3A = arith.constant 0 : index
    %swap3A_19 = arith.constant 0 : index
    %swap3A_20 = arith.constant 0 : index
    %swap3A_21 = vector.load %arg4[%swap3A, %swap3A_19, %swap3A_20] : memref<1x1x131072xi32, #tpu.memory_space<vmem>>, vector<1x1x131072xi32>
    %swap3A_22 = vector.shape_cast %swap3A_21 : vector<1x1x131072xi32> to vector<131072xi32>
    %swap3A_23 = vector.shape_cast %bitcast_convert_type3A : vector<131072xi32> to vector<1x1x131072xi32>
    tpu.vector_store %arg4[%swap3A, %swap3A_19, %swap3A_20], %swap3A_23 {strides = array<i32>} : memref<1x1x131072xi32, #tpu.memory_space<vmem>>, vector<1x1x131072xi32>,
    %gt3A = arith.constant 0.699999988 : f32
    %gt3A_24 = vector.broadcast %gt3A : f32 to vector<131072xf32>
    %gt3A_25 = arith.cmpf ogt, %max3A_18, %gt3A_24 : vector<131072xf32>
    %convert_element_type3A = arith.extui %gt3A_25 : vector<131072xi1> to vector<131072xi32>
    %convert_element_type3A_26 = arith.sitofp %convert_element_type3A : vector<131072xi32> to vector<131072xf32>
    %reduce_sum3A = vector.shape_cast %convert_element_type3A_26 : vector<131072xf32> to vector<1x131072xf32>
    %reduce_sum3A_27 = arith.constant dense<0.000000e+00> : vector<1xf32>
    %reduce_sum3A_28 = vector.multi_reduction <add>, %reduce_sum3A, %reduce_sum3A_27 [1] : vector<1x131072xf32> to vector<1xf32>
    %reduce_sum3A_29 = vector.shape_cast %reduce_sum3A_28 : vector<1xf32> to vector<1x1xf32>
    %reduce_sum3A_30 = vector.extract %reduce_sum3A_29[0, 0] : f32 from vector<1x1xf32>
    %gt3A_31 = arith.constant 0.699999988 : f32
    %gt3A_32 = vector.broadcast %gt3A_31 : f32 to vector<131072xf32>
    %gt3A_33 = arith.cmpf ogt, %max3A_18, %gt3A_32 : vector<131072xf32>
    %jit3A_34 = arith.constant 0.000000e+00 : f32
    %broadcast_in_dim3A_35 = vector.broadcast %jit3A_34 : f32 to vector<131072xf32>
    %select_n3A_36 = arith.select %gt3A_33, %max3A_18, %broadcast_in_dim3A_35 : vector<131072xi1>, vector<131072xf32>
    %reduce_sum3A_37 = vector.shape_cast %select_n3A_36 : vector<131072xf32> to vector<1x131072xf32>
    %reduce_sum3A_38 = arith.constant dense<0.000000e+00> : vector<1xf32>
    %reduce_sum3A_39 = vector.multi_reduction <add>, %reduce_sum3A_37, %reduce_sum3A_38 [1] : vector<1x131072xf32> to vector<1xf32>
    %reduce_sum3A_40 = vector.shape_cast %reduce_sum3A_39 : vector<1xf32> to vector<1x1xf32>
    %reduce_sum3A_41 = vector.extract %reduce_sum3A_40[0, 0] : f32 from vector<1x1xf32>
    %gt3A_42 = arith.constant 0.356674939 : f32
    %gt3A_43 = vector.broadcast %gt3A_42 : f32 to vector<131072xf32>
    %gt3A_44 = arith.cmpf ogt, %max3A_18, %gt3A_43 : vector<131072xf32>
    %convert_element_type3A_45 = arith.extui %gt3A_44 : vector<131072xi1> to vector<131072xi32>
    %convert_element_type3A_46 = arith.sitofp %convert_element_type3A_45 : vector<131072xi32> to vector<131072xf32>
    %reduce_sum3A_47 = vector.shape_cast %convert_element_type3A_46 : vector<131072xf32> to vector<1x131072xf32>
    %reduce_sum3A_48 = arith.constant dense<0.000000e+00> : vector<1xf32>
    %reduce_sum3A_49 = vector.multi_reduction <add>, %reduce_sum3A_47, %reduce_sum3A_48 [1] : vector<1x131072xf32> to vector<1xf32>
    %reduce_sum3A_50 = vector.shape_cast %reduce_sum3A_49 : vector<1xf32> to vector<1x1xf32>
    %reduce_sum3A_51 = vector.extract %reduce_sum3A_50[0, 0] : f32 from vector<1x1xf32>
    %iota3A_52 = tpu.iota {dimensions = array<i32: 1>} : vector<1x128xi32>
    %eq3A_53 = arith.constant 0 : i32
    %eq3A_54 = vector.broadcast %eq3A_53 : i32 to vector<1x128xi32>
    %eq3A_55 = arith.cmpi eq, %iota3A_52, %eq3A_54 : vector<1x128xi32>
    %eq3A_56 = arith.constant 1 : i32
    %eq3A_57 = vector.broadcast %eq3A_56 : i32 to vector<1x128xi32>
    %eq3A_58 = arith.cmpi eq, %iota3A_52, %eq3A_57 : vector<1x128xi32>
    %eq3A_59 = arith.constant 2 : i32
    %eq3A_60 = vector.broadcast %eq3A_59 : i32 to vector<1x128xi32>
    %eq3A_61 = arith.cmpi eq, %iota3A_52, %eq3A_60 : vector<1x128xi32>
    %jit3A_62 = arith.constant 0.000000e+00 : f32
    %broadcast_in_dim3A_63 = vector.broadcast %reduce_sum3A_51 : f32 to vector<1x128xf32>
    %broadcast_in_dim3A_64 = vector.broadcast %jit3A_62 : f32 to vector<1x128xf32>
    %select_n3A_65 = arith.select %eq3A_61, %broadcast_in_dim3A_63, %broadcast_in_dim3A_64 : vector<1x128xi1>, vector<1x128xf32>
    %broadcast_in_dim3A_66 = vector.broadcast %reduce_sum3A_41 : f32 to vector<1x128xf32>
    %select_n3A_67 = arith.select %eq3A_58, %broadcast_in_dim3A_66, %select_n3A_65 : vector<1x128xi1>, vector<1x128xf32>
    %broadcast_in_dim3A_68 = vector.broadcast %reduce_sum3A_30 : f32 to vector<1x128xf32>
    %select_n3A_69 = arith.select %eq3A_55, %broadcast_in_dim3A_68, %select_n3A_67 : vector<1x128xi1>, vector<1x128xf32>
    %eq3A_70 = arith.constant 0 : i32
    %eq3A_71 = arith.cmpi eq, %arg0, %eq3A_70 : i32
    %eq3A_72 = arith.constant 0 : i32
    %eq3A_73 = arith.cmpi eq, %arg1, %eq3A_72 : i32
    %and3A = arith.andi %eq3A_71, %eq3A_73 : i1
    %convert_element_type3A_74 = arith.extui %and3A : i1 to i32
    %cond3A = arith.constant 0 : i32
    %cond3A_75 = arith.cmpi ne, %convert_element_type3A_74, %cond3A : i32
    scf.if %cond3A_75 {
      %swap3A_80 = arith.constant 0 : index
      %swap3A_81 = arith.constant 0 : index
      %swap3A_82 = vector.load %arg5[%swap3A_80, %swap3A_81] : memref<1x128xf32, #tpu.memory_space<vmem>>, vector<1x128xf32>
      tpu.vector_store %arg5[%swap3A_80, %swap3A_81], %select_n3A_69 {strides = array<i32>} : memref<1x128xf32, #tpu.memory_space<vmem>>, vector<1x128xf32>,
    } else {
    }
    %not3A = arith.constant true
    %not3A_76 = arith.xori %and3A, %not3A : i1
    %convert_element_type3A_77 = arith.extui %not3A_76 : i1 to i32
    %cond3A_78 = arith.constant 0 : i32
    %cond3A_79 = arith.cmpi ne, %convert_element_type3A_77, %cond3A_78 : i32
    scf.if %cond3A_79 {
      %get3A_80 = arith.constant 0 : index
      %get3A_81 = arith.constant 0 : index
      %get3A_82 = vector.load %arg5[%get3A_80, %get3A_81] : memref<1x128xf32, #tpu.memory_space<vmem>>, vector<1x128xf32>
      %add3A = arith.addf %get3A_82, %select_n3A_69 : vector<1x128xf32>
      %swap3A_83 = arith.constant 0 : index
      %swap3A_84 = arith.constant 0 : index
      %swap3A_85 = vector.load %arg5[%swap3A_83, %swap3A_84] : memref<1x128xf32, #tpu.memory_space<vmem>>, vector<1x128xf32>
      tpu.vector_store %arg5[%swap3A_83, %swap3A_84], %add3A {strides = array<i32>} : memref<1x128xf32, #tpu.memory_space<vmem>>, vector<1x128xf32>,
    } else {
    }
    return
  }
  func.func @transform_0(%arg0: i32, %arg1: i32) -> (i32, i32, i32) {
    %c0_i32 = arith.constant 0 : i32
    %c0_i32_0 = arith.constant 0 : i32
    return %arg0, %c0_i32, %arg1 : i32, i32, i32
  }
  func.func @transform_1(%arg0: i32, %arg1: i32) -> (i32, i32, i32) {
    %mul3A = arith.constant 2 : i32
    %mul3A_0 = arith.muli %arg0, %mul3A : i32
    %add3A = arith.addi %mul3A_0, %arg1 : i32
    %c0_i32 = arith.constant 0 : i32
    %c0_i32_1 = arith.constant 0 : i32
    %c0_i32_2 = arith.constant 0 : i32
    return %add3A, %c0_i32, %c0_i32_1 : i32, i32, i32
  }
  func.func @transform_2(%arg0: i32, %arg1: i32) -> (i32, i32, i32) {
    %mul3A = arith.constant 2 : i32
    %mul3A_0 = arith.muli %arg0, %mul3A : i32
    %add3A = arith.addi %mul3A_0, %arg1 : i32
    %c0_i32 = arith.constant 0 : i32
    %c0_i32_1 = arith.constant 0 : i32
    %c0_i32_2 = arith.constant 0 : i32
    return %add3A, %c0_i32, %c0_i32_1 : i32, i32, i32
  }
  func.func @transform_3(%arg0: i32, %arg1: i32) -> (i32, i32) {
    %c0_i32 = arith.constant 0 : i32
    %c0_i32_0 = arith.constant 0 : i32
    %c0_i32_1 = arith.constant 0 : i32
    return %c0_i32, %c0_i32_0 : i32, i32
  }
}

module attributes {stable_mosaic.version = 14 : i64} {
  func.func @_final_body(%arg0: i32, %arg1: memref<512x2049xi32, #tpu.memory_space<vmem>>, %arg2: memref<1x128xi32, #tpu.memory_space<vmem>>, %arg3: memref<1x128xf32, #tpu.memory_space<vmem>>, %arg4: memref<1x128xf32, #tpu.memory_space<vmem>>, %arg5: memref<1x1x131072xi32, #tpu.memory_space<vmem>>, %arg6: memref<1x128xf32, #tpu.memory_space<vmem>>, %arg7: memref<2xi32, #tpu.memory_space<smem>>, %arg8: memref<8xf32, #tpu.memory_space<smem>>) attributes {dimension_semantics = [#tpu.dimension_semantics<arbitrary>], iteration_bounds = array<i64: 16>, scalar_prefetch = 0 : i64, scratch_operands = 2 : i64, tpu.core_type = #tpu.core_type<tc>, window_params = [{pipeline_mode = #tpu.pipeline_mode<synchronous>, transform_indices = @transform_0, window_bounds = array<i64: 512, 2049>}, {pipeline_mode = #tpu.pipeline_mode<synchronous>, transform_indices = @transform_1, window_bounds = array<i64: 1, 128>}, {pipeline_mode = #tpu.pipeline_mode<synchronous>, transform_indices = @transform_2, window_bounds = array<i64: 1, 128>}, {pipeline_mode = #tpu.pipeline_mode<synchronous>, transform_indices = @transform_3, window_bounds = array<i64: 1, 128>}, {transform_indices = @transform_4, window_bounds = array<i64: 1, 1, 131072>}, {pipeline_mode = #tpu.pipeline_mode<synchronous>, transform_indices = @transform_5, window_bounds = array<i64: 1, 128>}]} {
    %eq3A = arith.constant 0 : i32
    %eq3A_0 = arith.cmpi eq, %arg0, %eq3A : i32
    %convert_element_type3A = arith.extui %eq3A_0 : i1 to i32
    %cond3A = arith.constant 0 : i32
    %cond3A_1 = arith.cmpi ne, %convert_element_type3A, %cond3A : i32
    scf.if %cond3A_1 {
      %get3A_21 = arith.constant 0 : index
      %get3A_22 = arith.constant 0 : index
      %get3A_23 = vector.load %arg1[%get3A_21, %get3A_22] : memref<512x2049xi32, #tpu.memory_space<vmem>>, vector<512x2049xi32>
      %slice3A = vector.extract_strided_slice %get3A_23 {offsets = [0, 0], sizes = [512, 2048], strides = [1, 1]} : vector<512x2049xi32> to vector<512x2048xi32>
      %convert_element_type3A_24 = arith.sitofp %slice3A : vector<512x2048xi32> to vector<512x2048xf32>
      %reduce_sum3A_25 = arith.constant dense<0.000000e+00> : vector<2048xf32>
      %reduce_sum3A_26 = vector.multi_reduction <add>, %convert_element_type3A_24, %reduce_sum3A_25 [0] : vector<512x2048xf32> to vector<2048xf32>
      %reshape3A = vector.shape_cast %reduce_sum3A_26 : vector<2048xf32> to vector<16x128xf32>
      %get3A_27 = arith.constant 0 : index
      %get3A_28 = arith.constant 0 : index
      %get3A_29 = vector.load %arg2[%get3A_27, %get3A_28] : memref<1x128xi32, #tpu.memory_space<vmem>>, vector<1x128xi32>
      %reduce_max3A = vector.shape_cast %get3A_29 : vector<1x128xi32> to vector<1x1x128xi32>
      %reduce_max3A_30 = arith.constant dense<-2147483648> : vector<1xi32>
      %reduce_max3A_31 = vector.multi_reduction <maxsi>, %reduce_max3A, %reduce_max3A_30 [1, 2] : vector<1x1x128xi32> to vector<1xi32>
      %reduce_max3A_32 = vector.shape_cast %reduce_max3A_31 : vector<1xi32> to vector<1x1x1xi32>
      %reduce_max3A_33 = vector.extract %reduce_max3A_32[0, 0, 0] : i32 from vector<1x1x1xi32>
      %get3A_34 = arith.constant 0 : index
      %get3A_35 = arith.constant 0 : index
      %get3A_36 = vector.load %arg3[%get3A_34, %get3A_35] : memref<1x128xf32, #tpu.memory_space<vmem>>, vector<1x128xf32>
      %iota3A = tpu.iota {dimensions = array<i32: 1>} : vector<1x128xi32>
      %eq3A_37 = arith.constant 0 : i32
      %eq3A_38 = vector.broadcast %eq3A_37 : i32 to vector<1x128xi32>
      %eq3A_39 = arith.cmpi eq, %iota3A, %eq3A_38 : vector<1x128xi32>
      %jit3A_40 = arith.constant 0.000000e+00 : f32
      %broadcast_in_dim3A_41 = vector.broadcast %jit3A_40 : f32 to vector<1x128xf32>
      %select_n3A_42 = arith.select %eq3A_39, %get3A_36, %broadcast_in_dim3A_41 : vector<1x128xi1>, vector<1x128xf32>
      %reduce_sum3A_43 = vector.shape_cast %select_n3A_42 : vector<1x128xf32> to vector<1x1x128xf32>
      %reduce_sum3A_44 = arith.constant dense<0.000000e+00> : vector<1xf32>
      %reduce_sum3A_45 = vector.multi_reduction <add>, %reduce_sum3A_43, %reduce_sum3A_44 [1, 2] : vector<1x1x128xf32> to vector<1xf32>
      %reduce_sum3A_46 = vector.shape_cast %reduce_sum3A_45 : vector<1xf32> to vector<1x1x1xf32>
      %reduce_sum3A_47 = vector.extract %reduce_sum3A_46[0, 0, 0] : f32 from vector<1x1x1xf32>
      %get3A_48 = arith.constant 0 : index
      %get3A_49 = arith.constant 0 : index
      %get3A_50 = vector.load %arg4[%get3A_48, %get3A_49] : memref<1x128xf32, #tpu.memory_space<vmem>>, vector<1x128xf32>
      %eq3A_51 = arith.constant 0 : i32
      %eq3A_52 = vector.broadcast %eq3A_51 : i32 to vector<1x128xi32>
      %eq3A_53 = arith.cmpi eq, %iota3A, %eq3A_52 : vector<1x128xi32>
      %jit3A_54 = arith.constant 0.000000e+00 : f32
      %broadcast_in_dim3A_55 = vector.broadcast %jit3A_54 : f32 to vector<1x128xf32>
      %select_n3A_56 = arith.select %eq3A_53, %get3A_50, %broadcast_in_dim3A_55 : vector<1x128xi1>, vector<1x128xf32>
      %reduce_sum3A_57 = vector.shape_cast %select_n3A_56 : vector<1x128xf32> to vector<1x1x128xf32>
      %reduce_sum3A_58 = arith.constant dense<0.000000e+00> : vector<1xf32>
      %reduce_sum3A_59 = vector.multi_reduction <add>, %reduce_sum3A_57, %reduce_sum3A_58 [1, 2] : vector<1x1x128xf32> to vector<1xf32>
      %reduce_sum3A_60 = vector.shape_cast %reduce_sum3A_59 : vector<1xf32> to vector<1x1x1xf32>
      %reduce_sum3A_61 = vector.extract %reduce_sum3A_60[0, 0, 0] : f32 from vector<1x1x1xf32>
      %eq3A_62 = arith.constant 1 : i32
      %eq3A_63 = vector.broadcast %eq3A_62 : i32 to vector<1x128xi32>
      %eq3A_64 = arith.cmpi eq, %iota3A, %eq3A_63 : vector<1x128xi32>
      %jit3A_65 = arith.constant 0.000000e+00 : f32
      %broadcast_in_dim3A_66 = vector.broadcast %jit3A_65 : f32 to vector<1x128xf32>
      %select_n3A_67 = arith.select %eq3A_64, %get3A_50, %broadcast_in_dim3A_66 : vector<1x128xi1>, vector<1x128xf32>
      %reduce_sum3A_68 = vector.shape_cast %select_n3A_67 : vector<1x128xf32> to vector<1x1x128xf32>
      %reduce_sum3A_69 = arith.constant dense<0.000000e+00> : vector<1xf32>
      %reduce_sum3A_70 = vector.multi_reduction <add>, %reduce_sum3A_68, %reduce_sum3A_69 [1, 2] : vector<1x1x128xf32> to vector<1xf32>
      %reduce_sum3A_71 = vector.shape_cast %reduce_sum3A_70 : vector<1xf32> to vector<1x1x1xf32>
      %reduce_sum3A_72 = vector.extract %reduce_sum3A_71[0, 0, 0] : f32 from vector<1x1x1xf32>
      %eq3A_73 = arith.constant 2 : i32
      %eq3A_74 = vector.broadcast %eq3A_73 : i32 to vector<1x128xi32>
      %eq3A_75 = arith.cmpi eq, %iota3A, %eq3A_74 : vector<1x128xi32>
      %jit3A_76 = arith.constant 0.000000e+00 : f32
      %broadcast_in_dim3A_77 = vector.broadcast %jit3A_76 : f32 to vector<1x128xf32>
      %select_n3A_78 = arith.select %eq3A_75, %get3A_50, %broadcast_in_dim3A_77 : vector<1x128xi1>, vector<1x128xf32>
      %reduce_sum3A_79 = vector.shape_cast %select_n3A_78 : vector<1x128xf32> to vector<1x1x128xf32>
      %reduce_sum3A_80 = arith.constant dense<0.000000e+00> : vector<1xf32>
      %reduce_sum3A_81 = vector.multi_reduction <add>, %reduce_sum3A_79, %reduce_sum3A_80 [1, 2] : vector<1x1x128xf32> to vector<1xf32>
      %reduce_sum3A_82 = vector.shape_cast %reduce_sum3A_81 : vector<1xf32> to vector<1x1x1xf32>
      %reduce_sum3A_83 = vector.extract %reduce_sum3A_82[0, 0, 0] : f32 from vector<1x1x1xf32>
      %slice3A_84 = vector.extract_strided_slice %reshape3A {offsets = [0, 1], sizes = [16, 127], strides = [1, 1]} : vector<16x128xf32> to vector<16x127xf32>
      %broadcast_in_dim3A_85 = arith.constant 0.000000e+00 : f32
      %broadcast_in_dim3A_86 = vector.broadcast %broadcast_in_dim3A_85 : f32 to vector<16x1xf32>
      %concatenate3A = tpu.concatenate %slice3A_84, %broadcast_in_dim3A_86 in 1 : vector<16x127xf32>, vector<16x1xf32> -> vector<16x128xf32>
      %add3A_87 = arith.addf %reshape3A, %concatenate3A : vector<16x128xf32>
      %slice3A_88 = vector.extract_strided_slice %add3A_87 {offsets = [0, 2], sizes = [16, 126], strides = [1, 1]} : vector<16x128xf32> to vector<16x126xf32>
      %broadcast_in_dim3A_89 = arith.constant 0.000000e+00 : f32
      %broadcast_in_dim3A_90 = vector.broadcast %broadcast_in_dim3A_89 : f32 to vector<16x2xf32>
      %concatenate3A_91 = tpu.concatenate %slice3A_88, %broadcast_in_dim3A_90 in 1 : vector<16x126xf32>, vector<16x2xf32> -> vector<16x128xf32>
      %add3A_92 = arith.addf %add3A_87, %concatenate3A_91 : vector<16x128xf32>
      %slice3A_93 = vector.extract_strided_slice %add3A_92 {offsets = [0, 4], sizes = [16, 124], strides = [1, 1]} : vector<16x128xf32> to vector<16x124xf32>
      %broadcast_in_dim3A_94 = arith.constant 0.000000e+00 : f32
      %broadcast_in_dim3A_95 = vector.broadcast %broadcast_in_dim3A_94 : f32 to vector<16x4xf32>
      %concatenate3A_96 = tpu.concatenate %slice3A_93, %broadcast_in_dim3A_95 in 1 : vector<16x124xf32>, vector<16x4xf32> -> vector<16x128xf32>
      %add3A_97 = arith.addf %add3A_92, %concatenate3A_96 : vector<16x128xf32>
      %slice3A_98 = vector.extract_strided_slice %add3A_97 {offsets = [0, 8], sizes = [16, 120], strides = [1, 1]} : vector<16x128xf32> to vector<16x120xf32>
      %broadcast_in_dim3A_99 = arith.constant 0.000000e+00 : f32
      %broadcast_in_dim3A_100 = vector.broadcast %broadcast_in_dim3A_99 : f32 to vector<16x8xf32>
      %concatenate3A_101 = tpu.concatenate %slice3A_98, %broadcast_in_dim3A_100 in 1 : vector<16x120xf32>, vector<16x8xf32> -> vector<16x128xf32>
      %add3A_102 = arith.addf %add3A_97, %concatenate3A_101 : vector<16x128xf32>
      %slice3A_103 = vector.extract_strided_slice %add3A_102 {offsets = [0, 16], sizes = [16, 112], strides = [1, 1]} : vector<16x128xf32> to vector<16x112xf32>
      %broadcast_in_dim3A_104 = arith.constant 0.000000e+00 : f32
      %broadcast_in_dim3A_105 = vector.broadcast %broadcast_in_dim3A_104 : f32 to vector<16x16xf32>
      %concatenate3A_106 = tpu.concatenate %slice3A_103, %broadcast_in_dim3A_105 in 1 : vector<16x112xf32>, vector<16x16xf32> -> vector<16x128xf32>
      %add3A_107 = arith.addf %add3A_102, %concatenate3A_106 : vector<16x128xf32>
      %slice3A_108 = vector.extract_strided_slice %add3A_107 {offsets = [0, 32], sizes = [16, 96], strides = [1, 1]} : vector<16x128xf32> to vector<16x96xf32>
      %broadcast_in_dim3A_109 = arith.constant 0.000000e+00 : f32
      %broadcast_in_dim3A_110 = vector.broadcast %broadcast_in_dim3A_109 : f32 to vector<16x32xf32>
      %concatenate3A_111 = tpu.concatenate %slice3A_108, %broadcast_in_dim3A_110 in 1 : vector<16x96xf32>, vector<16x32xf32> -> vector<16x128xf32>
      %add3A_112 = arith.addf %add3A_107, %concatenate3A_111 : vector<16x128xf32>
      %slice3A_113 = vector.extract_strided_slice %add3A_112 {offsets = [0, 64], sizes = [16, 64], strides = [1, 1]} : vector<16x128xf32> to vector<16x64xf32>
      %broadcast_in_dim3A_114 = arith.constant 0.000000e+00 : f32
      %broadcast_in_dim3A_115 = vector.broadcast %broadcast_in_dim3A_114 : f32 to vector<16x64xf32>
      %concatenate3A_116 = tpu.concatenate %slice3A_113, %broadcast_in_dim3A_115 in 1 : vector<16x64xf32>, vector<16x64xf32> -> vector<16x128xf32>
      %add3A_117 = arith.addf %add3A_112, %concatenate3A_116 : vector<16x128xf32>
      %slice3A_118 = vector.extract_strided_slice %add3A_117 {offsets = [0, 0], sizes = [16, 1], strides = [1, 1]} : vector<16x128xf32> to vector<16x1xf32>
      %slice3A_119 = vector.extract_strided_slice %slice3A_118 {offsets = [1, 0], sizes = [15, 1], strides = [1, 1]} : vector<16x1xf32> to vector<15x1xf32>
      %broadcast_in_dim3A_120 = arith.constant 0.000000e+00 : f32
      %broadcast_in_dim3A_121 = vector.broadcast %broadcast_in_dim3A_120 : f32 to vector<1x1xf32>
      %concatenate3A_122 = tpu.concatenate %slice3A_119, %broadcast_in_dim3A_121 in 0 : vector<15x1xf32>, vector<1x1xf32> -> vector<16x1xf32>
      %add3A_123 = arith.addf %slice3A_118, %concatenate3A_122 : vector<16x1xf32>
      %slice3A_124 = vector.extract_strided_slice %add3A_123 {offsets = [2, 0], sizes = [14, 1], strides = [1, 1]} : vector<16x1xf32> to vector<14x1xf32>
      %broadcast_in_dim3A_125 = arith.constant 0.000000e+00 : f32
      %broadcast_in_dim3A_126 = vector.broadcast %broadcast_in_dim3A_125 : f32 to vector<2x1xf32>
      %concatenate3A_127 = tpu.concatenate %slice3A_124, %broadcast_in_dim3A_126 in 0 : vector<14x1xf32>, vector<2x1xf32> -> vector<16x1xf32>
      %add3A_128 = arith.addf %add3A_123, %concatenate3A_127 : vector<16x1xf32>
      %slice3A_129 = vector.extract_strided_slice %add3A_128 {offsets = [4, 0], sizes = [12, 1], strides = [1, 1]} : vector<16x1xf32> to vector<12x1xf32>
      %broadcast_in_dim3A_130 = arith.constant 0.000000e+00 : f32
      %broadcast_in_dim3A_131 = vector.broadcast %broadcast_in_dim3A_130 : f32 to vector<4x1xf32>
      %concatenate3A_132 = tpu.concatenate %slice3A_129, %broadcast_in_dim3A_131 in 0 : vector<12x1xf32>, vector<4x1xf32> -> vector<16x1xf32>
      %add3A_133 = arith.addf %add3A_128, %concatenate3A_132 : vector<16x1xf32>
      %slice3A_134 = vector.extract_strided_slice %add3A_133 {offsets = [8, 0], sizes = [8, 1], strides = [1, 1]} : vector<16x1xf32> to vector<8x1xf32>
      %broadcast_in_dim3A_135 = arith.constant 0.000000e+00 : f32
      %broadcast_in_dim3A_136 = vector.broadcast %broadcast_in_dim3A_135 : f32 to vector<8x1xf32>
      %concatenate3A_137 = tpu.concatenate %slice3A_134, %broadcast_in_dim3A_136 in 0 : vector<8x1xf32>, vector<8x1xf32> -> vector<16x1xf32>
      %add3A_138 = arith.addf %add3A_133, %concatenate3A_137 : vector<16x1xf32>
      %sub3A = arith.subf %add3A_138, %slice3A_118 : vector<16x1xf32>
      %add3A_139 = vector.broadcast %sub3A : vector<16x1xf32> to vector<16x128xf32>
      %add3A_140 = arith.addf %add3A_117, %add3A_139 : vector<16x128xf32>
      %sub3A_141 = arith.constant 5.000000e-01 : f32
      %sub3A_142 = arith.subf %reduce_sum3A_47, %sub3A_141 : f32
      %ge3A = vector.broadcast %sub3A_142 : f32 to vector<16x128xf32>
      %ge3A_143 = arith.cmpf oge, %add3A_140, %ge3A : vector<16x128xf32>
      %convert_element_type3A_144 = arith.extui %ge3A_143 : vector<16x128xi1> to vector<16x128xi32>
      %convert_element_type3A_145 = arith.sitofp %convert_element_type3A_144 : vector<16x128xi32> to vector<16x128xf32>
      %reduce_sum3A_146 = vector.shape_cast %convert_element_type3A_145 : vector<16x128xf32> to vector<1x16x128xf32>
      %reduce_sum3A_147 = arith.constant dense<0.000000e+00> : vector<1xf32>
      %reduce_sum3A_148 = vector.multi_reduction <add>, %reduce_sum3A_146, %reduce_sum3A_147 [1, 2] : vector<1x16x128xf32> to vector<1xf32>
      %reduce_sum3A_149 = vector.shape_cast %reduce_sum3A_148 : vector<1xf32> to vector<1x1x1xf32>
      %reduce_sum3A_150 = vector.extract %reduce_sum3A_149[0, 0, 0] : f32 from vector<1x1x1xf32>
      %sub3A_151 = arith.constant 1.000000e+00 : f32
      %sub3A_152 = arith.subf %reduce_sum3A_150, %sub3A_151 : f32
      %iota3A_153 = tpu.iota {dimensions = array<i32: 0>} : vector<16x128xi32>
      %mul3A = arith.constant 128 : i32
      %mul3A_154 = vector.broadcast %mul3A : i32 to vector<16x128xi32>
      %mul3A_155 = arith.muli %iota3A_153, %mul3A_154 : vector<16x128xi32>
      %iota3A_156 = tpu.iota {dimensions = array<i32: 1>} : vector<16x128xi32>
      %add3A_157 = arith.addi %mul3A_155, %iota3A_156 : vector<16x128xi32>
      %convert_element_type3A_158 = arith.sitofp %add3A_157 : vector<16x128xi32> to vector<16x128xf32>
      %add3A_159 = arith.constant 5.000000e-01 : f32
      %add3A_160 = arith.addf %sub3A_152, %add3A_159 : f32
      %gt3A_161 = vector.broadcast %add3A_160 : f32 to vector<16x128xf32>
      %gt3A_162 = arith.cmpf ogt, %convert_element_type3A_158, %gt3A_161 : vector<16x128xf32>
      %jit3A_163 = arith.constant 0.000000e+00 : f32
      %broadcast_in_dim3A_164 = vector.broadcast %jit3A_163 : f32 to vector<16x128xf32>
      %select_n3A_165 = arith.select %gt3A_162, %reshape3A, %broadcast_in_dim3A_164 : vector<16x128xi1>, vector<16x128xf32>
      %reduce_sum3A_166 = vector.shape_cast %select_n3A_165 : vector<16x128xf32> to vector<1x16x128xf32>
      %reduce_sum3A_167 = arith.constant dense<0.000000e+00> : vector<1xf32>
      %reduce_sum3A_168 = vector.multi_reduction <add>, %reduce_sum3A_166, %reduce_sum3A_167 [1, 2] : vector<1x16x128xf32> to vector<1xf32>
      %reduce_sum3A_169 = vector.shape_cast %reduce_sum3A_168 : vector<1xf32> to vector<1x1x1xf32>
      %reduce_sum3A_170 = vector.extract %reduce_sum3A_169[0, 0, 0] : f32 from vector<1x1x1xf32>
      %mul3A_171 = arith.constant 2048 : i32
      %mul3A_172 = arith.muli %reduce_max3A_33, %mul3A_171 : i32
      %convert_element_type3A_173 = arith.fptosi %sub3A_152 : f32 to i32
      %add3A_174 = arith.addi %mul3A_172, %convert_element_type3A_173 : i32
      %mul3A_175 = arith.constant 512 : i32
      %mul3A_176 = arith.muli %add3A_174, %mul3A_175 : i32
      %add3A_177 = arith.constant 511 : i32
      %add3A_178 = arith.addi %mul3A_176, %add3A_177 : i32
      %swap3A_179 = arith.constant 0 : index
      %swap3A_180 = memref.load %arg7[%swap3A_179] : memref<2xi32, #tpu.memory_space<smem>>
      memref.store %add3A_178, %arg7[%swap3A_179] : memref<2xi32, #tpu.memory_space<smem>>
      %mul3A_181 = arith.constant 512 : i32
      %mul3A_182 = arith.muli %add3A_174, %mul3A_181 : i32
      %add3A_183 = arith.constant 256 : i32
      %add3A_184 = arith.addi %mul3A_182, %add3A_183 : i32
      %bitcast_convert_type3A_185 = arith.bitcast %add3A_184 : i32 to f32
      %swap3A_186 = arith.constant 0 : index
      %swap3A_187 = memref.load %arg8[%swap3A_186] : memref<8xf32, #tpu.memory_space<smem>>
      memref.store %reduce_sum3A_47, %arg8[%swap3A_186] : memref<8xf32, #tpu.memory_space<smem>>
      %swap3A_188 = arith.constant 1 : index
      %swap3A_189 = memref.load %arg8[%swap3A_188] : memref<8xf32, #tpu.memory_space<smem>>
      memref.store %reduce_sum3A_170, %arg8[%swap3A_188] : memref<8xf32, #tpu.memory_space<smem>>
      %swap3A_190 = arith.constant 2 : index
      %swap3A_191 = memref.load %arg8[%swap3A_190] : memref<8xf32, #tpu.memory_space<smem>>
      memref.store %bitcast_convert_type3A_185, %arg8[%swap3A_190] : memref<8xf32, #tpu.memory_space<smem>>
      %div3A = arith.divf %reduce_sum3A_72, %reduce_sum3A_61 : f32
      %swap3A_192 = arith.constant 3 : index
      %swap3A_193 = memref.load %arg8[%swap3A_192] : memref<8xf32, #tpu.memory_space<smem>>
      memref.store %div3A, %arg8[%swap3A_192] : memref<8xf32, #tpu.memory_space<smem>>
      %add3A_194 = arith.constant 3.355440e+05 : f32
      %add3A_195 = arith.constant 5.000000e-01 : f32
      %add3A_196 = arith.addf %add3A_194, %add3A_195 : f32
      %ge3A_197 = arith.cmpf oge, %reduce_sum3A_83, %add3A_196 : f32
      %jit3A_198 = arith.constant 1.000000e+00 : f32
      %jit3A_199 = arith.constant 0.000000e+00 : f32
      %select_n3A_200 = arith.select %ge3A_197, %jit3A_198, %jit3A_199 : f32
      %swap3A_201 = arith.constant 4 : index
      %swap3A_202 = memref.load %arg8[%swap3A_201] : memref<8xf32, #tpu.memory_space<smem>>
      memref.store %select_n3A_200, %arg8[%swap3A_201] : memref<8xf32, #tpu.memory_space<smem>>
      %swap3A_203 = arith.constant 0.000000e+00 : f32
      %swap3A_204 = arith.constant 5 : index
      %swap3A_205 = memref.load %arg8[%swap3A_204] : memref<8xf32, #tpu.memory_space<smem>>
      memref.store %swap3A_203, %arg8[%swap3A_204] : memref<8xf32, #tpu.memory_space<smem>>
    } else {
    }
    %get3A = arith.constant 0 : index
    %get3A_2 = arith.constant 0 : index
    %get3A_3 = arith.constant 0 : index
    %get3A_4 = vector.load %arg5[%get3A, %get3A_2, %get3A_3] : memref<1x1x131072xi32, #tpu.memory_space<vmem>>, vector<1x1x131072xi32>
    %get3A_5 = vector.shape_cast %get3A_4 : vector<1x1x131072xi32> to vector<131072xi32>
    %get3A_6 = arith.constant 0 : index
    %get3A_7 = memref.load %arg7[%get3A_6] : memref<2xi32, #tpu.memory_space<smem>>
    %bitcast_convert_type3A = tpu.bitcast %get3A_5 : vector<131072xi32> -> vector<131072xf32>
    %get3A_8 = arith.constant 5 : index
    %get3A_9 = memref.load %arg8[%get3A_8] : memref<8xf32, #tpu.memory_space<smem>>
    %gt3A = vector.broadcast %get3A_7 : i32 to vector<131072xi32>
    %gt3A_10 = arith.cmpi sgt, %get3A_5, %gt3A : vector<131072xi32>
    %jit3A = arith.constant 0.000000e+00 : f32
    %broadcast_in_dim3A = vector.broadcast %jit3A : f32 to vector<131072xf32>
    %select_n3A = arith.select %gt3A_10, %bitcast_convert_type3A, %broadcast_in_dim3A : vector<131072xi1>, vector<131072xf32>
    %reduce_sum3A = vector.shape_cast %select_n3A : vector<131072xf32> to vector<1x131072xf32>
    %reduce_sum3A_11 = arith.constant dense<0.000000e+00> : vector<1xf32>
    %reduce_sum3A_12 = vector.multi_reduction <add>, %reduce_sum3A, %reduce_sum3A_11 [1] : vector<1x131072xf32> to vector<1xf32>
    %reduce_sum3A_13 = vector.shape_cast %reduce_sum3A_12 : vector<1xf32> to vector<1x1xf32>
    %reduce_sum3A_14 = vector.extract %reduce_sum3A_13[0, 0] : f32 from vector<1x1xf32>
    %add3A = arith.addf %get3A_9, %reduce_sum3A_14 : f32
    %swap3A = arith.constant 5 : index
    %swap3A_15 = memref.load %arg8[%swap3A] : memref<8xf32, #tpu.memory_space<smem>>
    memref.store %add3A, %arg8[%swap3A] : memref<8xf32, #tpu.memory_space<smem>>
    %eq3A_16 = arith.constant 15 : i32
    %eq3A_17 = arith.cmpi eq, %arg0, %eq3A_16 : i32
    %convert_element_type3A_18 = arith.extui %eq3A_17 : i1 to i32
    %cond3A_19 = arith.constant 0 : i32
    %cond3A_20 = arith.cmpi ne, %convert_element_type3A_18, %cond3A_19 : i32
    scf.if %cond3A_20 {
      %get3A_21 = arith.constant 5 : index
      %get3A_22 = memref.load %arg8[%get3A_21] : memref<8xf32, #tpu.memory_space<smem>>
      %get3A_23 = arith.constant 0 : index
      %get3A_24 = memref.load %arg8[%get3A_23] : memref<8xf32, #tpu.memory_space<smem>>
      %get3A_25 = arith.constant 1 : index
      %get3A_26 = memref.load %arg8[%get3A_25] : memref<8xf32, #tpu.memory_space<smem>>
      %sub3A = arith.subf %get3A_24, %get3A_26 : f32
      %get3A_27 = arith.constant 2 : index
      %get3A_28 = memref.load %arg8[%get3A_27] : memref<8xf32, #tpu.memory_space<smem>>
      %mul3A = arith.mulf %sub3A, %get3A_28 : f32
      %add3A_29 = arith.addf %get3A_22, %mul3A : f32
      %div3A = arith.constant 3.355440e+05 : f32
      %div3A_30 = arith.divf %add3A_29, %div3A : f32
      %get3A_31 = arith.constant 4 : index
      %get3A_32 = memref.load %arg8[%get3A_31] : memref<8xf32, #tpu.memory_space<smem>>
      %gt3A_33 = arith.constant 5.000000e-01 : f32
      %gt3A_34 = arith.cmpf ogt, %get3A_32, %gt3A_33 : f32
      %get3A_35 = arith.constant 3 : index
      %get3A_36 = memref.load %arg8[%get3A_35] : memref<8xf32, #tpu.memory_space<smem>>
      %select_n3A_37 = arith.select %gt3A_34, %get3A_36, %div3A_30 : f32
      %broadcast_in_dim3A_38 = vector.broadcast %select_n3A_37 : f32 to vector<1x128xf32>
      %swap3A_39 = arith.constant 0 : index
      %swap3A_40 = arith.constant 0 : index
      %swap3A_41 = vector.load %arg6[%swap3A_39, %swap3A_40] : memref<1x128xf32, #tpu.memory_space<vmem>>, vector<1x128xf32>
      tpu.vector_store %arg6[%swap3A_39, %swap3A_40], %broadcast_in_dim3A_38 {strides = array<i32>} : memref<1x128xf32, #tpu.memory_space<vmem>>, vector<1x128xf32>,
    } else {
    }
    return
  }
  func.func @transform_0(%arg0: i32) -> (i32, i32) {
    %c0_i32 = arith.constant 0 : i32
    %c0_i32_0 = arith.constant 0 : i32
    %c0_i32_1 = arith.constant 0 : i32
    return %c0_i32, %c0_i32_0 : i32, i32
  }
  func.func @transform_1(%arg0: i32) -> (i32, i32) {
    %c0_i32 = arith.constant 0 : i32
    %c0_i32_0 = arith.constant 0 : i32
    %c0_i32_1 = arith.constant 0 : i32
    return %c0_i32, %c0_i32_0 : i32, i32
  }
  func.func @transform_2(%arg0: i32) -> (i32, i32) {
    %c0_i32 = arith.constant 0 : i32
    %c0_i32_0 = arith.constant 0 : i32
    %c0_i32_1 = arith.constant 0 : i32
    return %c0_i32, %c0_i32_0 : i32, i32
  }
  func.func @transform_3(%arg0: i32) -> (i32, i32) {
    %c0_i32 = arith.constant 0 : i32
    %c0_i32_0 = arith.constant 0 : i32
    %c0_i32_1 = arith.constant 0 : i32
    return %c0_i32, %c0_i32_0 : i32, i32
  }
  func.func @transform_4(%arg0: i32) -> (i32, i32, i32) {
    %c0_i32 = arith.constant 0 : i32
    %c0_i32_0 = arith.constant 0 : i32
    %c0_i32_1 = arith.constant 0 : i32
    return %arg0, %c0_i32, %c0_i32_0 : i32, i32, i32
  }
  func.func @transform_5(%arg0: i32) -> (i32, i32) {
    %c0_i32 = arith.constant 0 : i32
    %c0_i32_0 = arith.constant 0 : i32
    %c0_i32_1 = arith.constant 0 : i32
    return %c0_i32, %c0_i32_0 : i32, i32
  }
}

</mosaic_0001>

<sc_bundles>
// kernel: kernel.10.cloned.1.call-start
scs
__scs_entry_jumppad:
0x0: {  	(pc) =	sbr.rel $0x88, $3  }
0x1: {  	(tag) =	ssettag $0x0;
	lr =	simm.s32 $0x1  }
0x2: {  	[smem:$0x3F9F] =	sst lr;
	_ =	strace $0xD0000000  }
0x3: {  	_ = 	snop  }
0x4: {  	_ = 	snop  }
0x5: {  	_ = 	snop  }
0x6: {  	_ = 	snop  }
0x7: {  	_ = 	snop  }
__scs_overlays_trampoline_lowered:
0x8: {  	[smem:$0x3FAE] =	sst s0  }
0x9: {  	[smem:$0x3FAF] =	sst s1  }
0xa: {  	[smem:$0x3FB0] =	sst s2  }
0xb: {  	[smem:$0x3FB1] =	sst s3  }
0xc: {  	[smem:$0x3FB2] =	sst s4  }
0xd: {  	[smem:$0x3FB3] =	sst s5  }
0xe: {  	[smem:$0x3FB4] =	sst s6  }
0xf: {  	[smem:$0x3FB5] =	sst s7  }
0x10: {  	[smem:$0x3FB6] =	sst s8  }
0x11: {  	[smem:$0x3FB7] =	sst s9;
	s0 =	simm.s32 @!p0 $0x0  }
0x12: {  	s1 =	sld [smem:$0x3F9D];
	s0 =	simm.s32 @p0 $0x1  }
0x13: {  	[smem:$0x3FB8] =	sst s0;
	s0 =	simm.s32 @!p1 $0x0  }
0x14: {  	s2 =	sld [smem:$0x3F9C];
	s0 =	simm.s32 @p1 $0x1  }
0x15: {  	[smem:$0x3FB9] =	sst s0;
	s0 =	simm.s32 @!p2 $0x0  }
0x16: {  	s3 =	sld [smem:$0x3FDB];
	s0 =	simm.s32 @p2 $0x1  }
0x17: {  	s4 =	simm.s32 $0x1BF5;
	[smem:$0x3FBB] =	sst s0  }
0x18: {  	s0 =	sld [smem:$0x3F9E];
	_ =	swait.ge [sflag:s4], $0x0  }
0x19: {  	s7 =	sld [smem:$0x3F9F]  }
0x1a: {  	s8 =	sadd.s32 $0xFFFFE003, lr  }
0x1b: {  	s9 =	sadd.s32 $0xFFFFFEF7, lr;
	s5 =	simm.s32 $0xFFFFFFFF;
	p2 =	slt.u32 s8, $0xFFFFF086  }
0x1c: {  	p1 =	slt.u32 s9, $0xF7A;
	s5 =	simm.s32 @!p2 $0x0  }
0x1d: {  	s5 =	simm.s32 @p1 $0x1;
	p0 =	seq.s32 s7, s2  }
0x1e: {  	s7 =	smul.u32 @!p0 $0xF7A, s2;
	p2 =	seq.s32 @!p0 s5, $0x0  }
0x1f: {  	s9 =	smul.u32 $0xF7A, s1;
	s8 =	simm.s32 @!p0 $0x1BF5;
	p2 =	por !p2, p0  }
0x20: {  	[sflag:s8] =	ssyncset.s32 @!p0 $0xFFFFF086;
	s6 =	sadd.s32 @!p0 s3, s7;
	s7 =	simm.s32 @!p0 $0x108  }
0x21: {  	s3 =	sadd.s32 s3, s9;
	s6 =	sadd.s32 @!p0 $0x88, s6;
	s7 =	simm.s32 @p2 $0x1082  }
0x22: {  	[simem:s7], [sflag:s8] =	dma.local @!p0 [hbm:s6], $0xF7A  }
0x23: {  	s9 =	sor.u32 $0xD0000000, s2;
	s6 =	simm.s32 $0x108;
	_ =	swait.ge @!p0 [sflag:s8], $0x0  }
0x24: {  	s3 =	sadd.s32 $0x88, s3;
	s6 =	simm.s32 @!p1 $0x1082;
	[sflag:s4] =	ssyncset.s32 $0xFFFFF086  }
0x25: {  	[simem:s6], [sflag:s4] =	dma.local [hbm:s3], $0xF7A  }
0x26: {  	[smem:$0x3F9F] =	sst s1;
	(tag) =	ssettag s2;
	_ =	strace s9  }
0x27: {  	s1 =	sld [smem:$0x3FAF]  }
0x28: {  	s2 =	sld [smem:$0x3FB0]  }
0x29: {  	s4 =	sld [smem:$0x3FB2]  }
0x2a: {  	p0 =	seq.s32 s5, $0x0;
	s5 =	sld [smem:$0x3FB3]  }
0x2b: {  	s6 =	sld [smem:$0x3FB4]  }
0x2c: {  	s7 =	sld [smem:$0x3FB5]  }
0x2d: {  	s3 =	simm.s32 $0x108;
	s8 =	sld [smem:$0x3FB6]  }
0x2e: {  	s3 =	simm.s32 @!p0 $0x1082;
	s9 =	sld [smem:$0x3FB7]  }
0x2f: {  	lr =	sadd.s32 s0, s3;
	s0 =	sld [smem:$0x3FAE]  }
0x30: {  	s3 =	sld [smem:$0x3FB1]  }
0x31: {  	[smem:$0x3FBA] =	sst s10  }
0x32: {  	s10 =	sld [smem:$0x3FB8];
	_ =	sdelay $0x3  }
0x33: {  	p0 =	seq.s32 s10, $0x1;
	s10 =	sld [smem:$0x3FBA];
	_ =	sdelay $0x3  }
0x34: {  	[smem:$0x3FBA] =	sst s10  }
0x35: {  	s10 =	sld [smem:$0x3FB9];
	_ =	sdelay $0x3  }
0x36: {  	p1 =	seq.s32 s10, $0x1;
	s10 =	sld [smem:$0x3FBA];
	_ =	sdelay $0x3  }
0x37: {  	[smem:$0x3FBA] =	sst s10  }
0x38: {  	s10 =	sld [smem:$0x3FBB]  }
0x39: {  	_ = 	snop;
	(pc) =	sbr.ind lr, $3  }
0x3a: {  	_ = 	snop  }
0x3b: {  	_ = 	snop  }
0x3c: {  	p2 =	seq.s32 s10, $0x1;
	s10 =	sld [smem:$0x3FBA]  }
0x3d: {  	_ =	shalt  }
0x3e: {  	_ =	shalt  }
0x3f: {  	_ =	shalt  }
0x40: {  	_ =	shalt  }
0x41: {  	_ =	shalt  }
0x42: {  	_ =	shalt  }
0x43: {  	_ =	shalt  }
0x44: {  	_ =	shalt  }
0x45: {  	_ =	shalt  }
0x46: {  	_ =	shalt  }
0x47: {  	_ =	shalt  }
0x48: {  	_ =	shalt  }
0x49: {  	_ =	shalt  }
0x4a: {  	_ =	shalt  }
0x4b: {  	_ =	shalt  }
0x4c: {  	_ =	shalt  }
0x4d: {  	_ =	shalt  }
0x4e: {  	_ =	shalt  }
0x4f: {  	_ =	shalt  }
0x50: {  	_ =	shalt  }
0x51: {  	_ =	shalt  }
0x52: {  	_ =	shalt  }
0x53: {  	_ =	shalt  }
0x54: {  	_ =	shalt  }
0x55: {  	_ =	shalt  }
0x56: {  	_ =	shalt  }
0x57: {  	_ =	shalt  }
0x58: {  	_ =	shalt  }
0x59: {  	_ =	shalt  }
0x5a: {  	_ =	shalt  }
0x5b: {  	_ =	shalt  }
0x5c: {  	_ =	shalt  }
0x5d: {  	_ =	shalt  }
0x5e: {  	_ =	shalt  }
0x5f: {  	_ =	shalt  }
0x60: {  	_ =	shalt  }
0x61: {  	_ =	shalt  }
0x62: {  	_ =	shalt  }
0x63: {  	_ =	shalt  }
0x64: {  	_ =	shalt  }
0x65: {  	_ =	shalt  }
0x66: {  	_ =	shalt  }
0x67: {  	_ =	shalt  }
0x68: {  	_ =	shalt  }
0x69: {  	_ =	shalt  }
0x6a: {  	_ =	shalt  }
0x6b: {  	_ =	shalt  }
0x6c: {  	_ =	shalt  }
0x6d: {  	_ =	shalt  }
0x6e: {  	_ =	shalt  }
0x6f: {  	_ =	shalt  }
0x70: {  	_ =	shalt  }
0x71: {  	_ =	shalt  }
0x72: {  	_ =	shalt  }
0x73: {  	_ =	shalt  }
0x74: {  	_ =	shalt  }
0x75: {  	_ =	shalt  }
0x76: {  	_ =	shalt  }
0x77: {  	_ =	shalt  }
0x78: {  	_ =	shalt  }
0x79: {  	_ =	shalt  }
0x7a: {  	_ =	shalt  }
0x7b: {  	_ =	shalt  }
0x7c: {  	_ =	shalt  }
0x7d: {  	_ =	shalt  }
0x7e: {  	_ =	shalt  }
0x7f: {  	_ =	shalt  }
0x80: {  	_ =	shalt  }
0x81: {  	_ =	shalt  }
0x82: {  	_ =	shalt  }
0x83: {  	_ =	shalt  }
0x84: {  	_ =	shalt  }
0x85: {  	_ =	shalt  }
0x86: {  	_ =	shalt  }
0x87: {  	_ =	shalt  }
.Lfunc_end0:
.L_simem_size_0:
called_computation.1_lowered:
.L_overlay_start_0:
0x88: {  	s2 =	sld [smem:$0x3FD9]  }
0x89: {  	s3 =	sld [smem:$0x3FFE];
	_ =	sdelay $0x1  }
0x8a: {  	s1 =	srdreg.scid  }
0x8b: {  	s0 =	sand.u32 $0x1, s1  }
0x8c: {  	s17 =	sshll.u32 s0, $0xA;
	s2 =	sadd.s32 s3, s2  }
0x8d: {  	s2 =	sadd.s32 s2, s17  }
0x8e: {  	[smem:$0x3FC6] =	sst s2  }
0x8f: {  	_ = 	snop  }
0x90: {  	s2 =	sld [smem:$0x3FD0];
	(tm) =	ssettm $0x1  }
0x91: {  	s18 =	sld [smem:$0x3FFB];
	_ =	sdelay $0x3  }
0x92: {  	_ =	strace s18  }
0x93: {  	s3 =	sld [smem:$0x3FFC];
	_ =	sdelay $0x3  }
0x94: {  	_ =	strace s3  }
0x95: {  	s3 =	sld [smem:$0x3FFD];
	_ =	sdelay $0x3  }
0x96: {  	_ =	strace s3  }
0x97: {  	_ =	strace $0x8FFFFFFF  }
0x98: {  	s19 =	sld [smem:$0x3FDB];
	_ =	sdelay $0x1  }
0x99: {  	s4 =	simm.s32 $_scs_section_size  }
0x9a: {  	s5 =	simm.s32 $_size__tile_overlayer_lowered;
	s6 =	simm.s32 $_tile_overlayer_lowered  }
0x9b: {  	s22 =	simm.s32 $0x1BFF;
	s21 =	sshll.u32 s6, $0x1;
	s3 =	sadd.s32 s4, s19  }
0x9c: {  	s7 =	simm.s32 $0x0;
	s20 =	sshll.u32 s5, $0x1;
	s5 =	sadd.s32 s21, s3  }
0x9d: {  	[timem:s7], [sflag:s22] =	dma.local [hbm:s5], s20  }
0x9e: {  	_ =	swait.ge [sflag:s22], s20  }
0x9f: {  	s4 =	ssub.s32 $0x0, s20;
	[sflag:s22] =	ssyncset.done $0x0  }
0xa0: {  	[sflag:s22] =	ssyncadd.s32 s4;
	_ =	sdelay $0x1  }
0xa1: {  	s23 =	simm.s32 $0x1B8B  }
0xa2: {  	_ =	swait.ge [sflag:s23], $0x1  }
0xa3: {  	[sflag:s23] =	ssyncset.done $0x0  }
0xa4: {  	s25 =	simm.s32 $0x1B8E;
	s24 =	sld [smem:$0x3FFE];
	[sflag:s23] =	ssyncadd.s32 $0xFFFFFFFF  }
0xa5: {  	s26 =	simm.s32 $execute0_lowered;
	[smem:$0x3FD2] =	sst s25  }
0xa6: {  	s5 =	sshll.u32 s26, $0x1;
	_ =	strace $0x80000049;
	[dreg:$0x1] =	wrdreg $0xFFFFFFFF  }
0xa7: {  	s28 =	simm.s32 $_size_execute0_lowered;
	s3 =	sadd.s32 s3, s5;
	[dreg:$0x0] =	wrdreg $0x0  }
0xa8: {  	s5 =	sshll.u32 s28, $0x1;
	[dreg:$0x2] =	wrdreg s3  }
0xa9: {  	[dreg:$0x3] =	wrdreg s5  }
0xaa: {  	[dreg:$0x4] =	wrdreg $0xC0  }
0xab: {  	_ =	task [dreg:s7], $0x5FFFF  }
0xac: {  	[dreg:$0x1] =	wrdreg $0xFFFFFFFF  }
0xad: {  	[dreg:$0x0] =	wrdreg $0x60  }
0xae: {  	[dreg:$0x2] =	wrdreg s24  }
0xaf: {  	[dreg:$0x3] =	wrdreg s2  }
0xb0: {  	[dreg:$0x4] =	wrdreg $0x9  }
0xb1: {  	_ =	task.clear_ibuf [dreg:s7], $0x5FFFF;
	_ =	strace $0x90000049  }
0xb2: {  	s29 =	simm.s32 $0x9;
	_ =	strace $0x8000004B  }
0xb3: {  	_ =	swait.ge [sflag:s29], $0x1  }
0xb4: {  	[sflag:s29] =	ssyncadd.s32 $0xFFFFFFFF  }
0xb5: {  	_ =	strace $0x9000004B  }
0xb6: {  	_ =	sfence  }
0xb7: {  	s30 =	sld [smem:$0x0];
	_ =	sdelay $0x2  }
0xb8: {  	s31 =	sshll.u32 s1, $0xD;
	s1 =	sshrl.u32 s1, $0x2  }
0xb9: {  	s3 =	sand.u32 $0x4000, s31;
	s1 =	sadd.s32 s1, s30  }
0xba: {  	s0 =	sor.u32 s3, s0;
	s1 =	sshll.u32 s1, $0x11  }
0xbb: {  	s0 =	sor.u32 s1, s0  }
0xbc: {  	s0 =	sadd.s32 $0x8F2B, s0  }
0xbd: {  	[sflag:s0] =	ssyncadd.remote.s32 $0x1  }
0xbe: {  	_ =	sfence.sel $0xFFFF  }
0xbf: {  	[dreg:$0x0] =	wrdreg $0xFFFFFFFF;
	(pc) =	sbr.abs _section_cstart, $3  }
0xc0: {  	[dreg:$0x1] =	wrdreg $0xFFFFFFFF  }
0xc1: {  	_ =	task.clear_ibuf [dreg:s7], $0x2FFFF;
	_ =	strace $0x9FFFFFFF  }
0xc2: {  	(tm) =	ssettm $0x7FFFFFFF  }
0xc3: {  	_ =	shalt  }
tec
execute0_lowered:
.L_overlay_start_1:
0x0: {  	(tag) =	ssettag $0x1  }
0x1: {  	v0 =	vimm.s32 $0x4780;
	vm0 =	vcmask $0x300  }
0x2: {  	vm14 =	vcmask $0x704;
	v0 =	vsel vm0, $0x0, v0  }
0x3: {  	vm15 =	vcmask $0xB08;
	v0 =	vsel vm14, $0x80, v0  }
0x4: {  	vm4 =	vcmask $0xF0C;
	v0 =	vsel vm15, $0x100, v0  }
0x5: {  	vm5 =	vcmask $0x1310;
	v0 =	vsel vm4, $0x180, v0  }
0x6: {  	vm6 =	vcmask $0x1714;
	v0 =	vsel vm5, $0x200, v0  }
0x7: {  	vm7 =	vcmask $0x1B18;
	v0 =	vsel vm6, $0x280, v0  }
0x8: {  	s4 =	rddreg [dreg:$0x0];
	s1 =	srdreg.scid;
	vm8 =	vcmask $0x1F1C;
	v0 =	vsel vm7, $0x300, v0  }
0x9: {  	s0 =	stileid.u32;
	s3 =	simm.s32 $0x0;
	vm9 =	vcmask $0x2320;
	s9 =	simm.s32 $0x3;
	v0 =	vsel vm8, $0x380, v0  }
0xa: {  	vm10 =	vcmask $0x2724;
	s10 =	simm.s32 $0x1;
	s11 =	simm.s32 $0x8000;
	s12 =	simm.s32 $0x10080;
	v0 =	vsel vm9, $0x4400, v0  }
0xb: {  	vm11 =	vcmask $0x2B28;
	s13 =	simm.s32 $0x2;
	s5 =	sand.u32 $0x1, s1;
	s6 =	sshll.u32 s0, $0x1;
	v0 =	vsel vm10, $0x4480, v0  }
0xc: {  	vm12 =	vcmask $0x2F2C;
	s14 =	simm.s32 $0x0;
	[smem:$0x7FF] =	sst s3;
	s6 =	sor.u32 s5, s6;
	v0 =	vsel vm11, $0x4500, v0  }
0xd: {  	vm13 =	vcmask $0x3330;
	s5 =	ssub.s32 $0x2, s5;
	s7 =	smul.u32 $0x1100, s6;
	s6 =	sshll.u32 s6, $0xD;
	v0 =	vsel vm12, $0x4580, v0  }
0xe: {  	_ =	strace $0x8000004A;
	vm14 =	vcmask $0x3734;
	s31 =	sshrl.u32 s5, $0x1;
	s6 =	sadd.s32 s6, s4;
	v0 =	vsel vm13, $0x4600, v0  }
0xf: {  	vm15 =	vcmask $0x3B38;
	s8 =	ssub.s32 s5, s31;
	s7 =	sadd.s32 s7, s4;
	s4 =	sadd.s32 $0x1E00, s6;
	v1 =	vsel vm14, $0x4680, v0  }
0x10: {  	v2 =	vimm.s32 $0x1;
	s5 =	sadd.s32 $0x2E00, s6;
	s6 =	sadd.s32 $0x41E00, s7;
	s7 =	smax.u32 s8, $0x1;
	v0 =	vimm.s32 $0x0;
	v1 =	vsel vm15, $0x4700, v1  }
.LBB2_1:
0x11: {  	s16 =	sand.u32 $0x60, s3;
	s15 =	sand.u32 $0x3C00, s3  }
0x12: {  	s17 =	sor.u32 $0x10080, s15;
	s18 =	sor.u32 $0x10, s16  }
0x13: {  	s19 =	sor.u32 s18, s17  }
0x14: {  	[tilespmem:s19+$0x0] =	vst v0  }
0x15: {  	[tilespmem:s19+$0x80] =	vst v0  }
0x16: {  	[tilespmem:s19+$0x100] =	vst v0  }
0x17: {  	[tilespmem:s19+$0x180] =	vst v0  }
0x18: {  	[tilespmem:s19+$0x200] =	vst v0  }
0x19: {  	s17 =	sor.u32 s16, s17;
	[tilespmem:s19+$0x280] =	vst v0  }
0x1a: {  	[tilespmem:s17+$0x0] =	vst v0  }
0x1b: {  	s20 =	sand.u32 $0x3, s3;
	[tilespmem:s17+$0x80] =	vst v0  }
0x1c: {  	s20 =	sshll.u32 s20, $0x5;
	[tilespmem:s17+$0x100] =	vst v0  }
0x1d: {  	s20 =	sadd.s32 $0x0, s20;
	[tilespmem:s17+$0x180] =	vst v0  }
0x1e: {  	s21 =	sadd.s32 $0x10, s20;
	[tilespmem:s17+$0x200] =	vst v0  }
0x1f: {  	[tilespmem:s17+$0x280] =	vst v0;
	s24 =	sor.u32 $0x300, s21  }
0x20: {  	s22 =	sadd.s32 $0x14480, s15;
	s25 =	sor.u32 $0x380, s21;
	[tilespmem:s24+$0x10080] =	vst v0  }
0x21: {  	s26 =	sor.u32 s18, s22;
	s21 =	sadd.s32 $0x14500, s15;
	[tilespmem:s25+$0x10080] =	vst v0  }
0x22: {  	s23 =	sadd.s32 $0x14580, s15;
	s29 =	sor.u32 s18, s21;
	[tilespmem:s26+$0x0] =	vst v0  }
0x23: {  	s30 =	sor.u32 s18, s23;
	s24 =	sadd.s32 $0x14600, s15;
	s25 =	sadd.s32 $0x14680, s15;
	[tilespmem:s29+$0x0] =	vst v0  }
0x24: {  	s31 =	sor.u32 s18, s24;
	s26 =	sadd.s32 $0x14700, s15;
	s0 =	sor.u32 s18, s25;
	[tilespmem:s30+$0x0] =	vst v0  }
0x25: {  	s29 =	sadd.s32 $0x14780, s15;
	s1 =	sor.u32 s18, s26;
	s30 =	sadd.s32 $0x14800, s15;
	[tilespmem:s31+$0x0] =	vst v0  }
0x26: {  	s2 =	sor.u32 s18, s29;
	s8 =	sor.u32 s18, s30;
	s18 =	sor.u32 $0x300, s20;
	[tilespmem:s0+$0x0] =	vst v0  }
0x27: {  	[tilespmem:s18+$0x10080] =	vst v0  }
0x28: {  	s19 =	sor.u32 $0x380, s20;
	[tilespmem:s1+$0x0] =	vst v0  }
0x29: {  	[tilespmem:s19+$0x10080] =	vst v0  }
0x2a: {  	s20 =	sor.u32 s16, s22;
	[tilespmem:s2+$0x0] =	vst v0  }
0x2b: {  	[tilespmem:s20+$0x0] =	vst v0  }
0x2c: {  	s22 =	sor.u32 s16, s21;
	[tilespmem:s8+$0x0] =	vst v0  }
0x2d: {  	s23 =	sor.u32 s16, s23;
	[tilespmem:s22+$0x0] =	vst v0  }
0x2e: {  	s17 =	simm.s32 $0x20;
	s24 =	sor.u32 s16, s24;
	s28 =	sor.u32 s16, s26;
	[tilespmem:s23+$0x0] =	vst v0  }
0x2f: {  	s15 =	simm.s32 $0x0;
	s31 =	sor.u32 s16, s25;
	s25 =	sor.u32 s16, s29;
	[tilespmem:s24+$0x0] =	vst v0  }
0x30: {  	s26 =	sor.u32 s16, s30;
	s16 =	simm.s32 $0x100;
	s18 =	simm.s32 $0x0;
	[tilespmem:s31+$0x0] =	vst v0  }
.LBB2_2:
0x31: {  	s20 =	sand.u32 $0x60, s17;
	s24 =	sand.u32 $0x3C00, s16;
	[tilespmem:s28+$0x0] =	vst v0  }
0x32: {  	s22 =	sor.u32 $0x10080, s24;
	s21 =	sor.u32 $0x10, s20;
	[tilespmem:s25+$0x0] =	vst v0  }
0x33: {  	s19 =	sor.u32 s20, s22;
	s25 =	sor.u32 s21, s22;
	[tilespmem:s26+$0x0] =	vst v0  }
0x34: {  	s18 =	sadd.s32 $0x1, s18;
	[tilespmem:s25+$0x0] =	vst v0  }
0x35: {  	s22 =	sand.u32 $0x3, s18;
	[tilespmem:s25+$0x80] =	vst v0  }
0x36: {  	s22 =	sshll.u32 s22, $0x5;
	[tilespmem:s25+$0x100] =	vst v0  }
0x37: {  	s26 =	sadd.s32 s22, s16;
	[tilespmem:s25+$0x180] =	vst v0  }
0x38: {  	s23 =	sor.u32 $0x300, s26;
	s22 =	sor.u32 $0x380, s26;
	s26 =	sadd.s32 $0x10, s26;
	[tilespmem:s25+$0x200] =	vst v0  }
0x39: {  	[tilespmem:s25+$0x280] =	vst v0;
	s25 =	sor.u32 $0x300, s26  }
0x3a: {  	s28 =	sadd.s32 $0x14480, s24;
	[tilespmem:s25+$0x10080] =	vst v0;
	s25 =	sor.u32 $0x380, s26  }
0x3b: {  	s29 =	sor.u32 s20, s28;
	s26 =	sadd.s32 $0x14500, s24;
	[tilespmem:s25+$0x10080] =	vst v0;
	s25 =	sor.u32 s21, s28  }
0x3c: {  	s30 =	sor.u32 s20, s26;
	s28 =	sadd.s32 $0x14580, s24;
	[tilespmem:s25+$0x0] =	vst v0;
	s25 =	sor.u32 s21, s26  }
0x3d: {  	s31 =	sor.u32 s20, s28;
	s26 =	sadd.s32 $0x14600, s24;
	[tilespmem:s25+$0x0] =	vst v0;
	s25 =	sor.u32 s21, s28  }
0x3e: {  	s15 =	sadd.s32 $0x2, s15;
	s28 =	sadd.s32 $0x14680, s24;
	[tilespmem:s25+$0x0] =	vst v0;
	s25 =	sor.u32 s21, s26  }
0x3f: {  	s1 =	sadd.s32 $0x14700, s24;
	p0 =	slt.u32 s15, $0x7E;
	[tilespmem:s25+$0x0] =	vst v0;
	s25 =	sor.u32 s21, s28  }
0x40: {  	s0 =	sor.u32 s20, s26;
	s26 =	sadd.s32 $0x14780, s24;
	[tilespmem:s25+$0x0] =	vst v0;
	s25 =	sor.u32 s21, s1  }
0x41: {  	s2 =	sor.u32 s20, s28;
	s24 =	sadd.s32 $0x14800, s24;
	s8 =	sor.u32 s21, s26;
	[tilespmem:s25+$0x0] =	vst v0  }
0x42: {  	s28 =	sor.u32 s20, s1;
	s1 =	sor.u32 s21, s24;
	s25 =	sor.u32 s20, s26;
	[tilespmem:s8+$0x0] =	vst v0  }
0x43: {  	s26 =	sor.u32 s20, s24;
	[tilespmem:s1+$0x0] =	vst v0  }
0x44: {  	[tilespmem:s19+$0x0] =	vst v0  }
0x45: {  	[tilespmem:s19+$0x80] =	vst v0  }
0x46: {  	[tilespmem:s19+$0x100] =	vst v0  }
0x47: {  	[tilespmem:s19+$0x180] =	vst v0  }
0x48: {  	[tilespmem:s19+$0x200] =	vst v0  }
0x49: {  	[tilespmem:s19+$0x280] =	vst v0  }
0x4a: {  	[tilespmem:s23+$0x10080] =	vst v0  }
0x4b: {  	[tilespmem:s22+$0x10080] =	vst v0  }
.Ltmp0:
0x4c: {  	[tilespmem:s29+$0x0] =	vst v0;
	(pc) =	sbr.rel @p0 .LBB2_2-.Ltmp0, $4  }
0x4d: {  	[tilespmem:s30+$0x0] =	vst v0  }
0x4e: {  	[tilespmem:s31+$0x0] =	vst v0  }
0x4f: {  	[tilespmem:s0+$0x0] =	vst v0  }
0x50: {  	s17 =	sadd.s32 $0x20, s17;
	s16 =	sadd.s32 $0x100, s16;
	[tilespmem:s2+$0x0] =	vst v0  }
0x51: {  	[tilespmem:s28+$0x0] =	vst v0  }
0x52: {  	[tilespmem:s25+$0x0] =	vst v0  }
0x53: {  	s0 =	rddreg [dreg:$0x1];
	s1 =	simm.s32 $0x10000;
	[tilespmem:s26+$0x0] =	vst v0  }
0x54: {  	[tilespmem:s1], [sflag:$0x3] =	stream.linear.gather [hbm4b:s0+s3], $0x10, $0x38;
	[tilespmem:$0x18880] =	vst v63  }
0x55: {  	_ =	swait.ge [sflag:s9], $0x10  }
0x56: {  	[sflag:s9] =	ssyncset.done $0x0  }
0x57: {  	[sflag:s9] =	ssyncadd.s32 $0xFFFFFFF0  }
0x58: {  	v3 =	vld [tilespmem:$0x10000];
	[tilespmem:s3], [sflag:$0x1] =	stream.linear.gather [hbm4b:s4+s3], $0x8000, $0x38  }
0x59: {  	_ =	swait.ge [sflag:s10], $0x8000  }
0x5a: {  	[sflag:s10] =	ssyncset.done $0x0  }
0x5b: {  	s15 =	simm.s32 $0x80;
	[sflag:s10] =	ssyncadd.s32 $0xFFFF8000  }
0x5c: {  	[tilespmem:s11], [sflag:$0x2] =	stream.linear.gather [hbm4b:s5+s3], $0x8000, $0x38;
	[tilespmem:$0x18880] =	vst v63  }
0x5d: {  	v4 =	vld [tilespmem:s15+$0x40];
	_ =	sdelay $0x4  }
0x5e: {  	v5 =	vshrl.u32 v4, $0x9;
	v6 =	vshrl.u32 v4, $0x6  }
0x5f: {  	v4 =	vshrl.u32 v4, $0x14;
	v5 =	vand.u32 $0x7F, v5;
	v6 =	vand.u32 $0x3C00, v6  }
0x60: {  	vm0 =	veq.s32 v4, v3;
	v4 =	vor.u32 v5, v6  }
0x61: {  	v7 =	vld [tilespmem:s15+$0x0];
	v4 =	vadd.s32 v1, v4  }
0x62: {  	v5 =	vld [tilespmem:s15+$0xFFFFFF80]  }
0x63: {  	v6 =	vld [tilespmem:s15+$0xFFFFFFC0];
	_ =	sdelay $0x2  }
0x64: {  	[tilespmem:v4+s12+$0x0] =	vst.idx.add.s32.msk vm0, v2  }
0x65: {  	v12 =	vshrl.u32 v7, $0x9;
	v13 =	vshrl.u32 v7, $0x6;
	v8 =	vld [tilespmem:s15+$0x50]  }
0x66: {  	v9 =	vshrl.u32 v5, $0x6;
	v10 =	vshrl.u32 v6, $0x9;
	v11 =	vshrl.u32 v6, $0x6  }
0x67: {  	v6 =	vshrl.u32 v6, $0x14;
	v4 =	vshrl.u32 v5, $0x9;
	v9 =	vand.u32 $0x3C00, v9  }
0x68: {  	v10 =	vand.u32 $0x7F, v10;
	v11 =	vand.u32 $0x3C00, v11;
	v4 =	vand.u32 $0x7F, v4  }
0x69: {  	v5 =	vshrl.u32 v5, $0x14;
	vm2 =	veq.s32 v6, v3;
	v4 =	vor.u32 v4, v9  }
0x6a: {  	vm0 =	veq.s32 v5, v3;
	v4 =	vadd.s32 v1, v4;
	v5 =	vshrl.u32 v8, $0x9  }
0x6b: {  	v9 =	vshrl.u32 v8, $0x6;
	v8 =	vshrl.u32 v8, $0x14;
	v5 =	vand.u32 $0x7F, v5  }
0x6c: {  	v9 =	vand.u32 $0x3C00, v9;
	vm1 =	veq.s32 v8, v3;
	v8 =	vor.u32 v10, v11  }
0x6d: {  	v7 =	vshrl.u32 v7, $0x14;
	v5 =	vor.u32 v5, v9;
	v8 =	vadd.s32 v1, v8  }
0x6e: {  	v12 =	vand.u32 $0x7F, v12;
	v9 =	vand.u32 $0x3C00, v13;
	v5 =	vadd.s32 v1, v5  }
0x6f: {  	vm3 =	veq.s32 v7, v3;
	v6 =	vor.u32 v12, v9  }
0x70: {  	v6 =	vadd.s32 v1, v6  }
0x71: {  	[tilespmem:v4+s12+$0x0] =	vst.idx.add.s32.msk vm0, v2  }
0x72: {  	[tilespmem:v8+s12+$0x0] =	vst.idx.add.s32.msk vm2, v2  }
0x73: {  	[tilespmem:v5+s12+$0x0] =	vst.idx.add.s32.msk vm1, v2  }
0x74: {  	v4 =	vld [tilespmem:s15+$0x60]  }
0x75: {  	[tilespmem:v6+s12+$0x0] =	vst.idx.add.s32.msk vm3, v2  }
0x76: {  	v6 =	vld [tilespmem:s15+$0xFFFFFFD0];
	_ =	sdelay $0x1  }
0x77: {  	v7 =	vld [tilespmem:s15+$0x10];
	_ =	sdelay $0x1  }
0x78: {  	v8 =	vshrl.u32 v4, $0x9  }
0x79: {  	v5 =	vld [tilespmem:s15+$0xFFFFFF90];
	v9 =	vshrl.u32 v4, $0x6;
	v4 =	vshrl.u32 v4, $0x14;
	v10 =	vshrl.u32 v6, $0x9  }
0x7a: {  	v11 =	vshrl.u32 v6, $0x6;
	v6 =	vshrl.u32 v6, $0x14;
	v8 =	vand.u32 $0x7F, v8  }
0x7b: {  	v9 =	vand.u32 $0x3C00, v9;
	vm0 =	veq.s32 v4, v3;
	v12 =	vshrl.u32 v7, $0x9  }
0x7c: {  	s16 =	simm.s32 $0x180;
	v13 =	vshrl.u32 v7, $0x6;
	v10 =	vand.u32 $0x7F, v10;
	v4 =	vor.u32 v8, v9  }
0x7d: {  	v14 =	vld [tilespmem:s16+$0x40];
	v11 =	vand.u32 $0x3C00, v11;
	v7 =	vshrl.u32 v7, $0x14;
	v4 =	vadd.s32 v1, v4  }
0x7e: {  	vm1 =	veq.s32 v6, v3;
	v8 =	vshrl.u32 v5, $0x9;
	v9 =	vshrl.u32 v5, $0x6  }
0x7f: {  	v12 =	vand.u32 $0x7F, v12;
	v13 =	vand.u32 $0x3C00, v13;
	v5 =	vshrl.u32 v5, $0x14  }
0x80: {  	vm3 =	veq.s32 v7, v3;
	v8 =	vand.u32 $0x7F, v8;
	v9 =	vand.u32 $0x3C00, v9  }
0x81: {  	v8 =	vor.u32 v8, v9;
	v9 =	vor.u32 v10, v11;
	v10 =	vor.u32 v12, v13;
	v13 =	vld [tilespmem:s16+$0x0]  }
0x82: {  	v11 =	vshrl.u32 v14, $0x9;
	[tilespmem:v4+s12+$0x0] =	vst.idx.add.s32.msk vm0, v2;
	vm0 =	veq.s32 v5, v3;
	v5 =	vadd.s32 v1, v9  }
0x83: {  	v12 =	vshrl.u32 v14, $0x6;
	v14 =	vshrl.u32 v14, $0x14;
	v9 =	vadd.s32 v1, v10;
	v10 =	vld [tilespmem:s16+$0xFFFFFFC0]  }
0x84: {  	v11 =	vand.u32 $0x7F, v11;
	v12 =	vand.u32 $0x3C00, v12;
	v4 =	vadd.s32 v1, v8;
	v8 =	vld [tilespmem:s15+$0x70]  }
0x85: {  	v6 =	vld [tilespmem:s16+$0xFFFFFF80];
	vm4 =	veq.s32 v14, v3;
	v7 =	vor.u32 v11, v12  }
0x86: {  	v7 =	vadd.s32 v1, v7;
	v15 =	vshrl.u32 v13, $0x9  }
0x87: {  	v17 =	vshrl.u32 v13, $0x6;
	v15 =	vand.u32 $0x7F, v15;
	[tilespmem:v5+s12+$0x0] =	vst.idx.add.s32.msk vm1, v2  }
0x88: {  	v5 =	vshrl.u32 v10, $0x9;
	v14 =	vshrl.u32 v10, $0x6;
	[tilespmem:v9+s12+$0x0] =	vst.idx.add.s32.msk vm3, v2;
	v9 =	vshrl.u32 v10, $0x14  }
0x89: {  	v10 =	vshrl.u32 v13, $0x14;
	v11 =	vshrl.u32 v8, $0x9;
	v12 =	vshrl.u32 v8, $0x6  }
0x8a: {  	v8 =	vshrl.u32 v8, $0x14;
	[tilespmem:v4+s12+$0x0] =	vst.idx.add.s32.msk vm0, v2;
	v4 =	vshrl.u32 v6, $0x9;
	v5 =	vand.u32 $0x7F, v5  }
0x8b: {  	[tilespmem:v7+s12+$0x0] =	vst.idx.add.s32.msk vm4, v2;
	v14 =	vand.u32 $0x3C00, v14;
	vm1 =	veq.s32 v9, v3;
	vm3 =	veq.s32 v10, v3  }
0x8c: {  	v7 =	vld [tilespmem:s16+$0x50];
	v11 =	vand.u32 $0x7F, v11;
	v12 =	vand.u32 $0x3C00, v12;
	vm2 =	veq.s32 v8, v3  }
0x8d: {  	v8 =	vshrl.u32 v6, $0x6;
	v16 =	vld [tilespmem:s15+$0xFFFFFFA0];
	v4 =	vand.u32 $0x7F, v4;
	v6 =	vshrl.u32 v6, $0x14  }
0x8e: {  	v5 =	vor.u32 v5, v14;
	v8 =	vand.u32 $0x3C00, v8;
	vm0 =	veq.s32 v6, v3;
	v6 =	vld [tilespmem:s15+$0xFFFFFFE0]  }
0x8f: {  	v9 =	vld [tilespmem:s15+$0x20];
	v5 =	vadd.s32 v1, v5;
	v4 =	vor.u32 v4, v8;
	v8 =	vand.u32 $0x3C00, v17  }
0x90: {  	v10 =	vor.u32 v11, v12;
	v4 =	vadd.s32 v1, v4;
	v8 =	vor.u32 v15, v8  }
0x91: {  	v13 =	vshrl.u32 v7, $0x9;
	v14 =	vshrl.u32 v7, $0x6;
	v7 =	vshrl.u32 v7, $0x14  }
0x92: {  	v8 =	vadd.s32 v1, v8;
	v13 =	vand.u32 $0x7F, v13;
	v14 =	vand.u32 $0x3C00, v14  }
0x93: {  	v11 =	vshrl.u32 v16, $0x9;
	v12 =	vshrl.u32 v16, $0x6;
	v15 =	vshrl.u32 v6, $0x9  }
0x94: {  	[tilespmem:v5+s12+$0x0] =	vst.idx.add.s32.msk vm1, v2;
	v5 =	vand.u32 $0x7F, v11;
	v11 =	vand.u32 $0x3C00, v12;
	v12 =	vshrl.u32 v9, $0x6  }
0x95: {  	v12 =	vand.u32 $0x3C00, v12;
	[tilespmem:v4+s12+$0x0] =	vst.idx.add.s32.msk vm0, v2;
	vm0 =	veq.s32 v7, v3;
	v4 =	vor.u32 v13, v14  }
0x96: {  	v5 =	vor.u32 v5, v11;
	v11 =	vld [tilespmem:s16+$0xFFFFFFD0];
	v7 =	vshrl.u32 v6, $0x6;
	v4 =	vadd.s32 v1, v4  }
0x97: {  	v13 =	vshrl.u32 v9, $0x9;
	[tilespmem:v8+s12+$0x0] =	vst.idx.add.s32.msk vm3, v2;
	v8 =	vand.u32 $0x7F, v15;
	v15 =	vshrl.u32 v16, $0x14  }
0x98: {  	v6 =	vshrl.u32 v6, $0x14;
	v7 =	vand.u32 $0x3C00, v7;
	v14 =	vld [tilespmem:s16+$0xFFFFFF90];
	vm1 =	veq.s32 v15, v3  }
0x99: {  	v5 =	vadd.s32 v1, v5;
	vm3 =	veq.s32 v6, v3;
	v7 =	vor.u32 v8, v7  }
0x9a: {  	v9 =	vshrl.u32 v9, $0x14;
	v13 =	vand.u32 $0x7F, v13;
	v8 =	vld [tilespmem:s16+$0x10];
	v6 =	vadd.s32 v1, v7  }
0x9b: {  	[tilespmem:v4+s12+$0x0] =	vst.idx.add.s32.msk vm0, v2;
	v4 =	vor.u32 v13, v12;
	vm0 =	veq.s32 v9, v3  }
0x9c: {  	v7 =	vadd.s32 v1, v10;
	v15 =	vshrl.u32 v11, $0x6;
	v9 =	vld [tilespmem:s16+$0x60];
	v4 =	vadd.s32 v1, v4  }
0x9d: {  	v10 =	vshrl.u32 v14, $0x9;
	v12 =	vshrl.u32 v14, $0x14;
	v13 =	vshrl.u32 v14, $0x6  }
0x9e: {  	v14 =	vshrl.u32 v11, $0x9;
	v11 =	vshrl.u32 v11, $0x14;
	v10 =	vand.u32 $0x7F, v10;
	[tilespmem:v5+s12+$0x0] =	vst.idx.add.s32.msk vm1, v2  }
0x9f: {  	v13 =	vand.u32 $0x3C00, v13;
	v16 =	vshrl.u32 v8, $0x9;
	v14 =	vand.u32 $0x7F, v14;
	[tilespmem:v6+s12+$0x0] =	vst.idx.add.s32.msk vm3, v2  }
0xa0: {  	v5 =	vand.u32 $0x3C00, v15;
	v10 =	vor.u32 v10, v13;
	vm1 =	veq.s32 v11, v3;
	v13 =	vld [tilespmem:s15+$0xFFFFFFF0]  }
0xa1: {  	v5 =	vor.u32 v14, v5;
	v15 =	vshrl.u32 v9, $0x9;
	v18 =	vshrl.u32 v9, $0x6;
	[tilespmem:v4+s12+$0x0] =	vst.idx.add.s32.msk vm0, v2  }
0xa2: {  	v6 =	vshrl.u32 v9, $0x14;
	v9 =	vand.u32 $0x7F, v15;
	v15 =	vand.u32 $0x3C00, v18;
	v14 =	vld [tilespmem:s15+$0x30]  }
0xa3: {  	v5 =	vadd.s32 v1, v5;
	vm4 =	veq.s32 v6, v3;
	v6 =	vor.u32 v9, v15;
	v9 =	vld [tilespmem:s15+$0xFFFFFFB0]  }
0xa4: {  	v17 =	vshrl.u32 v8, $0x6;
	v8 =	vshrl.u32 v8, $0x14;
	v4 =	vand.u32 $0x7F, v16;
	s15 =	simm.s32 $0x280  }
0xa5: {  	vm0 =	veq.s32 v8, v3;
	v15 =	vand.u32 $0x3C00, v17;
	v6 =	vadd.s32 v1, v6;
	v8 =	vld [tilespmem:s15+$0x40]  }
0xa6: {  	vm3 =	veq.s32 v12, v3;
	v4 =	vor.u32 v4, v15;
	v15 =	vshrl.u32 v13, $0x6;
	v45 =	vld [tilespmem:s15+$0xFFFFFFC0]  }
0xa7: {  	v10 =	vadd.s32 v1, v10;
	v20 =	vld [tilespmem:s15+$0x0];
	v4 =	vadd.s32 v1, v4;
	v15 =	vand.u32 $0x3C00, v15  }
0xa8: {  	[tilespmem:v5+s12+$0x0] =	vst.idx.add.s32.msk vm1, v2;
	v17 =	vshrl.u32 v14, $0x9;
	v44 =	vshrl.u32 v14, $0x6;
	v11 =	vshrl.u32 v9, $0x14  }
0xa9: {  	v48 =	vld [tilespmem:s16+$0xFFFFFFE0];
	v12 =	vshrl.u32 v9, $0x9;
	v9 =	vshrl.u32 v9, $0x6;
	v17 =	vand.u32 $0x7F, v17  }
0xaa: {  	[tilespmem:v6+s12+$0x0] =	vst.idx.add.s32.msk vm4, v2;
	v6 =	vand.u32 $0x7F, v12;
	v12 =	vshrl.u32 v13, $0x9;
	v9 =	vand.u32 $0x3C00, v9  }
0xab: {  	v13 =	vshrl.u32 v13, $0x14;
	v19 =	vshrl.u32 v8, $0x9;
	v46 =	vshrl.u32 v45, $0x6  }
0xac: {  	v47 =	vshrl.u32 v20, $0x9;
	v23 =	vshrl.u32 v20, $0x6;
	v50 =	vshrl.u32 v20, $0x14  }
0xad: {  	v12 =	vand.u32 $0x7F, v12;
	v6 =	vor.u32 v6, v9;
	v9 =	vand.u32 $0x3C00, v44  }
0xae: {  	v16 =	vld [tilespmem:s16+$0x70];
	v19 =	vand.u32 $0x7F, v19;
	vm4 =	veq.s32 v50, v3;
	v51 =	vshrl.u32 v48, $0x9  }
0xaf: {  	v9 =	vor.u32 v17, v9;
	v17 =	vshrl.u32 v8, $0x14;
	v8 =	vshrl.u32 v8, $0x6  }
0xb0: {  	v52 =	vshrl.u32 v48, $0x6;
	v12 =	vor.u32 v12, v15;
	v15 =	vld [tilespmem:s15+$0xFFFFFF80];
	v8 =	vand.u32 $0x3C00, v8  }
0xb1: {  	vm1 =	veq.s32 v17, v3;
	v17 =	vshrl.u32 v45, $0x9;
	v8 =	vor.u32 v19, v8  }
0xb2: {  	v17 =	vand.u32 $0x7F, v17;
	v19 =	vand.u32 $0x3C00, v46;
	v8 =	vadd.s32 v1, v8  }
0xb3: {  	[tilespmem:v10+s12+$0x0] =	vst.idx.add.s32.msk vm3, v2;
	v21 =	vshrl.u32 v16, $0x9;
	v22 =	vshrl.u32 v16, $0x6;
	v10 =	vshrl.u32 v16, $0x14  }
0xb4: {  	[tilespmem:v4+s12+$0x0] =	vst.idx.add.s32.msk vm0, v2;
	v16 =	vand.u32 $0x7F, v21;
	v5 =	vand.u32 $0x3C00, v22;
	vm3 =	veq.s32 v10, v3  }
0xb5: {  	v24 =	vld [tilespmem:s16+$0x20];
	v4 =	vshrl.u32 v15, $0x9;
	v21 =	vand.u32 $0x7F, v47;
	v5 =	vor.u32 v16, v5  }
0xb6: {  	v4 =	vand.u32 $0x7F, v4;
	v10 =	vadd.s32 v1, v5;
	v5 =	vshrl.u32 v15, $0x6  }
0xb7: {  	v5 =	vand.u32 $0x3C00, v5;
	[tilespmem:v8+s12+$0x0] =	vst.idx.add.s32.msk vm1, v2;
	v8 =	vshrl.u32 v15, $0x14;
	v15 =	vshrl.u32 v45, $0x14  }
0xb8: {  	v4 =	vor.u32 v4, v5;
	v5 =	vor.u32 v17, v19;
	v49 =	vld [tilespmem:s15+$0x50];
	vm0 =	veq.s32 v8, v3  }
0xb9: {  	v17 =	vand.u32 $0x3C00, v23;
	vm1 =	veq.s32 v15, v3;
	v4 =	vadd.s32 v1, v4  }
0xba: {  	v53 =	vshrl.u32 v24, $0x9;
	v17 =	vor.u32 v21, v17;
	v5 =	vadd.s32 v1, v5  }
0xbb: {  	v55 =	vshrl.u32 v24, $0x6;
	v59 =	vshrl.u32 v24, $0x14;
	v16 =	vld [tilespmem:s16+$0xFFFFFFA0];
	v8 =	vadd.s32 v1, v17  }
0xbc: {  	v57 =	vand.u32 $0x7F, v53;
	v58 =	vand.u32 $0x3C00, v55;
	vm6 =	veq.s32 v59, v3  }
0xbd: {  	v19 =	vor.u32 v57, v58;
	v54 =	vshrl.u32 v49, $0x9;
	v25 =	vshrl.u32 v49, $0x6  }
0xbe: {  	v18 =	vshrl.u32 v49, $0x14;
	v23 =	vand.u32 $0x7F, v54;
	v25 =	vand.u32 $0x3C00, v25;
	[tilespmem:v4+s12+$0x0] =	vst.idx.add.s32.msk vm0, v2  }
0xbf: {  	v56 =	vand.u32 $0x3C00, v52;
	vm0 =	veq.s32 v18, v3;
	[tilespmem:v5+s12+$0x0] =	vst.idx.add.s32.msk vm1, v2;
	v23 =	vor.u32 v23, v25  }
0xc0: {  	v15 =	vshrl.u32 v16, $0x9;
	v17 =	vshrl.u32 v16, $0x6;
	[tilespmem:v8+s12+$0x0] =	vst.idx.add.s32.msk vm4, v2;
	v5 =	vadd.s32 v1, v23  }
0xc1: {  	v15 =	vand.u32 $0x7F, v15;
	v17 =	vand.u32 $0x3C00, v17;
	v8 =	vshrl.u32 v16, $0x14;
	v16 =	vld [tilespmem:s15+$0xFFFFFF90]  }
0xc2: {  	v19 =	vadd.s32 v1, v19;
	v15 =	vor.u32 v15, v17;
	v17 =	vshrl.u32 v48, $0x14;
	v60 =	vld [tilespmem:s15+$0xFFFFFFD0]  }
0xc3: {  	v15 =	vadd.s32 v1, v15;
	vm5 =	veq.s32 v17, v3;
	v4 =	vand.u32 $0x7F, v51;
	v62 =	vld [tilespmem:s15+$0x10]  }
0xc4: {  	vm1 =	veq.s32 v11, v3;
	v4 =	vor.u32 v4, v56;
	vm4 =	veq.s32 v8, v3  }
0xc5: {  	v61 =	vadd.s32 v1, v4;
	v8 =	vshrl.u32 v14, $0x14;
	v4 =	vadd.s32 v1, v12;
	[tilespmem:v5+s12+$0x0] =	vst.idx.add.s32.msk vm0, v2  }
0xc6: {  	v14 =	vshrl.u32 v16, $0x14;
	v11 =	vshrl.u32 v16, $0x6;
	vm0 =	veq.s32 v13, v3;
	v12 =	vld [tilespmem:s15+$0x60]  }
0xc7: {  	v5 =	vadd.s32 v1, v9;
	v9 =	vshrl.u32 v16, $0x9;
	v13 =	vshrl.u32 v60, $0x6  }
0xc8: {  	[tilespmem:v10+s12+$0x0] =	vst.idx.add.s32.msk vm3, v2;
	v10 =	vand.u32 $0x3C00, v11;
	v11 =	vshrl.u32 v62, $0x9;
	v16 =	vshrl.u32 v62, $0x6  }
0xc9: {  	[tilespmem:v7+s12+$0x0] =	vst.idx.add.s32.msk vm2, v2;
	v7 =	vand.u32 $0x7F, v9;
	v9 =	vshrl.u32 v60, $0x9;
	v13 =	vand.u32 $0x3C00, v13  }
0xca: {  	v11 =	vand.u32 $0x7F, v11;
	[tilespmem:v15+s12+$0x0] =	vst.idx.add.s32.msk vm4, v2;
	v15 =	vand.u32 $0x3C00, v16;
	v9 =	vand.u32 $0x7F, v9  }
0xcb: {  	[tilespmem:v19+s12+$0x0] =	vst.idx.add.s32.msk vm6, v2;
	v7 =	vor.u32 v7, v10;
	v16 =	vshrl.u32 v12, $0x9;
	v17 =	vshrl.u32 v12, $0x6  }
0xcc: {  	[tilespmem:v61+s12+$0x0] =	vst.idx.add.s32.msk vm5, v2;
	v12 =	vshrl.u32 v12, $0x14;
	v16 =	vand.u32 $0x7F, v16;
	v17 =	vand.u32 $0x3C00, v17  }
0xcd: {  	vm3 =	veq.s32 v12, v3;
	v10 =	vor.u32 v16, v17;
	v17 =	vor.u32 v11, v15;
	v11 =	vld [tilespmem:s16+$0xFFFFFFB0]  }
0xce: {  	v6 =	vadd.s32 v1, v6;
	v16 =	vor.u32 v9, v13;
	v9 =	vld [tilespmem:s16+$0xFFFFFFF0];
	v12 =	vadd.s32 v1, v10  }
0xcf: {  	vm2 =	veq.s32 v8, v3;
	v63 =	vshrl.u32 v62, $0x14;
	vm4 =	veq.s32 v14, v3;
	v10 =	vld [tilespmem:s16+$0x30]  }
0xd0: {  	vm5 =	veq.s32 v63, v3;
	v13 =	vadd.s32 v1, v7;
	v7 =	vshrl.u32 v60, $0x14  }
0xd1: {  	s17 =	simm.s32 $0x8;
	v15 =	vadd.s32 v1, v16;
	v14 =	vadd.s32 v1, v17;
	vm6 =	veq.s32 v7, v3;
	s16 =	simm.s32 $0x380  }
.LBB2_4:
0xd2: {  	v16 =	vld [tilespmem:s16+$0x40];
	v8 =	vshrl.u32 v11, $0x14;
	v7 =	vshrl.u32 v11, $0x9;
	v11 =	vshrl.u32 v11, $0x6  }
0xd3: {  	[tilespmem:v12+s12+$0x0] =	vst.idx.add.s32.msk vm3, v2;
	v7 =	vand.u32 $0x7F, v7;
	v12 =	vshrl.u32 v9, $0x9;
	v17 =	vshrl.u32 v9, $0x6  }
0xd4: {  	v11 =	vand.u32 $0x3C00, v11;
	v18 =	vld [tilespmem:s15+$0x70];
	v19 =	vshrl.u32 v10, $0x9;
	v20 =	vshrl.u32 v10, $0x6  }
0xd5: {  	s17 =	sadd.s32 $0x4, s17;
	v12 =	vand.u32 $0x7F, v12;
	v17 =	vand.u32 $0x3C00, v17;
	v21 =	vld [tilespmem:s16+$0xFFFFFFC0];
	v19 =	vand.u32 $0x7F, v19  }
0xd6: {  	p0 =	slt.u32 s17, $0x1FC;
	v11 =	vor.u32 v7, v11;
	v12 =	vor.u32 v12, v17;
	v17 =	vand.u32 $0x3C00, v20;
	v22 =	vld [tilespmem:s16+$0x0]  }
0xd7: {  	v9 =	vshrl.u32 v9, $0x14;
	v7 =	vshrl.u32 v10, $0x14;
	v10 =	vor.u32 v19, v17;
	v20 =	vld [tilespmem:s16+$0xFFFFFF80]  }
0xd8: {  	v17 =	vshrl.u32 v16, $0x14;
	v19 =	vshrl.u32 v16, $0x9;
	v16 =	vshrl.u32 v16, $0x6;
	[tilespmem:v13+s12+$0x0] =	vst.idx.add.s32.msk vm4, v2  }
0xd9: {  	v13 =	vand.u32 $0x7F, v19;
	[tilespmem:v15+s12+$0x0] =	vst.idx.add.s32.msk vm6, v2;
	v15 =	vshrl.u32 v18, $0x9;
	v19 =	vshrl.u32 v18, $0x6  }
0xda: {  	[tilespmem:v14+s12+$0x0] =	vst.idx.add.s32.msk vm5, v2;
	v14 =	vshrl.u32 v18, $0x14;
	v15 =	vand.u32 $0x7F, v15;
	v18 =	vand.u32 $0x3C00, v19  }
0xdb: {  	v16 =	vand.u32 $0x3C00, v16;
	v19 =	vld [tilespmem:s15+$0xFFFFFFA0];
	vm4 =	veq.s32 v14, v3;
	v14 =	vor.u32 v15, v18  }
0xdc: {  	vm3 =	veq.s32 v17, v3;
	v13 =	vor.u32 v13, v16;
	v15 =	vld [tilespmem:s15+$0xFFFFFFE0];
	v14 =	vadd.s32 v1, v14  }
0xdd: {  	v13 =	vadd.s32 v1, v13;
	v16 =	vshrl.u32 v20, $0x9;
	v17 =	vshrl.u32 v20, $0x6;
	v18 =	vld [tilespmem:s15+$0x20]  }
0xde: {  	v23 =	vshrl.u32 v21, $0x9;
	v24 =	vshrl.u32 v21, $0x6;
	v25 =	vshrl.u32 v22, $0x9;
	[tilespmem:v6+s12+$0x0] =	vst.idx.add.s32.msk vm1, v2  }
0xdf: {  	v6 =	vand.u32 $0x7F, v16;
	v16 =	vand.u32 $0x3C00, v17;
	v17 =	vshrl.u32 v22, $0x6;
	[tilespmem:v4+s12+$0x0] =	vst.idx.add.s32.msk vm0, v2  }
0xe0: {  	v4 =	vand.u32 $0x7F, v23;
	v23 =	vand.u32 $0x3C00, v24;
	v24 =	vand.u32 $0x7F, v25;
	[tilespmem:v5+s12+$0x0] =	vst.idx.add.s32.msk vm2, v2  }
0xe1: {  	v5 =	vor.u32 v6, v16;
	v4 =	vor.u32 v4, v23;
	v6 =	vand.u32 $0x3C00, v17;
	[tilespmem:v14+s12+$0x0] =	vst.idx.add.s32.msk vm4, v2  }
0xe2: {  	v16 =	vshrl.u32 v21, $0x14;
	v14 =	vshrl.u32 v20, $0x14;
	v6 =	vor.u32 v24, v6;
	[tilespmem:v13+s12+$0x0] =	vst.idx.add.s32.msk vm3, v2  }
0xe3: {  	v5 =	vadd.s32 v1, v5;
	v4 =	vadd.s32 v1, v4;
	v13 =	vshrl.u32 v22, $0x14;
	v17 =	vld [tilespmem:s16+$0x50]  }
0xe4: {  	vm1 =	veq.s32 v16, v3;
	vm0 =	veq.s32 v14, v3;
	v6 =	vadd.s32 v1, v6  }
0xe5: {  	v14 =	vshrl.u32 v19, $0x6;
	vm2 =	veq.s32 v13, v3;
	v13 =	vshrl.u32 v19, $0x9  }
0xe6: {  	v16 =	vshrl.u32 v15, $0x9;
	v20 =	vshrl.u32 v15, $0x6;
	v21 =	vshrl.u32 v18, $0x9  }
0xe7: {  	v22 =	vshrl.u32 v18, $0x6;
	v14 =	vand.u32 $0x3C00, v14;
	v13 =	vand.u32 $0x7F, v13  }
0xe8: {  	v16 =	vand.u32 $0x7F, v16;
	v23 =	vshrl.u32 v17, $0x9;
	v24 =	vshrl.u32 v17, $0x6  }
0xe9: {  	v17 =	vshrl.u32 v17, $0x14;
	v23 =	vand.u32 $0x7F, v23;
	v24 =	vand.u32 $0x3C00, v24  }
0xea: {  	[tilespmem:v5+s12+$0x0] =	vst.idx.add.s32.msk vm0, v2;
	vm0 =	veq.s32 v17, v3;
	v5 =	vor.u32 v23, v24;
	v17 =	vand.u32 $0x3C00, v20  }
0xeb: {  	v20 =	vand.u32 $0x3C00, v22;
	[tilespmem:v4+s12+$0x0] =	vst.idx.add.s32.msk vm1, v2;
	v4 =	vadd.s32 v1, v5;
	v5 =	vand.u32 $0x7F, v21  }
0xec: {  	v13 =	vor.u32 v13, v14;
	v14 =	vor.u32 v16, v17;
	[tilespmem:v6+s12+$0x0] =	vst.idx.add.s32.msk vm2, v2;
	v6 =	vshrl.u32 v19, $0x14  }
0xed: {  	v15 =	vshrl.u32 v15, $0x14;
	v17 =	vshrl.u32 v18, $0x14;
	v5 =	vor.u32 v5, v20;
	v16 =	vld [tilespmem:s16+$0xFFFFFF90]  }
0xee: {  	v13 =	vadd.s32 v1, v13;
	v14 =	vadd.s32 v1, v14;
	v19 =	vadd.s32 v1, v5;
	v18 =	vld [tilespmem:s16+$0xFFFFFFD0]  }
0xef: {  	vm4 =	veq.s32 v15, v3;
	vm2 =	veq.s32 v17, v3;
	vm3 =	veq.s32 v6, v3;
	v20 =	vld [tilespmem:s16+$0x10]  }
0xf0: {  	v6 =	vadd.s32 v1, v11;
	[tilespmem:v4+s12+$0x0] =	vst.idx.add.s32.msk vm0, v2;
	v4 =	vadd.s32 v1, v12  }
0xf1: {  	vm1 =	veq.s32 v8, v3;
	v5 =	vadd.s32 v1, v10;
	vm0 =	veq.s32 v9, v3;
	v11 =	vld [tilespmem:s16+$0x60]  }
0xf2: {  	v8 =	vshrl.u32 v16, $0x14;
	v9 =	vshrl.u32 v16, $0x9;
	v10 =	vshrl.u32 v16, $0x6  }
0xf3: {  	v9 =	vand.u32 $0x7F, v9;
	v12 =	vshrl.u32 v18, $0x9;
	v15 =	vshrl.u32 v18, $0x6  }
0xf4: {  	v10 =	vand.u32 $0x3C00, v10;
	v16 =	vshrl.u32 v20, $0x9;
	v17 =	vshrl.u32 v20, $0x6  }
0xf5: {  	v12 =	vand.u32 $0x7F, v12;
	v15 =	vand.u32 $0x3C00, v15;
	v16 =	vand.u32 $0x7F, v16;
	[tilespmem:v13+s12+$0x0] =	vst.idx.add.s32.msk vm3, v2  }
0xf6: {  	v13 =	vand.u32 $0x3C00, v17;
	v17 =	vshrl.u32 v11, $0x9;
	v21 =	vshrl.u32 v11, $0x6;
	[tilespmem:v14+s12+$0x0] =	vst.idx.add.s32.msk vm4, v2  }
0xf7: {  	v11 =	vshrl.u32 v11, $0x14;
	v14 =	vand.u32 $0x7F, v17;
	v17 =	vand.u32 $0x3C00, v21;
	[tilespmem:v19+s12+$0x0] =	vst.idx.add.s32.msk vm2, v2  }
.Ltmp1:
0xf8: {  	v10 =	vor.u32 v9, v10;
	vm3 =	veq.s32 v11, v3;
	v9 =	vor.u32 v14, v17;
	v11 =	vld [tilespmem:s15+$0xFFFFFFB0];
	(pc) =	sbr.rel @p0 .LBB2_4-.Ltmp1, $4  }
0xf9: {  	v16 =	vor.u32 v16, v13;
	v14 =	vor.u32 v12, v15;
	v12 =	vadd.s32 v1, v9;
	v9 =	vld [tilespmem:s15+$0xFFFFFFF0]  }
0xfa: {  	v13 =	vadd.s32 v1, v10;
	v17 =	vshrl.u32 v18, $0x14;
	v18 =	vshrl.u32 v20, $0x14;
	v10 =	vld [tilespmem:s15+$0x30];
	s15 =	smov.u32 s16  }
0xfb: {  	vm4 =	veq.s32 v8, v3;
	v15 =	vadd.s32 v1, v14;
	v14 =	vadd.s32 v1, v16  }
0xfc: {  	vm2 =	veq.s32 v7, v3;
	vm6 =	veq.s32 v17, v3;
	vm5 =	veq.s32 v18, v3;
	s16 =	sadd.s32 $0x100, s16  }
0xfd: {  	_ =	sdelay $0x4  }
0xfe: {  	[tilespmem:v13+s12+$0x0] =	vst.idx.add.s32.msk vm4, v2  }
0xff: {  	[tilespmem:v15+s12+$0x0] =	vst.idx.add.s32.msk vm6, v2  }
0x100: {  	[tilespmem:v14+s12+$0x0] =	vst.idx.add.s32.msk vm5, v2  }
0x101: {  	v7 =	vld [tilespmem:s15+$0xFFFFFFA0]  }
0x102: {  	v8 =	vld [tilespmem:s15+$0xFFFFFFE0]  }
0x103: {  	v13 =	vld [tilespmem:s15+$0x20];
	_ =	sdelay $0x3  }
0x104: {  	v14 =	vshrl.u32 v7, $0x9;
	v15 =	vshrl.u32 v7, $0x6  }
0x105: {  	v16 =	vshrl.u32 v8, $0x9;
	v17 =	vshrl.u32 v8, $0x6;
	v18 =	vshrl.u32 v13, $0x9  }
0x106: {  	v19 =	vshrl.u32 v13, $0x6;
	v7 =	vshrl.u32 v7, $0x14;
	v8 =	vshrl.u32 v8, $0x14  }
0x107: {  	v14 =	vand.u32 $0x7F, v14;
	v15 =	vand.u32 $0x3C00, v15;
	v16 =	vand.u32 $0x7F, v16  }
0x108: {  	v17 =	vand.u32 $0x3C00, v17;
	v18 =	vand.u32 $0x7F, v18;
	v19 =	vand.u32 $0x3C00, v19  }
0x109: {  	vm4 =	veq.s32 v7, v3;
	v7 =	vshrl.u32 v13, $0x14;
	v14 =	vor.u32 v14, v15  }
0x10a: {  	vm5 =	veq.s32 v8, v3;
	v15 =	vor.u32 v16, v17;
	v13 =	vadd.s32 v1, v14  }
0x10b: {  	v8 =	vor.u32 v18, v19;
	vm6 =	veq.s32 v7, v3;
	v14 =	vadd.s32 v1, v15  }
0x10c: {  	[tilespmem:v12+s12+$0x0] =	vst.idx.add.s32.msk vm3, v2;
	v12 =	vshrl.u32 v11, $0x14;
	v8 =	vadd.s32 v1, v8  }
0x10d: {  	v39 =	vshrl.u32 v10, $0x9;
	v7 =	vshrl.u32 v11, $0x9;
	v11 =	vshrl.u32 v11, $0x6;
	v15 =	vld [tilespmem:s15+$0x70]  }
0x10e: {  	v40 =	vshrl.u32 v10, $0x6;
	v7 =	vand.u32 $0x7F, v7;
	v11 =	vand.u32 $0x3C00, v11  }
0x10f: {  	v16 =	vshrl.u32 v9, $0x9;
	v17 =	vshrl.u32 v9, $0x6;
	v7 =	vor.u32 v7, v11;
	[tilespmem:v13+s12+$0x0] =	vst.idx.add.s32.msk vm4, v2  }
0x110: {  	v9 =	vshrl.u32 v9, $0x14;
	v16 =	vand.u32 $0x7F, v16;
	v7 =	vadd.s32 v1, v7;
	[tilespmem:v14+s12+$0x0] =	vst.idx.add.s32.msk vm5, v2  }
0x111: {  	v13 =	vand.u32 $0x3C00, v17;
	v17 =	vand.u32 $0x7F, v39;
	[tilespmem:v8+s12+$0x0] =	vst.idx.add.s32.msk vm6, v2;
	v8 =	vshrl.u32 v10, $0x14  }
0x112: {  	v10 =	vshrl.u32 v15, $0x9;
	v14 =	vshrl.u32 v15, $0x6;
	v11 =	vor.u32 v16, v13;
	v16 =	vld [tilespmem:s15+$0xFFFFFFB0]  }
0x113: {  	v15 =	vshrl.u32 v15, $0x14;
	v10 =	vand.u32 $0x7F, v10;
	v14 =	vand.u32 $0x3C00, v14;
	v41 =	vld [tilespmem:s15+$0xFFFFFFF0]  }
0x114: {  	vm4 =	veq.s32 v12, v3;
	vm5 =	veq.s32 v9, v3;
	v10 =	vor.u32 v10, v14;
	v14 =	vld [tilespmem:s15+$0x30]  }
0x115: {  	v13 =	vand.u32 $0x3C00, v40;
	vm3 =	veq.s32 v15, v3;
	vm6 =	veq.s32 v8, v3  }
0x116: {  	v13 =	vor.u32 v17, v13;
	v11 =	vadd.s32 v1, v11;
	v10 =	vadd.s32 v1, v10  }
0x117: {  	v9 =	vadd.s32 v1, v13;
	v8 =	vshrl.u32 v16, $0x14;
	v12 =	vshrl.u32 v16, $0x9  }
0x118: {  	v13 =	vshrl.u32 v16, $0x6;
	v15 =	vshrl.u32 v41, $0x9;
	v16 =	vshrl.u32 v41, $0x6  }
0x119: {  	v12 =	vand.u32 $0x7F, v12;
	v13 =	vand.u32 $0x3C00, v13;
	v17 =	vshrl.u32 v14, $0x9  }
0x11a: {  	[tilespmem:v6+s12+$0x0] =	vst.idx.add.s32.msk vm1, v2;
	v6 =	vshrl.u32 v14, $0x6;
	v15 =	vand.u32 $0x7F, v15;
	v16 =	vand.u32 $0x3C00, v16  }
0x11b: {  	[tilespmem:v4+s12+$0x0] =	vst.idx.add.s32.msk vm0, v2;
	vm0 =	veq.s32 v8, v3;
	v8 =	vshrl.u32 v14, $0x14;
	v12 =	vor.u32 v12, v13  }
0x11c: {  	[tilespmem:v5+s12+$0x0] =	vst.idx.add.s32.msk vm2, v2;
	v13 =	vor.u32 v15, v16;
	v5 =	vand.u32 $0x3C00, v6;
	v6 =	vshrl.u32 v41, $0x14  }
0x11d: {  	v4 =	vand.u32 $0x7F, v17;
	[tilespmem:v10+s12+$0x0] =	vst.idx.add.s32.msk vm3, v2;
	v10 =	vadd.s32 v1, v12;
	vm1 =	veq.s32 v6, v3  }
0x11e: {  	vm2 =	veq.s32 v8, v3;
	v4 =	vor.u32 v4, v5;
	v5 =	vadd.s32 v1, v13  }
0x11f: {  	[tilespmem:v7+s12+$0x0] =	vst.idx.add.s32.msk vm4, v2;
	v4 =	vadd.s32 v1, v4  }
0x120: {  	[tilespmem:v11+s12+$0x0] =	vst.idx.add.s32.msk vm5, v2  }
0x121: {  	[tilespmem:v9+s12+$0x0] =	vst.idx.add.s32.msk vm6, v2  }
0x122: {  	[tilespmem:v10+s12+$0x0] =	vst.idx.add.s32.msk vm0, v2  }
0x123: {  	[tilespmem:v5+s12+$0x0] =	vst.idx.add.s32.msk vm1, v2  }
0x124: {  	[tilespmem:v4+s12+$0x0] =	vst.idx.add.s32.msk vm2, v2  }
0x125: {  	_ =	swait.ge [sflag:s13], $0x8000  }
0x126: {  	[sflag:s13] =	ssyncset.done $0x0  }
0x127: {  	s31 =	simm.s32 $0x8080;
	[sflag:s13] =	ssyncadd.s32 $0xFFFF8000  }
0x128: {  	v4 =	vld [tilespmem:s31+$0x40];
	_ =	sdelay $0x4  }
0x129: {  	v5 =	vshrl.u32 v4, $0x9;
	v6 =	vshrl.u32 v4, $0x6  }
0x12a: {  	v4 =	vshrl.u32 v4, $0x14;
	v5 =	vand.u32 $0x7F, v5;
	v6 =	vand.u32 $0x3C00, v6  }
0x12b: {  	vm0 =	veq.s32 v4, v3;
	v4 =	vor.u32 v5, v6  }
0x12c: {  	v7 =	vld [tilespmem:s31+$0x0];
	v4 =	vadd.s32 v1, v4  }
0x12d: {  	v5 =	vld [tilespmem:s31+$0xFFFFFF80]  }
0x12e: {  	v6 =	vld [tilespmem:s31+$0xFFFFFFC0];
	_ =	sdelay $0x2  }
0x12f: {  	[tilespmem:v4+s12+$0x0] =	vst.idx.add.s32.msk vm0, v2  }
0x130: {  	v12 =	vshrl.u32 v7, $0x9;
	v13 =	vshrl.u32 v7, $0x6;
	v8 =	vld [tilespmem:s31+$0x50]  }
0x131: {  	v9 =	vshrl.u32 v5, $0x6;
	v10 =	vshrl.u32 v6, $0x9;
	v11 =	vshrl.u32 v6, $0x6  }
0x132: {  	v6 =	vshrl.u32 v6, $0x14;
	v4 =	vshrl.u32 v5, $0x9;
	v9 =	vand.u32 $0x3C00, v9  }
0x133: {  	v10 =	vand.u32 $0x7F, v10;
	v11 =	vand.u32 $0x3C00, v11;
	v4 =	vand.u32 $0x7F, v4  }
0x134: {  	v5 =	vshrl.u32 v5, $0x14;
	vm2 =	veq.s32 v6, v3;
	v4 =	vor.u32 v4, v9  }
0x135: {  	vm0 =	veq.s32 v5, v3;
	v4 =	vadd.s32 v1, v4;
	v5 =	vshrl.u32 v8, $0x9  }
0x136: {  	v9 =	vshrl.u32 v8, $0x6;
	v8 =	vshrl.u32 v8, $0x14;
	v5 =	vand.u32 $0x7F, v5  }
0x137: {  	v9 =	vand.u32 $0x3C00, v9;
	vm1 =	veq.s32 v8, v3;
	v8 =	vor.u32 v10, v11  }
0x138: {  	v7 =	vshrl.u32 v7, $0x14;
	v5 =	vor.u32 v5, v9;
	v8 =	vadd.s32 v1, v8  }
0x139: {  	v12 =	vand.u32 $0x7F, v12;
	v9 =	vand.u32 $0x3C00, v13;
	v5 =	vadd.s32 v1, v5  }
0x13a: {  	vm3 =	veq.s32 v7, v3;
	v6 =	vor.u32 v12, v9  }
0x13b: {  	v6 =	vadd.s32 v1, v6  }
0x13c: {  	[tilespmem:v4+s12+$0x0] =	vst.idx.add.s32.msk vm0, v2  }
0x13d: {  	[tilespmem:v8+s12+$0x0] =	vst.idx.add.s32.msk vm2, v2  }
0x13e: {  	[tilespmem:v5+s12+$0x0] =	vst.idx.add.s32.msk vm1, v2  }
0x13f: {  	v4 =	vld [tilespmem:s31+$0x60]  }
0x140: {  	[tilespmem:v6+s12+$0x0] =	vst.idx.add.s32.msk vm3, v2  }
0x141: {  	v6 =	vld [tilespmem:s31+$0xFFFFFFD0];
	_ =	sdelay $0x1  }
0x142: {  	v7 =	vld [tilespmem:s31+$0x10];
	_ =	sdelay $0x1  }
0x143: {  	v5 =	vld [tilespmem:s31+$0xFFFFFF90];
	v8 =	vshrl.u32 v4, $0x9;
	v9 =	vshrl.u32 v4, $0x6;
	v4 =	vshrl.u32 v4, $0x14  }
0x144: {  	v10 =	vshrl.u32 v6, $0x9;
	v11 =	vshrl.u32 v6, $0x6;
	v6 =	vshrl.u32 v6, $0x14  }
0x145: {  	v8 =	vand.u32 $0x7F, v8;
	v9 =	vand.u32 $0x3C00, v9;
	vm0 =	veq.s32 v4, v3  }
0x146: {  	s16 =	simm.s32 $0x8180;
	v12 =	vshrl.u32 v7, $0x9;
	v13 =	vshrl.u32 v7, $0x6;
	v10 =	vand.u32 $0x7F, v10  }
0x147: {  	v14 =	vld [tilespmem:s16+$0x40];
	v11 =	vand.u32 $0x3C00, v11;
	v7 =	vshrl.u32 v7, $0x14;
	v4 =	vor.u32 v8, v9  }
0x148: {  	vm1 =	veq.s32 v6, v3;
	v8 =	vshrl.u32 v5, $0x9;
	v4 =	vadd.s32 v1, v4  }
0x149: {  	v9 =	vshrl.u32 v5, $0x6;
	v12 =	vand.u32 $0x7F, v12;
	v13 =	vand.u32 $0x3C00, v13  }
0x14a: {  	s15 =	simm.s32 $0x8280;
	v5 =	vshrl.u32 v5, $0x14;
	v8 =	vand.u32 $0x7F, v8;
	v9 =	vand.u32 $0x3C00, v9  }
0x14b: {  	v44 =	vld [tilespmem:s15+$0xFFFFFFC0];
	vm3 =	veq.s32 v7, v3;
	v8 =	vor.u32 v8, v9;
	v9 =	vor.u32 v10, v11  }
0x14c: {  	v10 =	vor.u32 v12, v13;
	v11 =	vshrl.u32 v14, $0x9;
	v12 =	vshrl.u32 v14, $0x6;
	v13 =	vld [tilespmem:s16+$0x0]  }
0x14d: {  	v14 =	vshrl.u32 v14, $0x14;
	v11 =	vand.u32 $0x7F, v11;
	v12 =	vand.u32 $0x3C00, v12;
	[tilespmem:v4+s12+$0x0] =	vst.idx.add.s32.msk vm0, v2  }
0x14e: {  	vm0 =	veq.s32 v5, v3;
	v5 =	vadd.s32 v1, v9;
	v9 =	vadd.s32 v1, v10;
	v10 =	vld [tilespmem:s16+$0xFFFFFFC0]  }
0x14f: {  	vm4 =	veq.s32 v14, v3;
	v7 =	vor.u32 v11, v12  }
0x150: {  	v7 =	vadd.s32 v1, v7;
	v4 =	vadd.s32 v1, v8;
	v8 =	vld [tilespmem:s31+$0x70]  }
0x151: {  	v6 =	vld [tilespmem:s16+$0xFFFFFF80]  }
0x152: {  	v46 =	vshrl.u32 v44, $0x6;
	v15 =	vshrl.u32 v13, $0x9  }
0x153: {  	v17 =	vshrl.u32 v13, $0x6;
	v15 =	vand.u32 $0x7F, v15;
	[tilespmem:v5+s12+$0x0] =	vst.idx.add.s32.msk vm1, v2;
	v5 =	vshrl.u32 v10, $0x9  }
0x154: {  	v14 =	vshrl.u32 v10, $0x6;
	[tilespmem:v9+s12+$0x0] =	vst.idx.add.s32.msk vm3, v2;
	v9 =	vshrl.u32 v10, $0x14;
	v10 =	vshrl.u32 v13, $0x14  }
0x155: {  	[tilespmem:v7+s12+$0x0] =	vst.idx.add.s32.msk vm4, v2;
	v11 =	vshrl.u32 v8, $0x9;
	v12 =	vshrl.u32 v8, $0x6;
	v8 =	vshrl.u32 v8, $0x14  }
0x156: {  	[tilespmem:v4+s12+$0x0] =	vst.idx.add.s32.msk vm0, v2;
	v4 =	vshrl.u32 v6, $0x9;
	v5 =	vand.u32 $0x7F, v5;
	v14 =	vand.u32 $0x3C00, v14  }
0x157: {  	v7 =	vld [tilespmem:s16+$0x50];
	vm1 =	veq.s32 v9, v3;
	vm3 =	veq.s32 v10, v3;
	v11 =	vand.u32 $0x7F, v11  }
0x158: {  	v12 =	vand.u32 $0x3C00, v12;
	vm2 =	veq.s32 v8, v3;
	v8 =	vshrl.u32 v6, $0x6  }
0x159: {  	v16 =	vld [tilespmem:s31+$0xFFFFFFA0];
	v4 =	vand.u32 $0x7F, v4;
	v5 =	vor.u32 v5, v14;
	v6 =	vshrl.u32 v6, $0x14  }
0x15a: {  	v9 =	vld [tilespmem:s31+$0x20];
	v8 =	vand.u32 $0x3C00, v8;
	vm0 =	veq.s32 v6, v3;
	v5 =	vadd.s32 v1, v5  }
0x15b: {  	v6 =	vld [tilespmem:s31+$0xFFFFFFE0];
	v10 =	vor.u32 v11, v12;
	v4 =	vor.u32 v4, v8;
	v8 =	vand.u32 $0x3C00, v17  }
0x15c: {  	v4 =	vadd.s32 v1, v4;
	v8 =	vor.u32 v15, v8;
	v13 =	vshrl.u32 v7, $0x9  }
0x15d: {  	v14 =	vshrl.u32 v7, $0x6;
	v7 =	vshrl.u32 v7, $0x14;
	v8 =	vadd.s32 v1, v8  }
0x15e: {  	v20 =	vld [tilespmem:s15+$0x0];
	v13 =	vand.u32 $0x7F, v13;
	v11 =	vshrl.u32 v16, $0x9;
	v12 =	vshrl.u32 v16, $0x6  }
0x15f: {  	v14 =	vand.u32 $0x3C00, v14;
	[tilespmem:v5+s12+$0x0] =	vst.idx.add.s32.msk vm1, v2;
	v5 =	vand.u32 $0x7F, v11;
	v11 =	vand.u32 $0x3C00, v12  }
0x160: {  	v15 =	vshrl.u32 v6, $0x9;
	v12 =	vshrl.u32 v9, $0x6;
	v5 =	vor.u32 v5, v11;
	v11 =	vld [tilespmem:s16+$0xFFFFFFD0]  }
0x161: {  	v12 =	vand.u32 $0x3C00, v12;
	[tilespmem:v4+s12+$0x0] =	vst.idx.add.s32.msk vm0, v2;
	vm0 =	veq.s32 v7, v3;
	v4 =	vor.u32 v13, v14  }
0x162: {  	v7 =	vshrl.u32 v6, $0x6;
	v13 =	vshrl.u32 v9, $0x9;
	v4 =	vadd.s32 v1, v4;
	[tilespmem:v8+s12+$0x0] =	vst.idx.add.s32.msk vm3, v2  }
0x163: {  	v6 =	vshrl.u32 v6, $0x14;
	v8 =	vand.u32 $0x7F, v15;
	v14 =	vld [tilespmem:s16+$0xFFFFFF90];
	v15 =	vshrl.u32 v16, $0x14  }
0x164: {  	v9 =	vshrl.u32 v9, $0x14;
	v7 =	vand.u32 $0x3C00, v7;
	vm1 =	veq.s32 v15, v3  }
0x165: {  	v5 =	vadd.s32 v1, v5;
	vm3 =	veq.s32 v6, v3;
	v7 =	vor.u32 v8, v7  }
0x166: {  	v13 =	vand.u32 $0x7F, v13;
	v8 =	vld [tilespmem:s16+$0x10];
	v6 =	vadd.s32 v1, v7;
	v7 =	vadd.s32 v1, v10  }
0x167: {  	v47 =	vshrl.u32 v20, $0x9;
	[tilespmem:v4+s12+$0x0] =	vst.idx.add.s32.msk vm0, v2;
	v4 =	vor.u32 v13, v12;
	vm0 =	veq.s32 v9, v3  }
0x168: {  	v15 =	vshrl.u32 v11, $0x6;
	v10 =	vshrl.u32 v14, $0x9;
	v4 =	vadd.s32 v1, v4  }
0x169: {  	v12 =	vshrl.u32 v14, $0x14;
	v13 =	vshrl.u32 v14, $0x6;
	v14 =	vshrl.u32 v11, $0x9;
	v9 =	vld [tilespmem:s16+$0x60]  }
0x16a: {  	v11 =	vshrl.u32 v11, $0x14;
	v10 =	vand.u32 $0x7F, v10;
	v13 =	vand.u32 $0x3C00, v13;
	[tilespmem:v5+s12+$0x0] =	vst.idx.add.s32.msk vm1, v2  }
0x16b: {  	v16 =	vshrl.u32 v8, $0x9;
	v14 =	vand.u32 $0x7F, v14;
	v5 =	vand.u32 $0x3C00, v15;
	[tilespmem:v6+s12+$0x0] =	vst.idx.add.s32.msk vm3, v2  }
0x16c: {  	v17 =	vshrl.u32 v8, $0x6;
	v10 =	vor.u32 v10, v13;
	v13 =	vld [tilespmem:s31+$0xFFFFFFF0];
	v5 =	vor.u32 v14, v5  }
0x16d: {  	v8 =	vshrl.u32 v8, $0x14;
	vm1 =	veq.s32 v11, v3;
	v5 =	vadd.s32 v1, v5;
	[tilespmem:v4+s12+$0x0] =	vst.idx.add.s32.msk vm0, v2  }
0x16e: {  	v15 =	vshrl.u32 v9, $0x9;
	v42 =	vshrl.u32 v9, $0x6;
	vm0 =	veq.s32 v8, v3;
	v8 =	vld [tilespmem:s15+$0x40]  }
0x16f: {  	v6 =	vshrl.u32 v9, $0x14;
	v9 =	vand.u32 $0x7F, v15;
	v15 =	vand.u32 $0x3C00, v42;
	v14 =	vld [tilespmem:s31+$0x30]  }
0x170: {  	v23 =	vshrl.u32 v20, $0x6;
	vm4 =	veq.s32 v6, v3;
	v6 =	vor.u32 v9, v15;
	v9 =	vld [tilespmem:s31+$0xFFFFFFB0]  }
0x171: {  	v50 =	vshrl.u32 v20, $0x14;
	v4 =	vand.u32 $0x7F, v16;
	v15 =	vand.u32 $0x3C00, v17  }
0x172: {  	vm3 =	veq.s32 v12, v3;
	v6 =	vadd.s32 v1, v6;
	v4 =	vor.u32 v4, v15  }
0x173: {  	v10 =	vadd.s32 v1, v10;
	v15 =	vshrl.u32 v13, $0x6;
	[tilespmem:v5+s12+$0x0] =	vst.idx.add.s32.msk vm1, v2;
	v4 =	vadd.s32 v1, v4  }
0x174: {  	v15 =	vand.u32 $0x3C00, v15;
	v48 =	vld [tilespmem:s16+$0xFFFFFFE0];
	v45 =	vshrl.u32 v8, $0x9;
	v17 =	vshrl.u32 v14, $0x9  }
0x175: {  	v43 =	vshrl.u32 v14, $0x6;
	v19 =	vand.u32 $0x7F, v45;
	v11 =	vshrl.u32 v9, $0x14  }
0x176: {  	v12 =	vshrl.u32 v9, $0x9;
	v9 =	vshrl.u32 v9, $0x6;
	v17 =	vand.u32 $0x7F, v17  }
0x177: {  	[tilespmem:v6+s12+$0x0] =	vst.idx.add.s32.msk vm4, v2;
	v6 =	vand.u32 $0x7F, v12;
	v12 =	vshrl.u32 v13, $0x9;
	v9 =	vand.u32 $0x3C00, v9  }
0x178: {  	v13 =	vshrl.u32 v13, $0x14;
	vm4 =	veq.s32 v50, v3;
	v12 =	vand.u32 $0x7F, v12  }
0x179: {  	v16 =	vld [tilespmem:s16+$0x70];
	v6 =	vor.u32 v6, v9;
	v9 =	vand.u32 $0x3C00, v43;
	v51 =	vshrl.u32 v48, $0x9  }
0x17a: {  	v9 =	vor.u32 v17, v9;
	v17 =	vshrl.u32 v8, $0x14;
	v8 =	vshrl.u32 v8, $0x6  }
0x17b: {  	v52 =	vshrl.u32 v48, $0x6;
	v12 =	vor.u32 v12, v15;
	v15 =	vld [tilespmem:s15+$0xFFFFFF80];
	v8 =	vand.u32 $0x3C00, v8  }
0x17c: {  	vm1 =	veq.s32 v17, v3;
	v17 =	vshrl.u32 v44, $0x9;
	v8 =	vor.u32 v19, v8  }
0x17d: {  	v17 =	vand.u32 $0x7F, v17;
	v19 =	vand.u32 $0x3C00, v46;
	v8 =	vadd.s32 v1, v8  }
0x17e: {  	[tilespmem:v10+s12+$0x0] =	vst.idx.add.s32.msk vm3, v2;
	v21 =	vshrl.u32 v16, $0x9;
	v22 =	vshrl.u32 v16, $0x6;
	v10 =	vshrl.u32 v16, $0x14  }
0x17f: {  	[tilespmem:v4+s12+$0x0] =	vst.idx.add.s32.msk vm0, v2;
	v16 =	vand.u32 $0x7F, v21;
	v5 =	vand.u32 $0x3C00, v22;
	vm3 =	veq.s32 v10, v3  }
0x180: {  	v24 =	vld [tilespmem:s16+$0x20];
	v4 =	vshrl.u32 v15, $0x9;
	v21 =	vand.u32 $0x7F, v47;
	v5 =	vor.u32 v16, v5  }
0x181: {  	v4 =	vand.u32 $0x7F, v4;
	v10 =	vadd.s32 v1, v5;
	v5 =	vshrl.u32 v15, $0x6  }
0x182: {  	v5 =	vand.u32 $0x3C00, v5;
	[tilespmem:v8+s12+$0x0] =	vst.idx.add.s32.msk vm1, v2;
	v8 =	vshrl.u32 v15, $0x14;
	v15 =	vshrl.u32 v44, $0x14  }
0x183: {  	v4 =	vor.u32 v4, v5;
	v5 =	vor.u32 v17, v19;
	v49 =	vld [tilespmem:s15+$0x50];
	vm0 =	veq.s32 v8, v3  }
0x184: {  	v17 =	vand.u32 $0x3C00, v23;
	vm1 =	veq.s32 v15, v3;
	v4 =	vadd.s32 v1, v4  }
0x185: {  	v53 =	vshrl.u32 v24, $0x9;
	v17 =	vor.u32 v21, v17;
	v5 =	vadd.s32 v1, v5  }
0x186: {  	v55 =	vshrl.u32 v24, $0x6;
	v59 =	vshrl.u32 v24, $0x14;
	v16 =	vld [tilespmem:s16+$0xFFFFFFA0];
	v8 =	vadd.s32 v1, v17  }
0x187: {  	v57 =	vand.u32 $0x7F, v53;
	v58 =	vand.u32 $0x3C00, v55;
	vm6 =	veq.s32 v59, v3  }
0x188: {  	v19 =	vor.u32 v57, v58;
	v54 =	vshrl.u32 v49, $0x9;
	v25 =	vshrl.u32 v49, $0x6  }
0x189: {  	v18 =	vshrl.u32 v49, $0x14;
	v23 =	vand.u32 $0x7F, v54;
	v25 =	vand.u32 $0x3C00, v25;
	[tilespmem:v4+s12+$0x0] =	vst.idx.add.s32.msk vm0, v2  }
0x18a: {  	v56 =	vand.u32 $0x3C00, v52;
	vm0 =	veq.s32 v18, v3;
	[tilespmem:v5+s12+$0x0] =	vst.idx.add.s32.msk vm1, v2;
	v23 =	vor.u32 v23, v25  }
0x18b: {  	v15 =	vshrl.u32 v16, $0x9;
	v17 =	vshrl.u32 v16, $0x6;
	[tilespmem:v8+s12+$0x0] =	vst.idx.add.s32.msk vm4, v2;
	v5 =	vadd.s32 v1, v23  }
0x18c: {  	v15 =	vand.u32 $0x7F, v15;
	v17 =	vand.u32 $0x3C00, v17;
	v8 =	vshrl.u32 v16, $0x14;
	v16 =	vld [tilespmem:s15+$0xFFFFFF90]  }
0x18d: {  	v19 =	vadd.s32 v1, v19;
	v15 =	vor.u32 v15, v17;
	v17 =	vshrl.u32 v48, $0x14;
	v60 =	vld [tilespmem:s15+$0xFFFFFFD0]  }
0x18e: {  	v15 =	vadd.s32 v1, v15;
	vm5 =	veq.s32 v17, v3;
	v4 =	vand.u32 $0x7F, v51;
	v62 =	vld [tilespmem:s15+$0x10]  }
0x18f: {  	vm1 =	veq.s32 v11, v3;
	v4 =	vor.u32 v4, v56;
	vm4 =	veq.s32 v8, v3  }
0x190: {  	v61 =	vadd.s32 v1, v4;
	v8 =	vshrl.u32 v14, $0x14;
	v4 =	vadd.s32 v1, v12;
	[tilespmem:v5+s12+$0x0] =	vst.idx.add.s32.msk vm0, v2  }
0x191: {  	v14 =	vshrl.u32 v16, $0x14;
	v11 =	vshrl.u32 v16, $0x6;
	vm0 =	veq.s32 v13, v3;
	v12 =	vld [tilespmem:s15+$0x60]  }
0x192: {  	v5 =	vadd.s32 v1, v9;
	v9 =	vshrl.u32 v16, $0x9;
	v13 =	vshrl.u32 v60, $0x6  }
0x193: {  	[tilespmem:v10+s12+$0x0] =	vst.idx.add.s32.msk vm3, v2;
	v10 =	vand.u32 $0x3C00, v11;
	v11 =	vshrl.u32 v62, $0x9;
	v16 =	vshrl.u32 v62, $0x6  }
0x194: {  	[tilespmem:v7+s12+$0x0] =	vst.idx.add.s32.msk vm2, v2;
	v7 =	vand.u32 $0x7F, v9;
	v9 =	vshrl.u32 v60, $0x9;
	v13 =	vand.u32 $0x3C00, v13  }
0x195: {  	v11 =	vand.u32 $0x7F, v11;
	[tilespmem:v15+s12+$0x0] =	vst.idx.add.s32.msk vm4, v2;
	v15 =	vand.u32 $0x3C00, v16;
	v9 =	vand.u32 $0x7F, v9  }
0x196: {  	[tilespmem:v19+s12+$0x0] =	vst.idx.add.s32.msk vm6, v2;
	v7 =	vor.u32 v7, v10;
	v16 =	vshrl.u32 v12, $0x9;
	v17 =	vshrl.u32 v12, $0x6  }
0x197: {  	[tilespmem:v61+s12+$0x0] =	vst.idx.add.s32.msk vm5, v2;
	v12 =	vshrl.u32 v12, $0x14;
	v16 =	vand.u32 $0x7F, v16;
	v17 =	vand.u32 $0x3C00, v17  }
0x198: {  	vm3 =	veq.s32 v12, v3;
	v10 =	vor.u32 v16, v17;
	v17 =	vor.u32 v11, v15;
	v11 =	vld [tilespmem:s16+$0xFFFFFFB0]  }
0x199: {  	v6 =	vadd.s32 v1, v6;
	v16 =	vor.u32 v9, v13;
	v9 =	vld [tilespmem:s16+$0xFFFFFFF0];
	v12 =	vadd.s32 v1, v10  }
0x19a: {  	vm2 =	veq.s32 v8, v3;
	v63 =	vshrl.u32 v62, $0x14;
	vm4 =	veq.s32 v14, v3;
	v10 =	vld [tilespmem:s16+$0x30]  }
0x19b: {  	vm5 =	veq.s32 v63, v3;
	v13 =	vadd.s32 v1, v7;
	v7 =	vshrl.u32 v60, $0x14  }
0x19c: {  	s17 =	simm.s32 $0x8;
	v15 =	vadd.s32 v1, v16;
	v14 =	vadd.s32 v1, v17;
	vm6 =	veq.s32 v7, v3;
	s16 =	simm.s32 $0x8380  }
.LBB2_6:
0x19d: {  	v16 =	vld [tilespmem:s16+$0x40];
	v8 =	vshrl.u32 v11, $0x14;
	v7 =	vshrl.u32 v11, $0x9;
	v11 =	vshrl.u32 v11, $0x6  }
0x19e: {  	[tilespmem:v12+s12+$0x0] =	vst.idx.add.s32.msk vm3, v2;
	v7 =	vand.u32 $0x7F, v7;
	v12 =	vshrl.u32 v9, $0x9;
	v17 =	vshrl.u32 v9, $0x6  }
0x19f: {  	v11 =	vand.u32 $0x3C00, v11;
	v18 =	vld [tilespmem:s15+$0x70];
	v19 =	vshrl.u32 v10, $0x9;
	v20 =	vshrl.u32 v10, $0x6  }
0x1a0: {  	s17 =	sadd.s32 $0x4, s17;
	v12 =	vand.u32 $0x7F, v12;
	v17 =	vand.u32 $0x3C00, v17;
	v21 =	vld [tilespmem:s16+$0xFFFFFFC0];
	v19 =	vand.u32 $0x7F, v19  }
0x1a1: {  	p0 =	slt.u32 s17, $0x1FC;
	v11 =	vor.u32 v7, v11;
	v12 =	vor.u32 v12, v17;
	v17 =	vand.u32 $0x3C00, v20;
	v22 =	vld [tilespmem:s16+$0x0]  }
0x1a2: {  	v9 =	vshrl.u32 v9, $0x14;
	v7 =	vshrl.u32 v10, $0x14;
	v10 =	vor.u32 v19, v17;
	v20 =	vld [tilespmem:s16+$0xFFFFFF80]  }
0x1a3: {  	v17 =	vshrl.u32 v16, $0x14;
	v19 =	vshrl.u32 v16, $0x9;
	v16 =	vshrl.u32 v16, $0x6;
	[tilespmem:v13+s12+$0x0] =	vst.idx.add.s32.msk vm4, v2  }
0x1a4: {  	v13 =	vand.u32 $0x7F, v19;
	[tilespmem:v15+s12+$0x0] =	vst.idx.add.s32.msk vm6, v2;
	v15 =	vshrl.u32 v18, $0x9;
	v19 =	vshrl.u32 v18, $0x6  }
0x1a5: {  	[tilespmem:v14+s12+$0x0] =	vst.idx.add.s32.msk vm5, v2;
	v14 =	vshrl.u32 v18, $0x14;
	v15 =	vand.u32 $0x7F, v15;
	v18 =	vand.u32 $0x3C00, v19  }
0x1a6: {  	v16 =	vand.u32 $0x3C00, v16;
	v19 =	vld [tilespmem:s15+$0xFFFFFFA0];
	vm4 =	veq.s32 v14, v3;
	v14 =	vor.u32 v15, v18  }
0x1a7: {  	vm3 =	veq.s32 v17, v3;
	v13 =	vor.u32 v13, v16;
	v15 =	vld [tilespmem:s15+$0xFFFFFFE0];
	v14 =	vadd.s32 v1, v14  }
0x1a8: {  	v13 =	vadd.s32 v1, v13;
	v16 =	vshrl.u32 v20, $0x9;
	v17 =	vshrl.u32 v20, $0x6;
	v18 =	vld [tilespmem:s15+$0x20]  }
0x1a9: {  	v23 =	vshrl.u32 v21, $0x9;
	v24 =	vshrl.u32 v21, $0x6;
	v25 =	vshrl.u32 v22, $0x9;
	[tilespmem:v6+s12+$0x0] =	vst.idx.add.s32.msk vm1, v2  }
0x1aa: {  	v6 =	vand.u32 $0x7F, v16;
	v16 =	vand.u32 $0x3C00, v17;
	v17 =	vshrl.u32 v22, $0x6;
	[tilespmem:v4+s12+$0x0] =	vst.idx.add.s32.msk vm0, v2  }
0x1ab: {  	v4 =	vand.u32 $0x7F, v23;
	v23 =	vand.u32 $0x3C00, v24;
	v24 =	vand.u32 $0x7F, v25;
	[tilespmem:v5+s12+$0x0] =	vst.idx.add.s32.msk vm2, v2  }
0x1ac: {  	v5 =	vor.u32 v6, v16;
	v4 =	vor.u32 v4, v23;
	v6 =	vand.u32 $0x3C00, v17;
	[tilespmem:v14+s12+$0x0] =	vst.idx.add.s32.msk vm4, v2  }
0x1ad: {  	v16 =	vshrl.u32 v21, $0x14;
	v14 =	vshrl.u32 v20, $0x14;
	v6 =	vor.u32 v24, v6;
	[tilespmem:v13+s12+$0x0] =	vst.idx.add.s32.msk vm3, v2  }
0x1ae: {  	v5 =	vadd.s32 v1, v5;
	v4 =	vadd.s32 v1, v4;
	v13 =	vshrl.u32 v22, $0x14;
	v17 =	vld [tilespmem:s16+$0x50]  }
0x1af: {  	vm1 =	veq.s32 v16, v3;
	vm0 =	veq.s32 v14, v3;
	v6 =	vadd.s32 v1, v6  }
0x1b0: {  	v14 =	vshrl.u32 v19, $0x6;
	vm2 =	veq.s32 v13, v3;
	v13 =	vshrl.u32 v19, $0x9  }
0x1b1: {  	v16 =	vshrl.u32 v15, $0x9;
	v20 =	vshrl.u32 v15, $0x6;
	v21 =	vshrl.u32 v18, $0x9  }
0x1b2: {  	v22 =	vshrl.u32 v18, $0x6;
	v14 =	vand.u32 $0x3C00, v14;
	v13 =	vand.u32 $0x7F, v13  }
0x1b3: {  	v16 =	vand.u32 $0x7F, v16;
	v23 =	vshrl.u32 v17, $0x9;
	v24 =	vshrl.u32 v17, $0x6  }
0x1b4: {  	v17 =	vshrl.u32 v17, $0x14;
	v23 =	vand.u32 $0x7F, v23;
	v24 =	vand.u32 $0x3C00, v24  }
0x1b5: {  	[tilespmem:v5+s12+$0x0] =	vst.idx.add.s32.msk vm0, v2;
	vm0 =	veq.s32 v17, v3;
	v5 =	vor.u32 v23, v24;
	v17 =	vand.u32 $0x3C00, v20  }
0x1b6: {  	v20 =	vand.u32 $0x3C00, v22;
	[tilespmem:v4+s12+$0x0] =	vst.idx.add.s32.msk vm1, v2;
	v4 =	vadd.s32 v1, v5;
	v5 =	vand.u32 $0x7F, v21  }
0x1b7: {  	v13 =	vor.u32 v13, v14;
	v14 =	vor.u32 v16, v17;
	[tilespmem:v6+s12+$0x0] =	vst.idx.add.s32.msk vm2, v2;
	v6 =	vshrl.u32 v19, $0x14  }
0x1b8: {  	v15 =	vshrl.u32 v15, $0x14;
	v17 =	vshrl.u32 v18, $0x14;
	v5 =	vor.u32 v5, v20;
	v16 =	vld [tilespmem:s16+$0xFFFFFF90]  }
0x1b9: {  	v13 =	vadd.s32 v1, v13;
	v14 =	vadd.s32 v1, v14;
	v19 =	vadd.s32 v1, v5;
	v18 =	vld [tilespmem:s16+$0xFFFFFFD0]  }
0x1ba: {  	vm4 =	veq.s32 v15, v3;
	vm2 =	veq.s32 v17, v3;
	vm3 =	veq.s32 v6, v3;
	v20 =	vld [tilespmem:s16+$0x10]  }
0x1bb: {  	v6 =	vadd.s32 v1, v11;
	[tilespmem:v4+s12+$0x0] =	vst.idx.add.s32.msk vm0, v2;
	v4 =	vadd.s32 v1, v12  }
0x1bc: {  	vm1 =	veq.s32 v8, v3;
	v5 =	vadd.s32 v1, v10;
	vm0 =	veq.s32 v9, v3;
	v11 =	vld [tilespmem:s16+$0x60]  }
0x1bd: {  	v8 =	vshrl.u32 v16, $0x14;
	v9 =	vshrl.u32 v16, $0x9;
	v10 =	vshrl.u32 v16, $0x6  }
0x1be: {  	v9 =	vand.u32 $0x7F, v9;
	v12 =	vshrl.u32 v18, $0x9;
	v15 =	vshrl.u32 v18, $0x6  }
0x1bf: {  	v10 =	vand.u32 $0x3C00, v10;
	v16 =	vshrl.u32 v20, $0x9;
	v17 =	vshrl.u32 v20, $0x6  }
0x1c0: {  	v12 =	vand.u32 $0x7F, v12;
	v15 =	vand.u32 $0x3C00, v15;
	v16 =	vand.u32 $0x7F, v16;
	[tilespmem:v13+s12+$0x0] =	vst.idx.add.s32.msk vm3, v2  }
0x1c1: {  	v13 =	vand.u32 $0x3C00, v17;
	v17 =	vshrl.u32 v11, $0x9;
	v21 =	vshrl.u32 v11, $0x6;
	[tilespmem:v14+s12+$0x0] =	vst.idx.add.s32.msk vm4, v2  }
0x1c2: {  	v11 =	vshrl.u32 v11, $0x14;
	v14 =	vand.u32 $0x7F, v17;
	v17 =	vand.u32 $0x3C00, v21;
	[tilespmem:v19+s12+$0x0] =	vst.idx.add.s32.msk vm2, v2  }
.Ltmp2:
0x1c3: {  	v10 =	vor.u32 v9, v10;
	vm3 =	veq.s32 v11, v3;
	v9 =	vor.u32 v14, v17;
	v11 =	vld [tilespmem:s15+$0xFFFFFFB0];
	(pc) =	sbr.rel @p0 .LBB2_6-.Ltmp2, $4  }
0x1c4: {  	v16 =	vor.u32 v16, v13;
	v14 =	vor.u32 v12, v15;
	v12 =	vadd.s32 v1, v9;
	v9 =	vld [tilespmem:s15+$0xFFFFFFF0]  }
0x1c5: {  	v13 =	vadd.s32 v1, v10;
	v17 =	vshrl.u32 v18, $0x14;
	v18 =	vshrl.u32 v20, $0x14;
	v10 =	vld [tilespmem:s15+$0x30];
	s15 =	smov.u32 s16  }
0x1c6: {  	vm4 =	veq.s32 v8, v3;
	v15 =	vadd.s32 v1, v14;
	v14 =	vadd.s32 v1, v16  }
0x1c7: {  	vm2 =	veq.s32 v7, v3;
	vm6 =	veq.s32 v17, v3;
	vm5 =	veq.s32 v18, v3;
	s16 =	sadd.s32 $0x100, s16  }
0x1c8: {  	_ =	sdelay $0x4  }
0x1c9: {  	[tilespmem:v13+s12+$0x0] =	vst.idx.add.s32.msk vm4, v2  }
0x1ca: {  	[tilespmem:v15+s12+$0x0] =	vst.idx.add.s32.msk vm6, v2  }
0x1cb: {  	[tilespmem:v14+s12+$0x0] =	vst.idx.add.s32.msk vm5, v2  }
0x1cc: {  	v7 =	vld [tilespmem:s15+$0xFFFFFFA0]  }
0x1cd: {  	v8 =	vld [tilespmem:s15+$0xFFFFFFE0]  }
0x1ce: {  	v22 =	vld [tilespmem:s15+$0x20];
	_ =	sdelay $0x3  }
0x1cf: {  	v23 =	vshrl.u32 v7, $0x9;
	v24 =	vshrl.u32 v7, $0x6  }
0x1d0: {  	v16 =	vshrl.u32 v8, $0x9;
	v17 =	vshrl.u32 v8, $0x6;
	v18 =	vshrl.u32 v22, $0x9  }
0x1d1: {  	v19 =	vshrl.u32 v22, $0x6;
	v7 =	vshrl.u32 v7, $0x14;
	v8 =	vshrl.u32 v8, $0x14  }
0x1d2: {  	v26 =	vshrl.u32 v22, $0x14;
	v14 =	vand.u32 $0x7F, v23;
	v15 =	vand.u32 $0x3C00, v24  }
0x1d3: {  	v16 =	vand.u32 $0x7F, v16;
	v17 =	vand.u32 $0x3C00, v17;
	v18 =	vand.u32 $0x7F, v18  }
0x1d4: {  	v19 =	vand.u32 $0x3C00, v19;
	vm13 =	veq.s32 v7, v3;
	v14 =	vor.u32 v14, v15  }
0x1d5: {  	vm14 =	veq.s32 v8, v3;
	v25 =	vor.u32 v16, v17;
	v27 =	vadd.s32 v1, v14  }
0x1d6: {  	vm15 =	veq.s32 v26, v3;
	v28 =	vor.u32 v18, v19;
	v29 =	vadd.s32 v1, v25  }
0x1d7: {  	v30 =	vshrl.u32 v11, $0x9;
	[tilespmem:v12+s12+$0x0] =	vst.idx.add.s32.msk vm3, v2;
	v8 =	vadd.s32 v1, v28  }
0x1d8: {  	v31 =	vshrl.u32 v11, $0x14;
	v32 =	vshrl.u32 v11, $0x6;
	v33 =	vld [tilespmem:s15+$0x70];
	v34 =	vshrl.u32 v9, $0x9  }
0x1d9: {  	v35 =	vshrl.u32 v9, $0x6;
	v11 =	vand.u32 $0x3C00, v32;
	v42 =	vshrl.u32 v9, $0x14  }
0x1da: {  	vm10 =	veq.s32 v31, v3;
	v36 =	vshrl.u32 v10, $0x9;
	v37 =	vshrl.u32 v10, $0x6;
	[tilespmem:v27+s12+$0x0] =	vst.idx.add.s32.msk vm13, v2  }
0x1db: {  	v38 =	vand.u32 $0x3C00, v35;
	v39 =	vand.u32 $0x7F, v36;
	v41 =	vand.u32 $0x3C00, v37;
	[tilespmem:v29+s12+$0x0] =	vst.idx.add.s32.msk vm14, v2  }
0x1dc: {  	v43 =	vshrl.u32 v10, $0x14;
	vm11 =	veq.s32 v42, v3;
	v13 =	vor.u32 v39, v41;
	[tilespmem:v8+s12+$0x0] =	vst.idx.add.s32.msk vm15, v2  }
0x1dd: {  	vm12 =	veq.s32 v43, v3;
	v49 =	vadd.s32 v1, v13;
	v44 =	vshrl.u32 v33, $0x9;
	v46 =	vld [tilespmem:s15+$0xFFFFFFB0]  }
0x1de: {  	v45 =	vshrl.u32 v33, $0x6;
	v7 =	vand.u32 $0x7F, v30;
	v10 =	vand.u32 $0x7F, v44;
	v47 =	vld [tilespmem:s15+$0xFFFFFFF0]  }
0x1df: {  	v16 =	vand.u32 $0x7F, v34;
	v7 =	vor.u32 v7, v11;
	v15 =	vshrl.u32 v33, $0x14;
	v48 =	vld [tilespmem:s15+$0x30]  }
0x1e0: {  	v40 =	vor.u32 v16, v38;
	v14 =	vand.u32 $0x3C00, v45;
	vm9 =	veq.s32 v15, v3  }
0x1e1: {  	v7 =	vadd.s32 v1, v7;
	v10 =	vor.u32 v10, v14;
	v11 =	vadd.s32 v1, v40  }
0x1e2: {  	v10 =	vadd.s32 v1, v10;
	v50 =	vshrl.u32 v46, $0x14;
	v51 =	vshrl.u32 v46, $0x9  }
0x1e3: {  	v52 =	vshrl.u32 v46, $0x6;
	v53 =	vshrl.u32 v47, $0x9;
	v54 =	vshrl.u32 v47, $0x6  }
0x1e4: {  	[tilespmem:v6+s12+$0x0] =	vst.idx.add.s32.msk vm1, v2;
	v55 =	vshrl.u32 v48, $0x9;
	v56 =	vshrl.u32 v48, $0x6;
	v60 =	vshrl.u32 v47, $0x14  }
0x1e5: {  	[tilespmem:v4+s12+$0x0] =	vst.idx.add.s32.msk vm0, v2;
	v61 =	vshrl.u32 v48, $0x14;
	v12 =	vand.u32 $0x7F, v51;
	v13 =	vand.u32 $0x3C00, v52  }
0x1e6: {  	[tilespmem:v5+s12+$0x0] =	vst.idx.add.s32.msk vm2, v2;
	v15 =	vand.u32 $0x7F, v53;
	v16 =	vand.u32 $0x3C00, v54;
	v57 =	vand.u32 $0x7F, v55  }
0x1e7: {  	[tilespmem:v49+s12+$0x0] =	vst.idx.add.s32.msk vm12, v2;
	v59 =	vand.u32 $0x3C00, v56;
	vm13 =	veq.s32 v50, v3;
	v12 =	vor.u32 v12, v13  }
0x1e8: {  	vm14 =	veq.s32 v60, v3;
	v58 =	vor.u32 v15, v16;
	v62 =	vadd.s32 v1, v12  }
0x1e9: {  	vm15 =	veq.s32 v61, v3;
	v4 =	vor.u32 v57, v59;
	v63 =	vadd.s32 v1, v58  }
0x1ea: {  	[tilespmem:v7+s12+$0x0] =	vst.idx.add.s32.msk vm10, v2;
	v3 =	vadd.s32 v1, v4  }
0x1eb: {  	[tilespmem:v11+s12+$0x0] =	vst.idx.add.s32.msk vm11, v2  }
0x1ec: {  	[tilespmem:v10+s12+$0x0] =	vst.idx.add.s32.msk vm9, v2  }
0x1ed: {  	s14 =	sadd.s32 $0x1, s14;
	[tilespmem:v62+s12+$0x0] =	vst.idx.add.s32.msk vm13, v2  }
0x1ee: {  	p0 =	sne.s32 s14, s7;
	[tilespmem:v63+s12+$0x0] =	vst.idx.add.s32.msk vm14, v2  }
.Ltmp3:
0x1ef: {  	[tilespmem:v3+s12+$0x0] =	vst.idx.add.s32.msk vm15, v2;
	(pc) =	sbr.rel @p0 .LBB2_1-.Ltmp3, $4  }
0x1f0: {  	[hbm4b:s6+s3] =	stream.linear.scatter [tilespmem:s12], [sflag:$0x3], $0x8800, $0x38;
	[tilespmem:$0x18880] =	vst v63  }
0x1f1: {  	_ =	swait.ge [sflag:s9], $0x8800  }
0x1f2: {  	[sflag:s9] =	ssyncset.done $0x0  }
0x1f3: {  	[sflag:s9] =	ssyncadd.s32 $0xFFFF7800  }
0x1f4: {  	_ =	sfence.sel $0x180000  }
0x1f5: {  	[bflag:$0x0] =	sbarrier.arrive $0xFFFF  }
0x1f6: {  	_ =	strace $0x9000004A  }
0x1f7: {  	s0 =	stileid.u32;
	[bflag:$0x2] =	sbarrier.arrive $0xFFFF  }
0x1f8: {  	p0 =	sne.s32 s0, $0x0;
	s0 =	rddreg [dreg:$0x2]  }
0x1f9: {  	s0 =	sadd.s32 @!p0 $0x100000, s0  }
0x1fa: {  	[sflag:s0] =	ssyncadd.tile.s32 @!p0 $0x1;
	_ =	shalt  }
.Lfunc_end2:
_tile_overlayer_lowered:
.L_overlay_start_2:
0x1fb: {  	(tag) =	ssettag $0x2  }
0x1fc: {  	s0 =	rddreg [dreg:$0x0];
	s2 =	stileid.u32  }
0x1fd: {  	s1 =	rddreg [dreg:$0x1];
	p0 =	sne.s32 s2, $0x0  }
0x1fe: {  	s3 =	rddreg [dreg:$0x2];
	[bflag:$0x3] =	sbarrier.arrive $0xFFFF;
	s2 =	simm.s32 @!p0 $0x1C03  }
0x1ff: {  	[timem:s3], [sflag:s2] =	dma.local @!p0 [hbm:s0], s1  }
0x200: {  	s0 =	simm.s32 @!p0 $0x3  }
0x201: {  	_ =	swait.ge @!p0 [sflag:s0], s1  }
0x202: {  	s1 =	ssub.s32 @!p0 $0x0, s1;
	[sflag:s0] =	ssyncset.done @!p0 $0x0  }
0x203: {  	[sflag:s0] =	ssyncadd.s32 @!p0 s1  }
0x204: {  	[bflag:$0x3] =	sbarrier.arrive $0xFFFF  }
0x205: {  	_ =	shalt  }

// kernel: kernel.7.cloned.1.call-start
scs
__scs_entry_jumppad:
0x0: {  	(pc) =	sbr.rel $0x88, $3  }
0x1: {  	(tag) =	ssettag $0x0;
	lr =	simm.s32 $0x1  }
0x2: {  	[smem:$0x3F9F] =	sst lr;
	_ =	strace $0xD0000000  }
0x3: {  	_ = 	snop  }
0x4: {  	_ = 	snop  }
0x5: {  	_ = 	snop  }
0x6: {  	_ = 	snop  }
0x7: {  	_ = 	snop  }
__scs_overlays_trampoline_lowered:
0x8: {  	[smem:$0x3FAE] =	sst s0  }
0x9: {  	[smem:$0x3FAF] =	sst s1  }
0xa: {  	[smem:$0x3FB0] =	sst s2  }
0xb: {  	[smem:$0x3FB1] =	sst s3  }
0xc: {  	[smem:$0x3FB2] =	sst s4  }
0xd: {  	[smem:$0x3FB3] =	sst s5  }
0xe: {  	[smem:$0x3FB4] =	sst s6  }
0xf: {  	[smem:$0x3FB5] =	sst s7  }
0x10: {  	[smem:$0x3FB6] =	sst s8  }
0x11: {  	[smem:$0x3FB7] =	sst s9;
	s0 =	simm.s32 @!p0 $0x0  }
0x12: {  	s1 =	sld [smem:$0x3F9D];
	s0 =	simm.s32 @p0 $0x1  }
0x13: {  	[smem:$0x3FB8] =	sst s0;
	s0 =	simm.s32 @!p1 $0x0  }
0x14: {  	s2 =	sld [smem:$0x3F9C];
	s0 =	simm.s32 @p1 $0x1  }
0x15: {  	[smem:$0x3FB9] =	sst s0;
	s0 =	simm.s32 @!p2 $0x0  }
0x16: {  	s3 =	sld [smem:$0x3FDB];
	s0 =	simm.s32 @p2 $0x1  }
0x17: {  	s4 =	simm.s32 $0x1BF5;
	[smem:$0x3FBB] =	sst s0  }
0x18: {  	s0 =	sld [smem:$0x3F9E];
	_ =	swait.ge [sflag:s4], $0x0  }
0x19: {  	s7 =	sld [smem:$0x3F9F]  }
0x1a: {  	s8 =	sadd.s32 $0xFFFFE003, lr  }
0x1b: {  	s9 =	sadd.s32 $0xFFFFFEF7, lr;
	s5 =	simm.s32 $0xFFFFFFFF;
	p2 =	slt.u32 s8, $0xFFFFF086  }
0x1c: {  	p1 =	slt.u32 s9, $0xF7A;
	s5 =	simm.s32 @!p2 $0x0  }
0x1d: {  	s5 =	simm.s32 @p1 $0x1;
	p0 =	seq.s32 s7, s2  }
0x1e: {  	s7 =	smul.u32 @!p0 $0xF7A, s2;
	p2 =	seq.s32 @!p0 s5, $0x0  }
0x1f: {  	s9 =	smul.u32 $0xF7A, s1;
	s8 =	simm.s32 @!p0 $0x1BF5;
	p2 =	por !p2, p0  }
0x20: {  	[sflag:s8] =	ssyncset.s32 @!p0 $0xFFFFF086;
	s6 =	sadd.s32 @!p0 s3, s7;
	s7 =	simm.s32 @!p0 $0x108  }
0x21: {  	s3 =	sadd.s32 s3, s9;
	s6 =	sadd.s32 @!p0 $0x88, s6;
	s7 =	simm.s32 @p2 $0x1082  }
0x22: {  	[simem:s7], [sflag:s8] =	dma.local @!p0 [hbm:s6], $0xF7A  }
0x23: {  	s9 =	sor.u32 $0xD0000000, s2;
	s6 =	simm.s32 $0x108;
	_ =	swait.ge @!p0 [sflag:s8], $0x0  }
0x24: {  	s3 =	sadd.s32 $0x88, s3;
	s6 =	simm.s32 @!p1 $0x1082;
	[sflag:s4] =	ssyncset.s32 $0xFFFFF086  }
0x25: {  	[simem:s6], [sflag:s4] =	dma.local [hbm:s3], $0xF7A  }
0x26: {  	[smem:$0x3F9F] =	sst s1;
	(tag) =	ssettag s2;
	_ =	strace s9  }
0x27: {  	s1 =	sld [smem:$0x3FAF]  }
0x28: {  	s2 =	sld [smem:$0x3FB0]  }
0x29: {  	s4 =	sld [smem:$0x3FB2]  }
0x2a: {  	p0 =	seq.s32 s5, $0x0;
	s5 =	sld [smem:$0x3FB3]  }
0x2b: {  	s6 =	sld [smem:$0x3FB4]  }
0x2c: {  	s7 =	sld [smem:$0x3FB5]  }
0x2d: {  	s3 =	simm.s32 $0x108;
	s8 =	sld [smem:$0x3FB6]  }
0x2e: {  	s3 =	simm.s32 @!p0 $0x1082;
	s9 =	sld [smem:$0x3FB7]  }
0x2f: {  	lr =	sadd.s32 s0, s3;
	s0 =	sld [smem:$0x3FAE]  }
0x30: {  	s3 =	sld [smem:$0x3FB1]  }
0x31: {  	[smem:$0x3FBA] =	sst s10  }
0x32: {  	s10 =	sld [smem:$0x3FB8];
	_ =	sdelay $0x3  }
0x33: {  	p0 =	seq.s32 s10, $0x1;
	s10 =	sld [smem:$0x3FBA];
	_ =	sdelay $0x3  }
0x34: {  	[smem:$0x3FBA] =	sst s10  }
0x35: {  	s10 =	sld [smem:$0x3FB9];
	_ =	sdelay $0x3  }
0x36: {  	p1 =	seq.s32 s10, $0x1;
	s10 =	sld [smem:$0x3FBA];
	_ =	sdelay $0x3  }
0x37: {  	[smem:$0x3FBA] =	sst s10  }
0x38: {  	s10 =	sld [smem:$0x3FBB]  }
0x39: {  	_ = 	snop;
	(pc) =	sbr.ind lr, $3  }
0x3a: {  	_ = 	snop  }
0x3b: {  	_ = 	snop  }
0x3c: {  	p2 =	seq.s32 s10, $0x1;
	s10 =	sld [smem:$0x3FBA]  }
0x3d: {  	_ =	shalt  }
0x3e: {  	_ =	shalt  }
0x3f: {  	_ =	shalt  }
0x40: {  	_ =	shalt  }
0x41: {  	_ =	shalt  }
0x42: {  	_ =	shalt  }
0x43: {  	_ =	shalt  }
0x44: {  	_ =	shalt  }
0x45: {  	_ =	shalt  }
0x46: {  	_ =	shalt  }
0x47: {  	_ =	shalt  }
0x48: {  	_ =	shalt  }
0x49: {  	_ =	shalt  }
0x4a: {  	_ =	shalt  }
0x4b: {  	_ =	shalt  }
0x4c: {  	_ =	shalt  }
0x4d: {  	_ =	shalt  }
0x4e: {  	_ =	shalt  }
0x4f: {  	_ =	shalt  }
0x50: {  	_ =	shalt  }
0x51: {  	_ =	shalt  }
0x52: {  	_ =	shalt  }
0x53: {  	_ =	shalt  }
0x54: {  	_ =	shalt  }
0x55: {  	_ =	shalt  }
0x56: {  	_ =	shalt  }
0x57: {  	_ =	shalt  }
0x58: {  	_ =	shalt  }
0x59: {  	_ =	shalt  }
0x5a: {  	_ =	shalt  }
0x5b: {  	_ =	shalt  }
0x5c: {  	_ =	shalt  }
0x5d: {  	_ =	shalt  }
0x5e: {  	_ =	shalt  }
0x5f: {  	_ =	shalt  }
0x60: {  	_ =	shalt  }
0x61: {  	_ =	shalt  }
0x62: {  	_ =	shalt  }
0x63: {  	_ =	shalt  }
0x64: {  	_ =	shalt  }
0x65: {  	_ =	shalt  }
0x66: {  	_ =	shalt  }
0x67: {  	_ =	shalt  }
0x68: {  	_ =	shalt  }
0x69: {  	_ =	shalt  }
0x6a: {  	_ =	shalt  }
0x6b: {  	_ =	shalt  }
0x6c: {  	_ =	shalt  }
0x6d: {  	_ =	shalt  }
0x6e: {  	_ =	shalt  }
0x6f: {  	_ =	shalt  }
0x70: {  	_ =	shalt  }
0x71: {  	_ =	shalt  }
0x72: {  	_ =	shalt  }
0x73: {  	_ =	shalt  }
0x74: {  	_ =	shalt  }
0x75: {  	_ =	shalt  }
0x76: {  	_ =	shalt  }
0x77: {  	_ =	shalt  }
0x78: {  	_ =	shalt  }
0x79: {  	_ =	shalt  }
0x7a: {  	_ =	shalt  }
0x7b: {  	_ =	shalt  }
0x7c: {  	_ =	shalt  }
0x7d: {  	_ =	shalt  }
0x7e: {  	_ =	shalt  }
0x7f: {  	_ =	shalt  }
0x80: {  	_ =	shalt  }
0x81: {  	_ =	shalt  }
0x82: {  	_ =	shalt  }
0x83: {  	_ =	shalt  }
0x84: {  	_ =	shalt  }
0x85: {  	_ =	shalt  }
0x86: {  	_ =	shalt  }
0x87: {  	_ =	shalt  }
.Lfunc_end0:
.L_simem_size_0:
called_computation_lowered:
.L_overlay_start_0:
0x88: {  	s2 =	sld [smem:$0x3FD9]  }
0x89: {  	s3 =	sld [smem:$0x3FFE];
	_ =	sdelay $0x1  }
0x8a: {  	s1 =	srdreg.scid  }
0x8b: {  	s0 =	sand.u32 $0x1, s1  }
0x8c: {  	s16 =	sshll.u32 s0, $0xA;
	s2 =	sadd.s32 s3, s2  }
0x8d: {  	s2 =	sadd.s32 s2, s16  }
0x8e: {  	[smem:$0x3FC6] =	sst s2  }
0x8f: {  	_ = 	snop  }
0x90: {  	(tm) =	ssettm $0x1  }
0x91: {  	s17 =	sld [smem:$0x3FFB];
	_ =	sdelay $0x3  }
0x92: {  	_ =	strace s17  }
0x93: {  	s2 =	sld [smem:$0x3FFC];
	_ =	sdelay $0x3  }
0x94: {  	_ =	strace s2  }
0x95: {  	s2 =	sld [smem:$0x3FFD];
	_ =	sdelay $0x3  }
0x96: {  	_ =	strace s2  }
0x97: {  	_ =	strace $0x8FFFFFFF  }
0x98: {  	s18 =	sld [smem:$0x3FDB];
	_ =	sdelay $0x1  }
0x99: {  	s19 =	simm.s32 $_scs_section_size  }
0x9a: {  	s4 =	simm.s32 $_size__tile_overlayer_lowered;
	s5 =	simm.s32 $_tile_overlayer_lowered  }
0x9b: {  	s22 =	simm.s32 $0x1BFF;
	s21 =	sshll.u32 s5, $0x1;
	s2 =	sadd.s32 s19, s18  }
0x9c: {  	s6 =	simm.s32 $0x0;
	s20 =	sshll.u32 s4, $0x1;
	s4 =	sadd.s32 s21, s2  }
0x9d: {  	[timem:s6], [sflag:s22] =	dma.local [hbm:s4], s20  }
0x9e: {  	_ =	swait.ge [sflag:s22], s20  }
0x9f: {  	s3 =	ssub.s32 $0x0, s20;
	[sflag:s22] =	ssyncset.done $0x0  }
0xa0: {  	[sflag:s22] =	ssyncadd.s32 s3;
	_ =	sdelay $0x1  }
0xa1: {  	s23 =	simm.s32 $0x1B8B  }
0xa2: {  	_ =	swait.ge [sflag:s23], $0x1  }
0xa3: {  	[sflag:s23] =	ssyncset.done $0x0  }
0xa4: {  	s25 =	simm.s32 $0x1B8E;
	s24 =	sld [smem:$0x3FFE];
	[sflag:s23] =	ssyncadd.s32 $0xFFFFFFFF  }
0xa5: {  	s26 =	simm.s32 $execute0_lowered;
	[smem:$0x3FD2] =	sst s25  }
0xa6: {  	s4 =	sshll.u32 s26, $0x1;
	_ =	strace $0x80000046;
	[dreg:$0x1] =	wrdreg $0xFFFFFFFF  }
0xa7: {  	s28 =	simm.s32 $_size_execute0_lowered;
	s2 =	sadd.s32 s2, s4;
	[dreg:$0x0] =	wrdreg $0x0  }
0xa8: {  	s4 =	sshll.u32 s28, $0x1;
	[dreg:$0x2] =	wrdreg s2  }
0xa9: {  	[dreg:$0x3] =	wrdreg s4  }
0xaa: {  	[dreg:$0x4] =	wrdreg $0xC0  }
0xab: {  	_ =	task [dreg:s6], $0x5FFFF  }
0xac: {  	[dreg:$0x1] =	wrdreg $0xFFFFFFFF  }
0xad: {  	[dreg:$0x0] =	wrdreg $0x60  }
0xae: {  	[dreg:$0x2] =	wrdreg s24  }
0xaf: {  	[dreg:$0x3] =	wrdreg $0x9  }
0xb0: {  	_ =	task.clear_ibuf [dreg:s6], $0x4FFFF;
	_ =	strace $0x90000046  }
0xb1: {  	s29 =	simm.s32 $0x9;
	_ =	strace $0x80000048  }
0xb2: {  	_ =	swait.ge [sflag:s29], $0x1  }
0xb3: {  	[sflag:s29] =	ssyncadd.s32 $0xFFFFFFFF  }
0xb4: {  	_ =	strace $0x90000048  }
0xb5: {  	_ =	sfence  }
0xb6: {  	s30 =	sld [smem:$0x0];
	_ =	sdelay $0x2  }
0xb7: {  	s31 =	sshll.u32 s1, $0xD;
	s1 =	sshrl.u32 s1, $0x2  }
0xb8: {  	s3 =	sand.u32 $0x4000, s31;
	s1 =	sadd.s32 s1, s30  }
0xb9: {  	s0 =	sor.u32 s3, s0;
	s1 =	sshll.u32 s1, $0x11  }
0xba: {  	s0 =	sor.u32 s1, s0  }
0xbb: {  	s0 =	sadd.s32 $0x8F2B, s0  }
0xbc: {  	[sflag:s0] =	ssyncadd.remote.s32 $0x1  }
0xbd: {  	_ =	sfence.sel $0xFFFF  }
0xbe: {  	[dreg:$0x0] =	wrdreg $0xFFFFFFFF;
	(pc) =	sbr.abs _section_cstart, $3  }
0xbf: {  	[dreg:$0x1] =	wrdreg $0xFFFFFFFF  }
0xc0: {  	_ =	task.clear_ibuf [dreg:s6], $0x2FFFF;
	_ =	strace $0x9FFFFFFF  }
0xc1: {  	(tm) =	ssettm $0x7FFFFFFF  }
tec
execute0_lowered:
.L_overlay_start_1:
0x0: {  	(tag) =	ssettag $0x1  }
0x1: {  	v0 =	vimm.s32 $0x4780;
	vm0 =	vcmask $0x300  }
0x2: {  	vm14 =	vcmask $0x704;
	v0 =	vsel vm0, $0x0, v0  }
0x3: {  	vm15 =	vcmask $0xB08;
	v0 =	vsel vm14, $0x80, v0  }
0x4: {  	vm4 =	vcmask $0xF0C;
	v0 =	vsel vm15, $0x100, v0  }
0x5: {  	vm5 =	vcmask $0x1310;
	v0 =	vsel vm4, $0x180, v0  }
0x6: {  	vm6 =	vcmask $0x1714;
	v0 =	vsel vm5, $0x200, v0  }
0x7: {  	vm7 =	vcmask $0x1B18;
	v0 =	vsel vm6, $0x280, v0  }
0x8: {  	s3 =	rddreg [dreg:$0x0];
	s4 =	srdreg.scid;
	vm8 =	vcmask $0x1F1C;
	v0 =	vsel vm7, $0x300, v0  }
0x9: {  	s0 =	stileid.u32;
	s2 =	simm.s32 $0x0;
	vm9 =	vcmask $0x2320;
	s8 =	simm.s32 $0x8000;
	v0 =	vsel vm8, $0x380, v0  }
0xa: {  	vm10 =	vcmask $0x2724;
	s9 =	simm.s32 $0x10000;
	s10 =	simm.s32 $0x2;
	s11 =	simm.s32 $0x3;
	v0 =	vsel vm9, $0x4400, v0  }
0xb: {  	vm11 =	vcmask $0x2B28;
	s12 =	simm.s32 $0x0;
	s4 =	sand.u32 $0x1, s4;
	s5 =	sshll.u32 s0, $0x1;
	v0 =	vsel vm10, $0x4480, v0  }
0xc: {  	vm12 =	vcmask $0x2F2C;
	[smem:$0x7FF] =	sst s2;
	s5 =	sor.u32 s4, s5;
	s4 =	ssub.s32 $0x2, s4;
	v0 =	vsel vm11, $0x4500, v0  }
0xd: {  	vm13 =	vcmask $0x3330;
	s6 =	sshll.u32 s5, $0xD;
	s5 =	smul.u32 $0x1100, s5;
	s7 =	sshrl.u32 s4, $0x1;
	v0 =	vsel vm12, $0x4580, v0  }
0xe: {  	_ =	strace $0x80000047;
	vm14 =	vcmask $0x3734;
	s6 =	sadd.s32 s6, s3;
	s7 =	ssub.s32 s4, s7;
	v0 =	vsel vm13, $0x4600, v0  }
0xf: {  	vm15 =	vcmask $0x3B38;
	s5 =	sadd.s32 s5, s3;
	s3 =	sadd.s32 $0x1E00, s6;
	s4 =	sadd.s32 $0x2E00, s6;
	v1 =	vsel vm14, $0x4680, v0  }
0x10: {  	v2 =	vimm.s32 $0x1;
	s6 =	smax.u32 s7, $0x1;
	s7 =	simm.s32 $0x1;
	s5 =	sadd.s32 $0x41E00, s5;
	v0 =	vimm.s32 $0x0;
	v1 =	vsel vm15, $0x4700, v1  }
.LBB2_1:
0x11: {  	s14 =	sand.u32 $0x60, s2;
	s13 =	sand.u32 $0x3C00, s2  }
0x12: {  	s15 =	sor.u32 $0x10000, s13;
	s16 =	sor.u32 $0x10, s14  }
0x13: {  	s17 =	sor.u32 s16, s15  }
0x14: {  	[tilespmem:s17+$0x0] =	vst v0  }
0x15: {  	[tilespmem:s17+$0x80] =	vst v0  }
0x16: {  	[tilespmem:s17+$0x100] =	vst v0  }
0x17: {  	[tilespmem:s17+$0x180] =	vst v0  }
0x18: {  	[tilespmem:s17+$0x200] =	vst v0  }
0x19: {  	s15 =	sor.u32 s14, s15;
	[tilespmem:s17+$0x280] =	vst v0  }
0x1a: {  	[tilespmem:s15+$0x0] =	vst v0  }
0x1b: {  	[tilespmem:s15+$0x80] =	vst v0  }
0x1c: {  	s18 =	sand.u32 $0x3, s2;
	[tilespmem:s15+$0x100] =	vst v0  }
0x1d: {  	s18 =	sshll.u32 s18, $0x5;
	[tilespmem:s15+$0x180] =	vst v0  }
0x1e: {  	s18 =	sadd.s32 $0x0, s18;
	[tilespmem:s15+$0x200] =	vst v0  }
0x1f: {  	s19 =	sadd.s32 $0x10, s18;
	s17 =	sor.u32 $0x300, s18;
	[tilespmem:s15+$0x280] =	vst v0  }
0x20: {  	s23 =	sor.u32 $0x300, s19;
	[tilespmem:s17+$0x10000] =	vst v0  }
0x21: {  	s18 =	sor.u32 $0x380, s18;
	[tilespmem:s23+$0x10000] =	vst v0  }
0x22: {  	s20 =	sadd.s32 $0x14400, s13;
	s24 =	sor.u32 $0x380, s19;
	[tilespmem:s18+$0x10000] =	vst v0  }
0x23: {  	s26 =	sor.u32 s16, s20;
	s20 =	sor.u32 s14, s20;
	[tilespmem:s24+$0x10000] =	vst v0  }
0x24: {  	s25 =	sadd.s32 $0x14480, s13;
	[tilespmem:s20+$0x0] =	vst v0  }
0x25: {  	s28 =	sor.u32 s16, s25;
	s25 =	sor.u32 s14, s25;
	[tilespmem:s26+$0x0] =	vst v0  }
0x26: {  	s21 =	sadd.s32 $0x14500, s13;
	[tilespmem:s25+$0x0] =	vst v0  }
0x27: {  	s22 =	sadd.s32 $0x14580, s13;
	s29 =	sor.u32 s16, s21;
	[tilespmem:s28+$0x0] =	vst v0  }
0x28: {  	s30 =	sor.u32 s16, s22;
	[tilespmem:s29+$0x0] =	vst v0  }
0x29: {  	s23 =	sadd.s32 $0x14600, s13;
	s29 =	sor.u32 s14, s21;
	[tilespmem:s30+$0x0] =	vst v0  }
0x2a: {  	s31 =	sor.u32 s16, s23;
	[tilespmem:s29+$0x0] =	vst v0  }
0x2b: {  	s24 =	sadd.s32 $0x14680, s13;
	s30 =	sor.u32 s14, s22;
	[tilespmem:s31+$0x0] =	vst v0  }
0x2c: {  	s0 =	sor.u32 s16, s24;
	[tilespmem:s30+$0x0] =	vst v0  }
0x2d: {  	s15 =	simm.s32 $0x20;
	s26 =	sadd.s32 $0x14700, s13;
	s31 =	sor.u32 s14, s23;
	[tilespmem:s0+$0x0] =	vst v0  }
0x2e: {  	s25 =	sor.u32 s14, s24;
	s28 =	sadd.s32 $0x14780, s13;
	s1 =	sor.u32 s16, s26;
	[tilespmem:s31+$0x0] =	vst v0  }
0x2f: {  	s13 =	simm.s32 $0x0;
	s16 =	sor.u32 s16, s28;
	s24 =	sor.u32 s14, s28;
	[tilespmem:s1+$0x0] =	vst v0  }
0x30: {  	s23 =	sor.u32 s14, s26;
	s14 =	simm.s32 $0x100;
	[tilespmem:s16+$0x0] =	vst v0;
	s16 =	simm.s32 $0x0  }
.LBB2_2:
0x31: {  	s18 =	sand.u32 $0x60, s15;
	s22 =	sand.u32 $0x3C00, s14;
	[tilespmem:s25+$0x0] =	vst v0  }
0x32: {  	s20 =	sor.u32 $0x10000, s22;
	s19 =	sor.u32 $0x10, s18;
	[tilespmem:s23+$0x0] =	vst v0  }
0x33: {  	s17 =	sor.u32 s18, s20;
	s23 =	sor.u32 s19, s20;
	[tilespmem:s24+$0x0] =	vst v0  }
0x34: {  	s16 =	sadd.s32 $0x1, s16;
	[tilespmem:s23+$0x0] =	vst v0  }
0x35: {  	s20 =	sand.u32 $0x3, s16;
	[tilespmem:s23+$0x80] =	vst v0  }
0x36: {  	s20 =	sshll.u32 s20, $0x5;
	[tilespmem:s23+$0x100] =	vst v0  }
0x37: {  	s24 =	sadd.s32 s20, s14;
	[tilespmem:s23+$0x180] =	vst v0  }
0x38: {  	s21 =	sor.u32 $0x300, s24;
	s20 =	sor.u32 $0x380, s24;
	s24 =	sadd.s32 $0x10, s24;
	[tilespmem:s23+$0x200] =	vst v0  }
0x39: {  	[tilespmem:s23+$0x280] =	vst v0;
	s23 =	sor.u32 $0x300, s24  }
0x3a: {  	s25 =	sadd.s32 $0x14400, s22;
	[tilespmem:s23+$0x10000] =	vst v0;
	s23 =	sor.u32 $0x380, s24  }
0x3b: {  	s26 =	sor.u32 s18, s25;
	s24 =	sadd.s32 $0x14480, s22;
	[tilespmem:s23+$0x10000] =	vst v0;
	s23 =	sor.u32 s19, s25  }
0x3c: {  	s28 =	sor.u32 s18, s24;
	s25 =	sadd.s32 $0x14500, s22;
	[tilespmem:s23+$0x0] =	vst v0;
	s23 =	sor.u32 s19, s24  }
0x3d: {  	s29 =	sor.u32 s18, s25;
	s24 =	sadd.s32 $0x14580, s22;
	[tilespmem:s23+$0x0] =	vst v0;
	s23 =	sor.u32 s19, s25  }
0x3e: {  	s13 =	sadd.s32 $0x2, s13;
	s25 =	sadd.s32 $0x14600, s22;
	[tilespmem:s23+$0x0] =	vst v0;
	s23 =	sor.u32 s19, s24  }
0x3f: {  	s30 =	sadd.s32 $0x14680, s22;
	p0 =	slt.u32 s13, $0x7E;
	[tilespmem:s23+$0x0] =	vst v0;
	s23 =	sor.u32 s19, s25  }
0x40: {  	s31 =	sor.u32 s18, s24;
	s24 =	sadd.s32 $0x14700, s22;
	[tilespmem:s23+$0x0] =	vst v0;
	s23 =	sor.u32 s19, s30  }
0x41: {  	s0 =	sor.u32 s18, s25;
	s22 =	sadd.s32 $0x14780, s22;
	s1 =	sor.u32 s19, s24;
	[tilespmem:s23+$0x0] =	vst v0  }
0x42: {  	s25 =	sor.u32 s18, s30;
	s23 =	sor.u32 s18, s24;
	[tilespmem:s1+$0x0] =	vst v0;
	s1 =	sor.u32 s19, s22  }
0x43: {  	s24 =	sor.u32 s18, s22;
	[tilespmem:s1+$0x0] =	vst v0  }
0x44: {  	[tilespmem:s17+$0x0] =	vst v0  }
0x45: {  	[tilespmem:s17+$0x80] =	vst v0  }
0x46: {  	[tilespmem:s17+$0x100] =	vst v0  }
0x47: {  	[tilespmem:s17+$0x180] =	vst v0  }
0x48: {  	[tilespmem:s17+$0x200] =	vst v0  }
0x49: {  	[tilespmem:s17+$0x280] =	vst v0  }
0x4a: {  	[tilespmem:s21+$0x10000] =	vst v0  }
0x4b: {  	[tilespmem:s20+$0x10000] =	vst v0  }
.Ltmp0:
0x4c: {  	[tilespmem:s26+$0x0] =	vst v0;
	(pc) =	sbr.rel @p0 .LBB2_2-.Ltmp0, $4  }
0x4d: {  	[tilespmem:s28+$0x0] =	vst v0  }
0x4e: {  	[tilespmem:s29+$0x0] =	vst v0  }
0x4f: {  	[tilespmem:s31+$0x0] =	vst v0  }
0x50: {  	s15 =	sadd.s32 $0x20, s15;
	s14 =	sadd.s32 $0x100, s14;
	[tilespmem:s0+$0x0] =	vst v0  }
0x51: {  	[tilespmem:s25+$0x0] =	vst v0  }
0x52: {  	[tilespmem:s23+$0x0] =	vst v0  }
0x53: {  	[tilespmem:s24+$0x0] =	vst v0  }
0x54: {  	[tilespmem:s2], [sflag:$0x1] =	stream.linear.gather [hbm4b:s3+s2], $0x8000, $0x38;
	[tilespmem:$0x18800] =	vst v63  }
0x55: {  	_ =	swait.ge [sflag:s7], $0x8000  }
0x56: {  	[sflag:s7] =	ssyncset.done $0x0  }
0x57: {  	s15 =	simm.s32 $0x80;
	[sflag:s7] =	ssyncadd.s32 $0xFFFF8000  }
0x58: {  	[tilespmem:s8], [sflag:$0x2] =	stream.linear.gather [hbm4b:s4+s2], $0x8000, $0x38;
	[tilespmem:$0x18800] =	vst v63  }
0x59: {  	v3 =	vld [tilespmem:s15+$0x40];
	_ =	sdelay $0x2  }
0x5a: {  	v5 =	vld [tilespmem:s15+$0xFFFFFF80]  }
0x5b: {  	v6 =	vld [tilespmem:s15+$0x0]  }
0x5c: {  	v4 =	vld [tilespmem:s15+$0xFFFFFFC0];
	v7 =	vshrl.u32 v3, $0x14;
	v3 =	vshrl.u32 v3, $0x11  }
0x5d: {  	v7 =	vand.u32 $0x7F, v7;
	v3 =	vand.u32 $0x7C00, v3  }
0x5e: {  	v3 =	vor.u32 v7, v3  }
0x5f: {  	v8 =	vshrl.u32 v5, $0x14;
	v3 =	vadd.s32 v1, v3  }
0x60: {  	v5 =	vshrl.u32 v5, $0x11;
	v9 =	vshrl.u32 v6, $0x14;
	v8 =	vand.u32 $0x7F, v8  }
0x61: {  	v5 =	vand.u32 $0x7C00, v5;
	v7 =	vshrl.u32 v4, $0x14;
	v4 =	vshrl.u32 v4, $0x11  }
0x62: {  	v5 =	vor.u32 v8, v5;
	v7 =	vand.u32 $0x7F, v7;
	v4 =	vand.u32 $0x7C00, v4  }
0x63: {  	v6 =	vshrl.u32 v6, $0x11;
	v5 =	vadd.s32 v1, v5;
	v4 =	vor.u32 v7, v4  }
0x64: {  	v6 =	vand.u32 $0x7C00, v6;
	v7 =	vand.u32 $0x7F, v9;
	v4 =	vadd.s32 v1, v4;
	[tilespmem:v3+s9+$0x0] =	vst.idx.add.s32.msk $0xffff, v2  }
0x65: {  	v3 =	vor.u32 v7, v6;
	v6 =	vld [tilespmem:s15+$0x50]  }
0x66: {  	v3 =	vadd.s32 v1, v3;
	_ =	sdelay $0x1  }
0x67: {  	[tilespmem:v5+s9+$0x0] =	vst.idx.add.s32.msk $0xffff, v2  }
0x68: {  	[tilespmem:v4+s9+$0x0] =	vst.idx.add.s32.msk $0xffff, v2  }
0x69: {  	v4 =	vshrl.u32 v6, $0x14;
	v5 =	vshrl.u32 v6, $0x11;
	v6 =	vld [tilespmem:s15+$0xFFFFFF90]  }
0x6a: {  	[tilespmem:v3+s9+$0x0] =	vst.idx.add.s32.msk $0xffff, v2;
	v3 =	vand.u32 $0x7F, v4;
	v4 =	vand.u32 $0x7C00, v5  }
0x6b: {  	v5 =	vld [tilespmem:s15+$0xFFFFFFD0];
	v3 =	vor.u32 v3, v4  }
0x6c: {  	v4 =	vld [tilespmem:s15+$0x10];
	v3 =	vadd.s32 v1, v3;
	_ =	sdelay $0x1  }
0x6d: {  	v7 =	vshrl.u32 v6, $0x14  }
0x6e: {  	s13 =	simm.s32 $0x180;
	v6 =	vshrl.u32 v6, $0x11;
	v7 =	vand.u32 $0x7F, v7  }
0x6f: {  	v9 =	vld [tilespmem:s13+$0x40];
	v8 =	vshrl.u32 v5, $0x14;
	v5 =	vshrl.u32 v5, $0x11;
	v6 =	vand.u32 $0x7C00, v6  }
0x70: {  	v10 =	vshrl.u32 v4, $0x14;
	v4 =	vshrl.u32 v4, $0x11;
	v5 =	vand.u32 $0x7C00, v5;
	[tilespmem:v3+s9+$0x0] =	vst.idx.add.s32.msk $0xffff, v2  }
0x71: {  	v6 =	vor.u32 v7, v6;
	v3 =	vand.u32 $0x7F, v8;
	v8 =	vand.u32 $0x7F, v10;
	v10 =	vld [tilespmem:s15+$0x60]  }
0x72: {  	v4 =	vand.u32 $0x7C00, v4;
	v3 =	vor.u32 v3, v5;
	v5 =	vadd.s32 v1, v6  }
0x73: {  	v12 =	vld [tilespmem:s13+$0x0];
	v4 =	vor.u32 v8, v4;
	v3 =	vadd.s32 v1, v3  }
0x74: {  	v7 =	vshrl.u32 v9, $0x14;
	v6 =	vld [tilespmem:s13+$0xFFFFFFC0];
	v8 =	vshrl.u32 v9, $0x11;
	v4 =	vadd.s32 v1, v4  }
0x75: {  	v7 =	vand.u32 $0x7F, v7;
	v9 =	vld [tilespmem:s13+$0xFFFFFF80];
	v8 =	vand.u32 $0x7C00, v8  }
0x76: {  	v7 =	vor.u32 v7, v8;
	v11 =	vshrl.u32 v10, $0x14;
	v10 =	vshrl.u32 v10, $0x11  }
0x77: {  	[tilespmem:v5+s9+$0x0] =	vst.idx.add.s32.msk $0xffff, v2;
	v5 =	vadd.s32 v1, v7;
	v8 =	vand.u32 $0x7F, v11;
	v10 =	vand.u32 $0x7C00, v10  }
0x78: {  	[tilespmem:v3+s9+$0x0] =	vst.idx.add.s32.msk $0xffff, v2;
	v7 =	vor.u32 v8, v10  }
0x79: {  	[tilespmem:v4+s9+$0x0] =	vst.idx.add.s32.msk $0xffff, v2;
	v4 =	vshrl.u32 v6, $0x11;
	v3 =	vadd.s32 v1, v7  }
0x7a: {  	v8 =	vshrl.u32 v9, $0x14;
	v9 =	vshrl.u32 v9, $0x11;
	v10 =	vshrl.u32 v12, $0x14;
	v11 =	vld [tilespmem:s15+$0xFFFFFFE0]  }
0x7b: {  	v7 =	vshrl.u32 v6, $0x14;
	v6 =	vld [tilespmem:s15+$0xFFFFFFA0];
	v8 =	vand.u32 $0x7F, v8;
	v9 =	vand.u32 $0x7C00, v9  }
0x7c: {  	v4 =	vand.u32 $0x7C00, v4;
	v7 =	vand.u32 $0x7F, v7;
	v8 =	vor.u32 v8, v9;
	[tilespmem:v5+s9+$0x0] =	vst.idx.add.s32.msk $0xffff, v2  }
0x7d: {  	v5 =	vshrl.u32 v12, $0x11;
	v4 =	vor.u32 v7, v4;
	v7 =	vadd.s32 v1, v8;
	v8 =	vld [tilespmem:s13+$0x50]  }
0x7e: {  	v5 =	vand.u32 $0x7C00, v5;
	v4 =	vadd.s32 v1, v4;
	[tilespmem:v3+s9+$0x0] =	vst.idx.add.s32.msk $0xffff, v2;
	v3 =	vand.u32 $0x7F, v10  }
0x7f: {  	v3 =	vor.u32 v3, v5  }
0x80: {  	v12 =	vshrl.u32 v11, $0x14;
	v10 =	vshrl.u32 v6, $0x14;
	v9 =	vld [tilespmem:s15+$0x70];
	v3 =	vadd.s32 v1, v3  }
0x81: {  	v11 =	vshrl.u32 v11, $0x11;
	v6 =	vshrl.u32 v6, $0x11;
	v5 =	vld [tilespmem:s15+$0x20];
	v10 =	vand.u32 $0x7F, v10  }
0x82: {  	v6 =	vand.u32 $0x7C00, v6;
	[tilespmem:v7+s9+$0x0] =	vst.idx.add.s32.msk $0xffff, v2;
	v7 =	vshrl.u32 v8, $0x14;
	v8 =	vshrl.u32 v8, $0x11  }
0x83: {  	v6 =	vor.u32 v10, v6;
	[tilespmem:v4+s9+$0x0] =	vst.idx.add.s32.msk $0xffff, v2;
	v4 =	vand.u32 $0x7F, v7;
	v7 =	vand.u32 $0x7C00, v8  }
0x84: {  	v11 =	vand.u32 $0x7C00, v11;
	v13 =	vld [tilespmem:s13+$0xFFFFFF90];
	v6 =	vadd.s32 v1, v6;
	v4 =	vor.u32 v4, v7  }
0x85: {  	v8 =	vshrl.u32 v9, $0x14;
	v9 =	vshrl.u32 v9, $0x11;
	[tilespmem:v3+s9+$0x0] =	vst.idx.add.s32.msk $0xffff, v2;
	v3 =	vadd.s32 v1, v4  }
0x86: {  	v10 =	vld [tilespmem:s13+$0xFFFFFFD0];
	v7 =	vshrl.u32 v5, $0x14;
	v8 =	vand.u32 $0x7F, v8;
	v4 =	vand.u32 $0x7C00, v9  }
0x87: {  	v5 =	vshrl.u32 v5, $0x11;
	v9 =	vand.u32 $0x7F, v12;
	v4 =	vor.u32 v8, v4;
	v8 =	vld [tilespmem:s13+$0x10]  }
0x88: {  	s14 =	simm.s32 $0x280;
	v7 =	vand.u32 $0x7F, v7;
	v12 =	vadd.s32 v1, v4;
	v4 =	vand.u32 $0x7C00, v5  }
0x89: {  	v15 =	vld [tilespmem:s14+$0xFFFFFF80];
	v5 =	vor.u32 v9, v11;
	v9 =	vshrl.u32 v13, $0x14;
	v11 =	vshrl.u32 v13, $0x11  }
0x8a: {  	v5 =	vadd.s32 v1, v5;
	v9 =	vand.u32 $0x7F, v9;
	v11 =	vand.u32 $0x7C00, v11;
	[tilespmem:v3+s9+$0x0] =	vst.idx.add.s32.msk $0xffff, v2  }
0x8b: {  	v4 =	vor.u32 v7, v4;
	v9 =	vor.u32 v9, v11;
	v3 =	vshrl.u32 v10, $0x14;
	v13 =	vld [tilespmem:s13+$0x60]  }
0x8c: {  	[tilespmem:v6+s9+$0x0] =	vst.idx.add.s32.msk $0xffff, v2;
	v10 =	vshrl.u32 v10, $0x11;
	v14 =	vshrl.u32 v8, $0x14;
	v8 =	vshrl.u32 v8, $0x11  }
0x8d: {  	v11 =	vld [tilespmem:s15+$0xFFFFFFB0];
	v3 =	vand.u32 $0x7F, v3;
	v6 =	vand.u32 $0x7C00, v10;
	v10 =	vand.u32 $0x7F, v14  }
0x8e: {  	v7 =	vld [tilespmem:s14+$0xFFFFFFC0];
	v3 =	vor.u32 v3, v6;
	v6 =	vand.u32 $0x7C00, v8;
	v8 =	vadd.s32 v1, v9  }
0x8f: {  	v9 =	vld [tilespmem:s14+$0x40];
	v3 =	vadd.s32 v1, v3;
	v6 =	vor.u32 v10, v6  }
0x90: {  	v14 =	vld [tilespmem:s14+$0x0];
	v6 =	vadd.s32 v1, v6;
	v10 =	vshrl.u32 v13, $0x14;
	v13 =	vshrl.u32 v13, $0x11  }
0x91: {  	v4 =	vadd.s32 v1, v4;
	[tilespmem:v12+s9+$0x0] =	vst.idx.add.s32.msk $0xffff, v2;
	v10 =	vand.u32 $0x7F, v10;
	v13 =	vand.u32 $0x7C00, v13  }
0x92: {  	[tilespmem:v5+s9+$0x0] =	vst.idx.add.s32.msk $0xffff, v2;
	v5 =	vor.u32 v10, v13;
	v10 =	vshrl.u32 v11, $0x14;
	v11 =	vshrl.u32 v11, $0x11  }
0x93: {  	[tilespmem:v8+s9+$0x0] =	vst.idx.add.s32.msk $0xffff, v2;
	v13 =	vshrl.u32 v15, $0x14;
	v5 =	vadd.s32 v1, v5;
	v8 =	vand.u32 $0x7F, v10  }
0x94: {  	[tilespmem:v3+s9+$0x0] =	vst.idx.add.s32.msk $0xffff, v2;
	v10 =	vand.u32 $0x7C00, v11;
	v11 =	vshrl.u32 v9, $0x14;
	v9 =	vshrl.u32 v9, $0x11  }
0x95: {  	v15 =	vshrl.u32 v15, $0x11;
	[tilespmem:v6+s9+$0x0] =	vst.idx.add.s32.msk $0xffff, v2;
	v11 =	vand.u32 $0x7F, v11;
	v9 =	vand.u32 $0x7C00, v9  }
0x96: {  	v16 =	vld [tilespmem:s13+$0xFFFFFFE0];
	v13 =	vand.u32 $0x7F, v13;
	v15 =	vand.u32 $0x7C00, v15;
	v9 =	vor.u32 v11, v9  }
0x97: {  	v3 =	vshrl.u32 v7, $0x14;
	v13 =	vor.u32 v13, v15;
	v15 =	vld [tilespmem:s13+$0x20];
	v9 =	vadd.s32 v1, v9  }
0x98: {  	v6 =	vshrl.u32 v7, $0x11;
	v7 =	vshrl.u32 v14, $0x14;
	v14 =	vshrl.u32 v14, $0x11;
	v11 =	vld [tilespmem:s13+$0xFFFFFFA0]  }
0x99: {  	v3 =	vand.u32 $0x7F, v3;
	v14 =	vand.u32 $0x7C00, v14;
	[tilespmem:v5+s9+$0x0] =	vst.idx.add.s32.msk $0xffff, v2;
	v5 =	vand.u32 $0x7C00, v6  }
0x9a: {  	[tilespmem:v4+s9+$0x0] =	vst.idx.add.s32.msk $0xffff, v2;
	v13 =	vadd.s32 v1, v13;
	v6 =	vand.u32 $0x7F, v7;
	v5 =	vor.u32 v3, v5  }
0x9b: {  	v7 =	vld [tilespmem:s13+$0x70];
	v3 =	vor.u32 v8, v10;
	v6 =	vor.u32 v6, v14;
	v14 =	vshrl.u32 v16, $0x14  }
0x9c: {  	v16 =	vshrl.u32 v16, $0x11;
	v4 =	vshrl.u32 v15, $0x14;
	v15 =	vshrl.u32 v15, $0x11;
	[tilespmem:v9+s9+$0x0] =	vst.idx.add.s32.msk $0xffff, v2  }
0x9d: {  	v6 =	vadd.s32 v1, v6;
	v10 =	vshrl.u32 v11, $0x11;
	v9 =	vshrl.u32 v11, $0x14;
	v11 =	vld [tilespmem:s14+$0x50]  }
0x9e: {  	v8 =	vld [tilespmem:s15+$0xFFFFFFF0];
	v5 =	vadd.s32 v1, v5;
	v4 =	vand.u32 $0x7F, v4;
	v15 =	vand.u32 $0x7C00, v15  }
0x9f: {  	[tilespmem:v13+s9+$0x0] =	vst.idx.add.s32.msk $0xffff, v2;
	v14 =	vand.u32 $0x7F, v14;
	v10 =	vand.u32 $0x7C00, v10;
	v4 =	vor.u32 v4, v15  }
0xa0: {  	v13 =	vld [tilespmem:s15+$0x30];
	v9 =	vand.u32 $0x7F, v9;
	v4 =	vadd.s32 v1, v4;
	v17 =	vshrl.u32 v7, $0x14  }
0xa1: {  	v61 =	vld [tilespmem:s14+$0xFFFFFF90];
	v9 =	vor.u32 v9, v10;
	v7 =	vshrl.u32 v7, $0x11;
	v17 =	vand.u32 $0x7F, v17  }
0xa2: {  	v7 =	vand.u32 $0x7C00, v7;
	[tilespmem:v6+s9+$0x0] =	vst.idx.add.s32.msk $0xffff, v2;
	v6 =	vshrl.u32 v11, $0x14;
	v11 =	vshrl.u32 v11, $0x11  }
0xa3: {  	[tilespmem:v5+s9+$0x0] =	vst.idx.add.s32.msk $0xffff, v2;
	v7 =	vor.u32 v17, v7;
	v6 =	vand.u32 $0x7F, v6;
	v11 =	vand.u32 $0x7C00, v11  }
0xa4: {  	v5 =	vand.u32 $0x7C00, v16;
	v10 =	vld [tilespmem:s14+$0xFFFFFFD0];
	v7 =	vadd.s32 v1, v7;
	v6 =	vor.u32 v6, v11  }
0xa5: {  	v9 =	vadd.s32 v1, v9;
	v5 =	vor.u32 v14, v5;
	v14 =	vadd.s32 v1, v6  }
0xa6: {  	v62 =	vshrl.u32 v13, $0x14;
	v13 =	vshrl.u32 v13, $0x11;
	v12 =	vshrl.u32 v61, $0x11;
	v11 =	vld [tilespmem:s14+$0x10]  }
0xa7: {  	v13 =	vand.u32 $0x7C00, v13;
	v15 =	vadd.s32 v1, v5;
	v5 =	vshrl.u32 v8, $0x14  }
0xa8: {  	v12 =	vand.u32 $0x7C00, v12;
	v6 =	vshrl.u32 v8, $0x11;
	v8 =	vshrl.u32 v61, $0x14  }
0xa9: {  	[tilespmem:v7+s9+$0x0] =	vst.idx.add.s32.msk $0xffff, v2;
	v7 =	vand.u32 $0x7F, v8;
	v8 =	vshrl.u32 v10, $0x14;
	v10 =	vshrl.u32 v10, $0x11  }
0xaa: {  	v5 =	vand.u32 $0x7F, v5;
	v8 =	vand.u32 $0x7F, v8;
	v10 =	vand.u32 $0x7C00, v10;
	[tilespmem:v14+s9+$0x0] =	vst.idx.add.s32.msk $0xffff, v2  }
0xab: {  	v7 =	vor.u32 v7, v12;
	v63 =	vshrl.u32 v11, $0x14;
	v18 =	vshrl.u32 v11, $0x11;
	v11 =	vld [tilespmem:s14+$0x60]  }
0xac: {  	[tilespmem:v9+s9+$0x0] =	vst.idx.add.s32.msk $0xffff, v2;
	v8 =	vor.u32 v8, v10;
	v14 =	vand.u32 $0x7F, v63;
	v12 =	vand.u32 $0x7C00, v18  }
0xad: {  	v10 =	vadd.s32 v1, v7;
	v7 =	vld [tilespmem:s13+$0xFFFFFFB0];
	v9 =	vadd.s32 v1, v8;
	v8 =	vor.u32 v14, v12  }
0xae: {  	s16 =	simm.s32 $0x380;
	s15 =	simm.s32 $0x8;
	v6 =	vand.u32 $0x7C00, v6;
	[tilespmem:v15+s9+$0x0] =	vst.idx.add.s32.msk $0xffff, v2;
	v12 =	vand.u32 $0x7F, v62;
	v8 =	vadd.s32 v1, v8  }
.LBB2_4:
0xaf: {  	v14 =	vld [tilespmem:s16+$0x40];
	s15 =	sadd.s32 $0x4, s15;
	v15 =	vadd.s32 v1, v3;
	v3 =	vor.u32 v5, v6;
	v5 =	vor.u32 v12, v13  }
0xb0: {  	v6 =	vld [tilespmem:s16+$0xFFFFFFC0];
	p0 =	slt.u32 s15, $0x1FC;
	v12 =	vshrl.u32 v11, $0x14;
	v11 =	vshrl.u32 v11, $0x11;
	v13 =	vadd.s32 v1, v3  }
0xb1: {  	v16 =	vld [tilespmem:s16+$0x0];
	v3 =	vand.u32 $0x7F, v12;
	v11 =	vand.u32 $0x7C00, v11;
	v12 =	vadd.s32 v1, v5  }
0xb2: {  	v5 =	vld [tilespmem:s16+$0xFFFFFF80];
	v3 =	vor.u32 v3, v11;
	v11 =	vshrl.u32 v7, $0x14;
	v7 =	vshrl.u32 v7, $0x11  }
0xb3: {  	[tilespmem:v10+s9+$0x0] =	vst.idx.add.s32.msk $0xffff, v2;
	v10 =	vadd.s32 v1, v3;
	v3 =	vand.u32 $0x7F, v11;
	v7 =	vand.u32 $0x7C00, v7  }
0xb4: {  	v11 =	vshrl.u32 v14, $0x14;
	v14 =	vshrl.u32 v14, $0x11;
	[tilespmem:v9+s9+$0x0] =	vst.idx.add.s32.msk $0xffff, v2;
	v3 =	vor.u32 v3, v7  }
0xb5: {  	v7 =	vshrl.u32 v6, $0x14;
	v9 =	vand.u32 $0x7F, v11;
	v11 =	vand.u32 $0x7C00, v14;
	[tilespmem:v8+s9+$0x0] =	vst.idx.add.s32.msk $0xffff, v2  }
0xb6: {  	v6 =	vshrl.u32 v6, $0x11;
	v8 =	vshrl.u32 v16, $0x14;
	v9 =	vor.u32 v9, v11;
	v11 =	vld [tilespmem:s14+$0xFFFFFFA0]  }
0xb7: {  	v14 =	vshrl.u32 v5, $0x14;
	v5 =	vshrl.u32 v5, $0x11;
	v9 =	vadd.s32 v1, v9;
	v17 =	vld [tilespmem:s14+$0xFFFFFFE0]  }
0xb8: {  	v16 =	vshrl.u32 v16, $0x11;
	v14 =	vand.u32 $0x7F, v14;
	v5 =	vand.u32 $0x7C00, v5;
	[tilespmem:v10+s9+$0x0] =	vst.idx.add.s32.msk $0xffff, v2  }
0xb9: {  	v7 =	vand.u32 $0x7F, v7;
	v6 =	vand.u32 $0x7C00, v6;
	v8 =	vand.u32 $0x7F, v8;
	v10 =	vld [tilespmem:s14+$0x70]  }
0xba: {  	v6 =	vor.u32 v7, v6;
	v7 =	vand.u32 $0x7C00, v16;
	v5 =	vor.u32 v14, v5;
	v14 =	vld [tilespmem:s14+$0x20]  }
0xbb: {  	v6 =	vadd.s32 v1, v6;
	v7 =	vor.u32 v8, v7;
	v5 =	vadd.s32 v1, v5;
	v8 =	vld [tilespmem:s13+$0xFFFFFFF0]  }
0xbc: {  	v7 =	vadd.s32 v1, v7;
	[tilespmem:v9+s9+$0x0] =	vst.idx.add.s32.msk $0xffff, v2;
	v9 =	vshrl.u32 v11, $0x14;
	v11 =	vshrl.u32 v11, $0x11  }
0xbd: {  	v18 =	vshrl.u32 v17, $0x14;
	v17 =	vshrl.u32 v17, $0x11;
	v16 =	vld [tilespmem:s16+$0x50];
	v9 =	vand.u32 $0x7F, v9  }
0xbe: {  	v11 =	vand.u32 $0x7C00, v11;
	v19 =	vshrl.u32 v10, $0x14;
	v10 =	vshrl.u32 v10, $0x11;
	[tilespmem:v4+s9+$0x0] =	vst.idx.add.s32.msk $0xffff, v2  }
0xbf: {  	v4 =	vshrl.u32 v14, $0x14;
	v19 =	vand.u32 $0x7F, v19;
	v10 =	vand.u32 $0x7C00, v10;
	v20 =	vld [tilespmem:s13+$0x30];
	s13 =	smov.u32 s14;
	s14 =	smov.u32 s16  }
0xc0: {  	v14 =	vshrl.u32 v14, $0x11;
	[tilespmem:v5+s9+$0x0] =	vst.idx.add.s32.msk $0xffff, v2;
	v5 =	vand.u32 $0x7F, v18;
	v10 =	vor.u32 v19, v10  }
0xc1: {  	v4 =	vand.u32 $0x7F, v4;
	[tilespmem:v6+s9+$0x0] =	vst.idx.add.s32.msk $0xffff, v2;
	v6 =	vand.u32 $0x7C00, v17;
	v10 =	vadd.s32 v1, v10  }
0xc2: {  	v14 =	vand.u32 $0x7C00, v14;
	[tilespmem:v7+s9+$0x0] =	vst.idx.add.s32.msk $0xffff, v2;
	v7 =	vshrl.u32 v16, $0x14;
	v16 =	vshrl.u32 v16, $0x11  }
0xc3: {  	v9 =	vor.u32 v9, v11;
	v17 =	vld [tilespmem:s16+$0xFFFFFF90];
	v7 =	vand.u32 $0x7F, v7;
	v16 =	vand.u32 $0x7C00, v16  }
0xc4: {  	v4 =	vor.u32 v4, v14;
	v5 =	vor.u32 v5, v6;
	v11 =	vld [tilespmem:s16+$0xFFFFFFD0];
	v7 =	vor.u32 v7, v16  }
0xc5: {  	v9 =	vadd.s32 v1, v9;
	v16 =	vadd.s32 v1, v5;
	v14 =	vld [tilespmem:s16+$0x10];
	v7 =	vadd.s32 v1, v7  }
0xc6: {  	v4 =	vadd.s32 v1, v4;
	v6 =	vshrl.u32 v8, $0x11;
	v5 =	vshrl.u32 v8, $0x14;
	[tilespmem:v10+s9+$0x0] =	vst.idx.add.s32.msk $0xffff, v2  }
0xc7: {  	v18 =	vshrl.u32 v20, $0x14;
	v19 =	vshrl.u32 v20, $0x11;
	v5 =	vand.u32 $0x7F, v5;
	[tilespmem:v15+s9+$0x0] =	vst.idx.add.s32.msk $0xffff, v2  }
0xc8: {  	v6 =	vand.u32 $0x7C00, v6;
	v8 =	vshrl.u32 v17, $0x14;
	v10 =	vshrl.u32 v17, $0x11;
	[tilespmem:v13+s9+$0x0] =	vst.idx.add.s32.msk $0xffff, v2  }
0xc9: {  	v8 =	vand.u32 $0x7F, v8;
	v13 =	vshrl.u32 v11, $0x14;
	v11 =	vshrl.u32 v11, $0x11;
	[tilespmem:v12+s9+$0x0] =	vst.idx.add.s32.msk $0xffff, v2  }
.Ltmp1:
0xca: {  	v10 =	vand.u32 $0x7C00, v10;
	v12 =	vshrl.u32 v14, $0x14;
	v14 =	vshrl.u32 v14, $0x11;
	[tilespmem:v7+s9+$0x0] =	vst.idx.add.s32.msk $0xffff, v2;
	(pc) =	sbr.rel @p0 .LBB2_4-.Ltmp1, $4  }
0xcb: {  	v7 =	vand.u32 $0x7F, v13;
	v13 =	vand.u32 $0x7C00, v11;
	v12 =	vand.u32 $0x7F, v12;
	v11 =	vld [tilespmem:s16+$0x60]  }
0xcc: {  	v8 =	vor.u32 v8, v10;
	v7 =	vor.u32 v7, v13;
	v13 =	vand.u32 $0x7C00, v14;
	[tilespmem:v9+s9+$0x0] =	vst.idx.add.s32.msk $0xffff, v2  }
0xcd: {  	v10 =	vadd.s32 v1, v8;
	v9 =	vadd.s32 v1, v7;
	v8 =	vor.u32 v12, v13;
	v7 =	vld [tilespmem:s13+$0xFFFFFFB0]  }
0xce: {  	s16 =	sadd.s32 $0x100, s16;
	v12 =	vand.u32 $0x7F, v18;
	v13 =	vand.u32 $0x7C00, v19;
	v8 =	vadd.s32 v1, v8;
	[tilespmem:v16+s9+$0x0] =	vst.idx.add.s32.msk $0xffff, v2  }
0xcf: {  	_ =	sdelay $0x3  }
0xd0: {  	[tilespmem:v10+s9+$0x0] =	vst.idx.add.s32.msk $0xffff, v2  }
0xd1: {  	[tilespmem:v9+s9+$0x0] =	vst.idx.add.s32.msk $0xffff, v2;
	v14 =	vshrl.u32 v11, $0x14  }
0xd2: {  	v11 =	vshrl.u32 v11, $0x11;
	v10 =	vand.u32 $0x7F, v14;
	v14 =	vld [tilespmem:s14+$0xFFFFFFA0]  }
0xd3: {  	[tilespmem:v8+s9+$0x0] =	vst.idx.add.s32.msk $0xffff, v2;
	v11 =	vand.u32 $0x7C00, v11  }
0xd4: {  	v8 =	vld [tilespmem:s14+$0x20];
	v10 =	vor.u32 v10, v11  }
0xd5: {  	v9 =	vadd.s32 v1, v10;
	v10 =	vld [tilespmem:s14+$0xFFFFFFE0];
	_ =	sdelay $0x1  }
0xd6: {  	v5 =	vor.u32 v5, v6;
	v11 =	vshrl.u32 v14, $0x14  }
0xd7: {  	v12 =	vor.u32 v12, v13;
	v14 =	vshrl.u32 v14, $0x11;
	v6 =	vand.u32 $0x7F, v11  }
0xd8: {  	v11 =	vand.u32 $0x7C00, v14;
	v14 =	vshrl.u32 v8, $0x14;
	v8 =	vshrl.u32 v8, $0x11  }
0xd9: {  	[tilespmem:v9+s9+$0x0] =	vst.idx.add.s32.msk $0xffff, v2;
	v9 =	vshrl.u32 v10, $0x14;
	v10 =	vshrl.u32 v10, $0x11;
	v6 =	vor.u32 v6, v11  }
0xda: {  	v14 =	vand.u32 $0x7F, v14;
	v8 =	vand.u32 $0x7C00, v8;
	v11 =	vld [tilespmem:s14+$0x70];
	v6 =	vadd.s32 v1, v6  }
0xdb: {  	[tilespmem:v4+s9+$0x0] =	vst.idx.add.s32.msk $0xffff, v2;
	v9 =	vand.u32 $0x7F, v9;
	v10 =	vand.u32 $0x7C00, v10;
	v4 =	vor.u32 v14, v8  }
0xdc: {  	v8 =	vadd.s32 v1, v12;
	v12 =	vld [tilespmem:s13+$0x30];
	v9 =	vor.u32 v9, v10;
	v4 =	vadd.s32 v1, v4  }
0xdd: {  	v10 =	vld [tilespmem:s13+$0xFFFFFFF0];
	v9 =	vadd.s32 v1, v9  }
0xde: {  	v3 =	vadd.s32 v1, v3;
	v13 =	vshrl.u32 v7, $0x14  }
0xdf: {  	v5 =	vadd.s32 v1, v5;
	v13 =	vand.u32 $0x7F, v13;
	v14 =	vshrl.u32 v11, $0x14;
	[tilespmem:v6+s9+$0x0] =	vst.idx.add.s32.msk $0xffff, v2  }
0xe0: {  	v11 =	vshrl.u32 v11, $0x11;
	v6 =	vshrl.u32 v7, $0x11;
	v7 =	vand.u32 $0x7F, v14;
	v14 =	vld [tilespmem:s14+$0xFFFFFFB0]  }
0xe1: {  	v11 =	vand.u32 $0x7C00, v11;
	v6 =	vand.u32 $0x7C00, v6;
	[tilespmem:v4+s9+$0x0] =	vst.idx.add.s32.msk $0xffff, v2;
	v4 =	vshrl.u32 v12, $0x11  }
0xe2: {  	v7 =	vor.u32 v7, v11;
	[tilespmem:v9+s9+$0x0] =	vst.idx.add.s32.msk $0xffff, v2;
	v6 =	vor.u32 v13, v6;
	v9 =	vshrl.u32 v10, $0x14  }
0xe3: {  	v10 =	vshrl.u32 v10, $0x11;
	v13 =	vshrl.u32 v12, $0x14;
	v7 =	vadd.s32 v1, v7;
	v11 =	vld [tilespmem:s14+$0xFFFFFFF0]  }
0xe4: {  	v9 =	vand.u32 $0x7F, v9;
	v10 =	vand.u32 $0x7C00, v10;
	v12 =	vand.u32 $0x7F, v13;
	v13 =	vld [tilespmem:s14+$0x30]  }
0xe5: {  	v4 =	vand.u32 $0x7C00, v4;
	v6 =	vadd.s32 v1, v6;
	v9 =	vor.u32 v9, v10  }
0xe6: {  	v4 =	vor.u32 v12, v4;
	v10 =	vshrl.u32 v14, $0x14;
	v12 =	vshrl.u32 v14, $0x11  }
0xe7: {  	v9 =	vadd.s32 v1, v9;
	v10 =	vand.u32 $0x7F, v10;
	v12 =	vand.u32 $0x7C00, v12  }
0xe8: {  	[tilespmem:v3+s9+$0x0] =	vst.idx.add.s32.msk $0xffff, v2;
	v4 =	vadd.s32 v1, v4;
	v10 =	vor.u32 v10, v12;
	v12 =	vshrl.u32 v11, $0x14  }
0xe9: {  	[tilespmem:v7+s9+$0x0] =	vst.idx.add.s32.msk $0xffff, v2;
	v7 =	vshrl.u32 v11, $0x11;
	v3 =	vshrl.u32 v13, $0x11;
	v11 =	vand.u32 $0x7F, v12  }
0xea: {  	v12 =	vshrl.u32 v13, $0x14;
	v7 =	vand.u32 $0x7C00, v7;
	v3 =	vand.u32 $0x7C00, v3  }
0xeb: {  	[tilespmem:v5+s9+$0x0] =	vst.idx.add.s32.msk $0xffff, v2;
	v5 =	vadd.s32 v1, v10;
	v12 =	vand.u32 $0x7F, v12;
	v7 =	vor.u32 v11, v7  }
0xec: {  	[tilespmem:v8+s9+$0x0] =	vst.idx.add.s32.msk $0xffff, v2;
	v3 =	vor.u32 v12, v3;
	v7 =	vadd.s32 v1, v7  }
0xed: {  	[tilespmem:v6+s9+$0x0] =	vst.idx.add.s32.msk $0xffff, v2;
	v3 =	vadd.s32 v1, v3  }
0xee: {  	[tilespmem:v9+s9+$0x0] =	vst.idx.add.s32.msk $0xffff, v2  }
0xef: {  	[tilespmem:v4+s9+$0x0] =	vst.idx.add.s32.msk $0xffff, v2  }
0xf0: {  	[tilespmem:v5+s9+$0x0] =	vst.idx.add.s32.msk $0xffff, v2  }
0xf1: {  	[tilespmem:v7+s9+$0x0] =	vst.idx.add.s32.msk $0xffff, v2  }
0xf2: {  	[tilespmem:v3+s9+$0x0] =	vst.idx.add.s32.msk $0xffff, v2  }
0xf3: {  	_ =	swait.ge [sflag:s10], $0x8000  }
0xf4: {  	[sflag:s10] =	ssyncset.done $0x0  }
0xf5: {  	s15 =	simm.s32 $0x8080;
	[sflag:s10] =	ssyncadd.s32 $0xFFFF8000  }
0xf6: {  	v3 =	vld [tilespmem:s15+$0x40];
	_ =	sdelay $0x2  }
0xf7: {  	v5 =	vld [tilespmem:s15+$0xFFFFFF80]  }
0xf8: {  	v6 =	vld [tilespmem:s15+$0x0]  }
0xf9: {  	v4 =	vld [tilespmem:s15+$0xFFFFFFC0];
	v7 =	vshrl.u32 v3, $0x14;
	v3 =	vshrl.u32 v3, $0x11  }
0xfa: {  	v7 =	vand.u32 $0x7F, v7;
	v3 =	vand.u32 $0x7C00, v3  }
0xfb: {  	v3 =	vor.u32 v7, v3  }
0xfc: {  	v8 =	vshrl.u32 v5, $0x14;
	v3 =	vadd.s32 v1, v3  }
0xfd: {  	v5 =	vshrl.u32 v5, $0x11;
	v9 =	vshrl.u32 v6, $0x14;
	v8 =	vand.u32 $0x7F, v8  }
0xfe: {  	v5 =	vand.u32 $0x7C00, v5;
	v7 =	vshrl.u32 v4, $0x14;
	v4 =	vshrl.u32 v4, $0x11  }
0xff: {  	v5 =	vor.u32 v8, v5;
	v7 =	vand.u32 $0x7F, v7;
	v4 =	vand.u32 $0x7C00, v4  }
0x100: {  	v6 =	vshrl.u32 v6, $0x11;
	v5 =	vadd.s32 v1, v5;
	v4 =	vor.u32 v7, v4  }
0x101: {  	v6 =	vand.u32 $0x7C00, v6;
	v7 =	vand.u32 $0x7F, v9;
	v4 =	vadd.s32 v1, v4;
	[tilespmem:v3+s9+$0x0] =	vst.idx.add.s32.msk $0xffff, v2  }
0x102: {  	v3 =	vor.u32 v7, v6;
	v6 =	vld [tilespmem:s15+$0x50]  }
0x103: {  	v3 =	vadd.s32 v1, v3;
	_ =	sdelay $0x1  }
0x104: {  	[tilespmem:v5+s9+$0x0] =	vst.idx.add.s32.msk $0xffff, v2  }
0x105: {  	[tilespmem:v4+s9+$0x0] =	vst.idx.add.s32.msk $0xffff, v2  }
0x106: {  	v4 =	vshrl.u32 v6, $0x14;
	v5 =	vshrl.u32 v6, $0x11;
	v6 =	vld [tilespmem:s15+$0xFFFFFF90]  }
0x107: {  	[tilespmem:v3+s9+$0x0] =	vst.idx.add.s32.msk $0xffff, v2;
	v3 =	vand.u32 $0x7F, v4;
	v4 =	vand.u32 $0x7C00, v5  }
0x108: {  	v5 =	vld [tilespmem:s15+$0xFFFFFFD0];
	v3 =	vor.u32 v3, v4  }
0x109: {  	v4 =	vld [tilespmem:s15+$0x10];
	v3 =	vadd.s32 v1, v3;
	_ =	sdelay $0x1  }
0x10a: {  	v7 =	vshrl.u32 v6, $0x14  }
0x10b: {  	s13 =	simm.s32 $0x8180;
	v6 =	vshrl.u32 v6, $0x11;
	v7 =	vand.u32 $0x7F, v7  }
0x10c: {  	v9 =	vld [tilespmem:s13+$0x40];
	v8 =	vshrl.u32 v5, $0x14;
	v5 =	vshrl.u32 v5, $0x11;
	v6 =	vand.u32 $0x7C00, v6  }
0x10d: {  	v10 =	vshrl.u32 v4, $0x14;
	v4 =	vshrl.u32 v4, $0x11;
	v5 =	vand.u32 $0x7C00, v5;
	[tilespmem:v3+s9+$0x0] =	vst.idx.add.s32.msk $0xffff, v2  }
0x10e: {  	v6 =	vor.u32 v7, v6;
	v3 =	vand.u32 $0x7F, v8;
	v8 =	vand.u32 $0x7F, v10;
	v10 =	vld [tilespmem:s15+$0x60]  }
0x10f: {  	v4 =	vand.u32 $0x7C00, v4;
	v3 =	vor.u32 v3, v5;
	v5 =	vadd.s32 v1, v6  }
0x110: {  	v12 =	vld [tilespmem:s13+$0x0];
	v4 =	vor.u32 v8, v4;
	v3 =	vadd.s32 v1, v3  }
0x111: {  	v7 =	vshrl.u32 v9, $0x14;
	v6 =	vld [tilespmem:s13+$0xFFFFFFC0];
	v8 =	vshrl.u32 v9, $0x11;
	v4 =	vadd.s32 v1, v4  }
0x112: {  	v7 =	vand.u32 $0x7F, v7;
	v9 =	vld [tilespmem:s13+$0xFFFFFF80];
	v8 =	vand.u32 $0x7C00, v8  }
0x113: {  	v7 =	vor.u32 v7, v8;
	v11 =	vshrl.u32 v10, $0x14;
	v10 =	vshrl.u32 v10, $0x11  }
0x114: {  	[tilespmem:v5+s9+$0x0] =	vst.idx.add.s32.msk $0xffff, v2;
	v5 =	vadd.s32 v1, v7;
	v8 =	vand.u32 $0x7F, v11;
	v10 =	vand.u32 $0x7C00, v10  }
0x115: {  	[tilespmem:v3+s9+$0x0] =	vst.idx.add.s32.msk $0xffff, v2;
	v7 =	vor.u32 v8, v10  }
0x116: {  	[tilespmem:v4+s9+$0x0] =	vst.idx.add.s32.msk $0xffff, v2;
	v4 =	vshrl.u32 v6, $0x11;
	v3 =	vadd.s32 v1, v7  }
0x117: {  	v8 =	vshrl.u32 v9, $0x14;
	v9 =	vshrl.u32 v9, $0x11;
	v10 =	vshrl.u32 v12, $0x14;
	v11 =	vld [tilespmem:s15+$0xFFFFFFE0]  }
0x118: {  	v7 =	vshrl.u32 v6, $0x14;
	v6 =	vld [tilespmem:s15+$0xFFFFFFA0];
	v8 =	vand.u32 $0x7F, v8;
	v9 =	vand.u32 $0x7C00, v9  }
0x119: {  	v4 =	vand.u32 $0x7C00, v4;
	v7 =	vand.u32 $0x7F, v7;
	v8 =	vor.u32 v8, v9;
	[tilespmem:v5+s9+$0x0] =	vst.idx.add.s32.msk $0xffff, v2  }
0x11a: {  	v5 =	vshrl.u32 v12, $0x11;
	v4 =	vor.u32 v7, v4;
	v7 =	vadd.s32 v1, v8;
	v8 =	vld [tilespmem:s13+$0x50]  }
0x11b: {  	v5 =	vand.u32 $0x7C00, v5;
	v4 =	vadd.s32 v1, v4;
	[tilespmem:v3+s9+$0x0] =	vst.idx.add.s32.msk $0xffff, v2;
	v3 =	vand.u32 $0x7F, v10  }
0x11c: {  	v3 =	vor.u32 v3, v5  }
0x11d: {  	v12 =	vshrl.u32 v11, $0x14;
	v10 =	vshrl.u32 v6, $0x14;
	v9 =	vld [tilespmem:s15+$0x70];
	v3 =	vadd.s32 v1, v3  }
0x11e: {  	v11 =	vshrl.u32 v11, $0x11;
	v6 =	vshrl.u32 v6, $0x11;
	v5 =	vld [tilespmem:s15+$0x20];
	v10 =	vand.u32 $0x7F, v10  }
0x11f: {  	v6 =	vand.u32 $0x7C00, v6;
	[tilespmem:v7+s9+$0x0] =	vst.idx.add.s32.msk $0xffff, v2;
	v7 =	vshrl.u32 v8, $0x14;
	v8 =	vshrl.u32 v8, $0x11  }
0x120: {  	v6 =	vor.u32 v10, v6;
	[tilespmem:v4+s9+$0x0] =	vst.idx.add.s32.msk $0xffff, v2;
	v4 =	vand.u32 $0x7F, v7;
	v7 =	vand.u32 $0x7C00, v8  }
0x121: {  	v11 =	vand.u32 $0x7C00, v11;
	v13 =	vld [tilespmem:s13+$0xFFFFFF90];
	v6 =	vadd.s32 v1, v6;
	v4 =	vor.u32 v4, v7  }
0x122: {  	v8 =	vshrl.u32 v9, $0x14;
	v9 =	vshrl.u32 v9, $0x11;
	[tilespmem:v3+s9+$0x0] =	vst.idx.add.s32.msk $0xffff, v2;
	v3 =	vadd.s32 v1, v4  }
0x123: {  	v10 =	vld [tilespmem:s13+$0xFFFFFFD0];
	v7 =	vshrl.u32 v5, $0x14;
	v8 =	vand.u32 $0x7F, v8;
	v4 =	vand.u32 $0x7C00, v9  }
0x124: {  	v5 =	vshrl.u32 v5, $0x11;
	v9 =	vand.u32 $0x7F, v12;
	v4 =	vor.u32 v8, v4;
	v8 =	vld [tilespmem:s13+$0x10]  }
0x125: {  	s14 =	simm.s32 $0x8280;
	v7 =	vand.u32 $0x7F, v7;
	v12 =	vadd.s32 v1, v4;
	v4 =	vand.u32 $0x7C00, v5  }
0x126: {  	v15 =	vld [tilespmem:s14+$0xFFFFFF80];
	v5 =	vor.u32 v9, v11;
	v9 =	vshrl.u32 v13, $0x14;
	v11 =	vshrl.u32 v13, $0x11  }
0x127: {  	v5 =	vadd.s32 v1, v5;
	v9 =	vand.u32 $0x7F, v9;
	v11 =	vand.u32 $0x7C00, v11;
	[tilespmem:v3+s9+$0x0] =	vst.idx.add.s32.msk $0xffff, v2  }
0x128: {  	v4 =	vor.u32 v7, v4;
	v9 =	vor.u32 v9, v11;
	v3 =	vshrl.u32 v10, $0x14;
	v13 =	vld [tilespmem:s13+$0x60]  }
0x129: {  	[tilespmem:v6+s9+$0x0] =	vst.idx.add.s32.msk $0xffff, v2;
	v10 =	vshrl.u32 v10, $0x11;
	v14 =	vshrl.u32 v8, $0x14;
	v8 =	vshrl.u32 v8, $0x11  }
0x12a: {  	v11 =	vld [tilespmem:s15+$0xFFFFFFB0];
	v3 =	vand.u32 $0x7F, v3;
	v6 =	vand.u32 $0x7C00, v10;
	v10 =	vand.u32 $0x7F, v14  }
0x12b: {  	v7 =	vld [tilespmem:s14+$0xFFFFFFC0];
	v3 =	vor.u32 v3, v6;
	v6 =	vand.u32 $0x7C00, v8;
	v8 =	vadd.s32 v1, v9  }
0x12c: {  	v9 =	vld [tilespmem:s14+$0x40];
	v3 =	vadd.s32 v1, v3;
	v6 =	vor.u32 v10, v6  }
0x12d: {  	v14 =	vld [tilespmem:s14+$0x0];
	v6 =	vadd.s32 v1, v6;
	v10 =	vshrl.u32 v13, $0x14;
	v13 =	vshrl.u32 v13, $0x11  }
0x12e: {  	v4 =	vadd.s32 v1, v4;
	[tilespmem:v12+s9+$0x0] =	vst.idx.add.s32.msk $0xffff, v2;
	v10 =	vand.u32 $0x7F, v10;
	v13 =	vand.u32 $0x7C00, v13  }
0x12f: {  	[tilespmem:v5+s9+$0x0] =	vst.idx.add.s32.msk $0xffff, v2;
	v5 =	vor.u32 v10, v13;
	v10 =	vshrl.u32 v11, $0x14;
	v11 =	vshrl.u32 v11, $0x11  }
0x130: {  	[tilespmem:v8+s9+$0x0] =	vst.idx.add.s32.msk $0xffff, v2;
	v13 =	vshrl.u32 v15, $0x14;
	v5 =	vadd.s32 v1, v5;
	v8 =	vand.u32 $0x7F, v10  }
0x131: {  	[tilespmem:v3+s9+$0x0] =	vst.idx.add.s32.msk $0xffff, v2;
	v10 =	vand.u32 $0x7C00, v11;
	v11 =	vshrl.u32 v9, $0x14;
	v9 =	vshrl.u32 v9, $0x11  }
0x132: {  	v15 =	vshrl.u32 v15, $0x11;
	[tilespmem:v6+s9+$0x0] =	vst.idx.add.s32.msk $0xffff, v2;
	v11 =	vand.u32 $0x7F, v11;
	v9 =	vand.u32 $0x7C00, v9  }
0x133: {  	v16 =	vld [tilespmem:s13+$0xFFFFFFE0];
	v13 =	vand.u32 $0x7F, v13;
	v15 =	vand.u32 $0x7C00, v15;
	v9 =	vor.u32 v11, v9  }
0x134: {  	v3 =	vshrl.u32 v7, $0x14;
	v13 =	vor.u32 v13, v15;
	v15 =	vld [tilespmem:s13+$0x20];
	v9 =	vadd.s32 v1, v9  }
0x135: {  	v6 =	vshrl.u32 v7, $0x11;
	v7 =	vshrl.u32 v14, $0x14;
	v14 =	vshrl.u32 v14, $0x11;
	v11 =	vld [tilespmem:s13+$0xFFFFFFA0]  }
0x136: {  	v3 =	vand.u32 $0x7F, v3;
	v14 =	vand.u32 $0x7C00, v14;
	[tilespmem:v5+s9+$0x0] =	vst.idx.add.s32.msk $0xffff, v2;
	v5 =	vand.u32 $0x7C00, v6  }
0x137: {  	[tilespmem:v4+s9+$0x0] =	vst.idx.add.s32.msk $0xffff, v2;
	v13 =	vadd.s32 v1, v13;
	v6 =	vand.u32 $0x7F, v7;
	v5 =	vor.u32 v3, v5  }
0x138: {  	v7 =	vld [tilespmem:s13+$0x70];
	v3 =	vor.u32 v8, v10;
	v6 =	vor.u32 v6, v14;
	v14 =	vshrl.u32 v16, $0x14  }
0x139: {  	v16 =	vshrl.u32 v16, $0x11;
	v4 =	vshrl.u32 v15, $0x14;
	v15 =	vshrl.u32 v15, $0x11;
	[tilespmem:v9+s9+$0x0] =	vst.idx.add.s32.msk $0xffff, v2  }
0x13a: {  	v6 =	vadd.s32 v1, v6;
	v10 =	vshrl.u32 v11, $0x11;
	v9 =	vshrl.u32 v11, $0x14;
	v11 =	vld [tilespmem:s14+$0x50]  }
0x13b: {  	v8 =	vld [tilespmem:s15+$0xFFFFFFF0];
	v5 =	vadd.s32 v1, v5;
	v4 =	vand.u32 $0x7F, v4;
	v15 =	vand.u32 $0x7C00, v15  }
0x13c: {  	[tilespmem:v13+s9+$0x0] =	vst.idx.add.s32.msk $0xffff, v2;
	v14 =	vand.u32 $0x7F, v14;
	v10 =	vand.u32 $0x7C00, v10;
	v4 =	vor.u32 v4, v15  }
0x13d: {  	v13 =	vld [tilespmem:s15+$0x30];
	v9 =	vand.u32 $0x7F, v9;
	v4 =	vadd.s32 v1, v4;
	v17 =	vshrl.u32 v7, $0x14  }
0x13e: {  	v61 =	vld [tilespmem:s14+$0xFFFFFF90];
	v9 =	vor.u32 v9, v10;
	v7 =	vshrl.u32 v7, $0x11;
	v17 =	vand.u32 $0x7F, v17  }
0x13f: {  	v7 =	vand.u32 $0x7C00, v7;
	[tilespmem:v6+s9+$0x0] =	vst.idx.add.s32.msk $0xffff, v2;
	v6 =	vshrl.u32 v11, $0x14;
	v11 =	vshrl.u32 v11, $0x11  }
0x140: {  	[tilespmem:v5+s9+$0x0] =	vst.idx.add.s32.msk $0xffff, v2;
	v7 =	vor.u32 v17, v7;
	v6 =	vand.u32 $0x7F, v6;
	v11 =	vand.u32 $0x7C00, v11  }
0x141: {  	v5 =	vand.u32 $0x7C00, v16;
	v10 =	vld [tilespmem:s14+$0xFFFFFFD0];
	v7 =	vadd.s32 v1, v7;
	v6 =	vor.u32 v6, v11  }
0x142: {  	v9 =	vadd.s32 v1, v9;
	v5 =	vor.u32 v14, v5;
	v14 =	vadd.s32 v1, v6  }
0x143: {  	v62 =	vshrl.u32 v13, $0x14;
	v13 =	vshrl.u32 v13, $0x11;
	v12 =	vshrl.u32 v61, $0x11;
	v11 =	vld [tilespmem:s14+$0x10]  }
0x144: {  	v13 =	vand.u32 $0x7C00, v13;
	v15 =	vadd.s32 v1, v5;
	v5 =	vshrl.u32 v8, $0x14  }
0x145: {  	v12 =	vand.u32 $0x7C00, v12;
	v6 =	vshrl.u32 v8, $0x11;
	v8 =	vshrl.u32 v61, $0x14  }
0x146: {  	[tilespmem:v7+s9+$0x0] =	vst.idx.add.s32.msk $0xffff, v2;
	v7 =	vand.u32 $0x7F, v8;
	v8 =	vshrl.u32 v10, $0x14;
	v10 =	vshrl.u32 v10, $0x11  }
0x147: {  	v5 =	vand.u32 $0x7F, v5;
	v8 =	vand.u32 $0x7F, v8;
	v10 =	vand.u32 $0x7C00, v10;
	[tilespmem:v14+s9+$0x0] =	vst.idx.add.s32.msk $0xffff, v2  }
0x148: {  	v7 =	vor.u32 v7, v12;
	v63 =	vshrl.u32 v11, $0x14;
	v18 =	vshrl.u32 v11, $0x11;
	v11 =	vld [tilespmem:s14+$0x60]  }
0x149: {  	[tilespmem:v9+s9+$0x0] =	vst.idx.add.s32.msk $0xffff, v2;
	v8 =	vor.u32 v8, v10;
	v14 =	vand.u32 $0x7F, v63;
	v12 =	vand.u32 $0x7C00, v18  }
0x14a: {  	v10 =	vadd.s32 v1, v7;
	v7 =	vld [tilespmem:s13+$0xFFFFFFB0];
	v9 =	vadd.s32 v1, v8;
	v8 =	vor.u32 v14, v12  }
0x14b: {  	s16 =	simm.s32 $0x8380;
	s15 =	simm.s32 $0x8;
	v6 =	vand.u32 $0x7C00, v6;
	[tilespmem:v15+s9+$0x0] =	vst.idx.add.s32.msk $0xffff, v2;
	v12 =	vand.u32 $0x7F, v62;
	v8 =	vadd.s32 v1, v8  }
.LBB2_6:
0x14c: {  	v14 =	vld [tilespmem:s16+$0x40];
	s15 =	sadd.s32 $0x4, s15;
	v15 =	vadd.s32 v1, v3;
	v3 =	vor.u32 v5, v6;
	v5 =	vor.u32 v12, v13  }
0x14d: {  	v6 =	vld [tilespmem:s16+$0xFFFFFFC0];
	p0 =	slt.u32 s15, $0x1FC;
	v12 =	vshrl.u32 v11, $0x14;
	v11 =	vshrl.u32 v11, $0x11;
	v13 =	vadd.s32 v1, v3  }
0x14e: {  	v16 =	vld [tilespmem:s16+$0x0];
	v3 =	vand.u32 $0x7F, v12;
	v11 =	vand.u32 $0x7C00, v11;
	v12 =	vadd.s32 v1, v5  }
0x14f: {  	v5 =	vld [tilespmem:s16+$0xFFFFFF80];
	v3 =	vor.u32 v3, v11;
	v11 =	vshrl.u32 v7, $0x14;
	v7 =	vshrl.u32 v7, $0x11  }
0x150: {  	[tilespmem:v10+s9+$0x0] =	vst.idx.add.s32.msk $0xffff, v2;
	v10 =	vadd.s32 v1, v3;
	v3 =	vand.u32 $0x7F, v11;
	v7 =	vand.u32 $0x7C00, v7  }
0x151: {  	v11 =	vshrl.u32 v14, $0x14;
	v14 =	vshrl.u32 v14, $0x11;
	[tilespmem:v9+s9+$0x0] =	vst.idx.add.s32.msk $0xffff, v2;
	v3 =	vor.u32 v3, v7  }
0x152: {  	v7 =	vshrl.u32 v6, $0x14;
	v9 =	vand.u32 $0x7F, v11;
	v11 =	vand.u32 $0x7C00, v14;
	[tilespmem:v8+s9+$0x0] =	vst.idx.add.s32.msk $0xffff, v2  }
0x153: {  	v6 =	vshrl.u32 v6, $0x11;
	v8 =	vshrl.u32 v16, $0x14;
	v9 =	vor.u32 v9, v11;
	v11 =	vld [tilespmem:s14+$0xFFFFFFA0]  }
0x154: {  	v14 =	vshrl.u32 v5, $0x14;
	v5 =	vshrl.u32 v5, $0x11;
	v9 =	vadd.s32 v1, v9;
	v17 =	vld [tilespmem:s14+$0xFFFFFFE0]  }
0x155: {  	v16 =	vshrl.u32 v16, $0x11;
	v14 =	vand.u32 $0x7F, v14;
	v5 =	vand.u32 $0x7C00, v5;
	[tilespmem:v10+s9+$0x0] =	vst.idx.add.s32.msk $0xffff, v2  }
0x156: {  	v7 =	vand.u32 $0x7F, v7;
	v6 =	vand.u32 $0x7C00, v6;
	v8 =	vand.u32 $0x7F, v8;
	v10 =	vld [tilespmem:s14+$0x70]  }
0x157: {  	v6 =	vor.u32 v7, v6;
	v7 =	vand.u32 $0x7C00, v16;
	v5 =	vor.u32 v14, v5;
	v14 =	vld [tilespmem:s14+$0x20]  }
0x158: {  	v6 =	vadd.s32 v1, v6;
	v7 =	vor.u32 v8, v7;
	v5 =	vadd.s32 v1, v5;
	v8 =	vld [tilespmem:s13+$0xFFFFFFF0]  }
0x159: {  	v7 =	vadd.s32 v1, v7;
	[tilespmem:v9+s9+$0x0] =	vst.idx.add.s32.msk $0xffff, v2;
	v9 =	vshrl.u32 v11, $0x14;
	v11 =	vshrl.u32 v11, $0x11  }
0x15a: {  	v18 =	vshrl.u32 v17, $0x14;
	v17 =	vshrl.u32 v17, $0x11;
	v16 =	vld [tilespmem:s16+$0x50];
	v9 =	vand.u32 $0x7F, v9  }
0x15b: {  	v11 =	vand.u32 $0x7C00, v11;
	v19 =	vshrl.u32 v10, $0x14;
	v10 =	vshrl.u32 v10, $0x11;
	[tilespmem:v4+s9+$0x0] =	vst.idx.add.s32.msk $0xffff, v2  }
0x15c: {  	v4 =	vshrl.u32 v14, $0x14;
	v19 =	vand.u32 $0x7F, v19;
	v10 =	vand.u32 $0x7C00, v10;
	v20 =	vld [tilespmem:s13+$0x30];
	s13 =	smov.u32 s14;
	s14 =	smov.u32 s16  }
0x15d: {  	v14 =	vshrl.u32 v14, $0x11;
	[tilespmem:v5+s9+$0x0] =	vst.idx.add.s32.msk $0xffff, v2;
	v5 =	vand.u32 $0x7F, v18;
	v10 =	vor.u32 v19, v10  }
0x15e: {  	v4 =	vand.u32 $0x7F, v4;
	[tilespmem:v6+s9+$0x0] =	vst.idx.add.s32.msk $0xffff, v2;
	v6 =	vand.u32 $0x7C00, v17;
	v10 =	vadd.s32 v1, v10  }
0x15f: {  	v14 =	vand.u32 $0x7C00, v14;
	[tilespmem:v7+s9+$0x0] =	vst.idx.add.s32.msk $0xffff, v2;
	v7 =	vshrl.u32 v16, $0x14;
	v16 =	vshrl.u32 v16, $0x11  }
0x160: {  	v9 =	vor.u32 v9, v11;
	v17 =	vld [tilespmem:s16+$0xFFFFFF90];
	v7 =	vand.u32 $0x7F, v7;
	v16 =	vand.u32 $0x7C00, v16  }
0x161: {  	v4 =	vor.u32 v4, v14;
	v5 =	vor.u32 v5, v6;
	v11 =	vld [tilespmem:s16+$0xFFFFFFD0];
	v7 =	vor.u32 v7, v16  }
0x162: {  	v9 =	vadd.s32 v1, v9;
	v16 =	vadd.s32 v1, v5;
	v14 =	vld [tilespmem:s16+$0x10];
	v7 =	vadd.s32 v1, v7  }
0x163: {  	v4 =	vadd.s32 v1, v4;
	v6 =	vshrl.u32 v8, $0x11;
	v5 =	vshrl.u32 v8, $0x14;
	[tilespmem:v10+s9+$0x0] =	vst.idx.add.s32.msk $0xffff, v2  }
0x164: {  	v18 =	vshrl.u32 v20, $0x14;
	v19 =	vshrl.u32 v20, $0x11;
	v5 =	vand.u32 $0x7F, v5;
	[tilespmem:v15+s9+$0x0] =	vst.idx.add.s32.msk $0xffff, v2  }
0x165: {  	v6 =	vand.u32 $0x7C00, v6;
	v8 =	vshrl.u32 v17, $0x14;
	v10 =	vshrl.u32 v17, $0x11;
	[tilespmem:v13+s9+$0x0] =	vst.idx.add.s32.msk $0xffff, v2  }
0x166: {  	v8 =	vand.u32 $0x7F, v8;
	v13 =	vshrl.u32 v11, $0x14;
	v11 =	vshrl.u32 v11, $0x11;
	[tilespmem:v12+s9+$0x0] =	vst.idx.add.s32.msk $0xffff, v2  }
.Ltmp2:
0x167: {  	v10 =	vand.u32 $0x7C00, v10;
	v12 =	vshrl.u32 v14, $0x14;
	v14 =	vshrl.u32 v14, $0x11;
	[tilespmem:v7+s9+$0x0] =	vst.idx.add.s32.msk $0xffff, v2;
	(pc) =	sbr.rel @p0 .LBB2_6-.Ltmp2, $4  }
0x168: {  	v7 =	vand.u32 $0x7F, v13;
	v13 =	vand.u32 $0x7C00, v11;
	v12 =	vand.u32 $0x7F, v12;
	v11 =	vld [tilespmem:s16+$0x60]  }
0x169: {  	v8 =	vor.u32 v8, v10;
	v7 =	vor.u32 v7, v13;
	v13 =	vand.u32 $0x7C00, v14;
	[tilespmem:v9+s9+$0x0] =	vst.idx.add.s32.msk $0xffff, v2  }
0x16a: {  	v10 =	vadd.s32 v1, v8;
	v9 =	vadd.s32 v1, v7;
	v8 =	vor.u32 v12, v13;
	v7 =	vld [tilespmem:s13+$0xFFFFFFB0]  }
0x16b: {  	s16 =	sadd.s32 $0x100, s16;
	v12 =	vand.u32 $0x7F, v18;
	v13 =	vand.u32 $0x7C00, v19;
	v8 =	vadd.s32 v1, v8;
	[tilespmem:v16+s9+$0x0] =	vst.idx.add.s32.msk $0xffff, v2  }
0x16c: {  	_ =	sdelay $0x3  }
0x16d: {  	[tilespmem:v10+s9+$0x0] =	vst.idx.add.s32.msk $0xffff, v2  }
0x16e: {  	[tilespmem:v9+s9+$0x0] =	vst.idx.add.s32.msk $0xffff, v2  }
0x16f: {  	[tilespmem:v8+s9+$0x0] =	vst.idx.add.s32.msk $0xffff, v2  }
0x170: {  	v33 =	vld [tilespmem:s14+$0xFFFFFFA0]  }
0x171: {  	v35 =	vld [tilespmem:s14+$0xFFFFFFE0]  }
0x172: {  	v14 =	vshrl.u32 v11, $0x14;
	v31 =	vshrl.u32 v11, $0x11;
	v8 =	vld [tilespmem:s14+$0x20]  }
0x173: {  	v32 =	vand.u32 $0x7F, v14;
	v11 =	vand.u32 $0x7C00, v31  }
0x174: {  	v10 =	vor.u32 v32, v11  }
0x175: {  	v5 =	vor.u32 v5, v6;
	v34 =	vadd.s32 v1, v10  }
0x176: {  	v36 =	vshrl.u32 v33, $0x14;
	v14 =	vshrl.u32 v33, $0x11;
	v39 =	vshrl.u32 v35, $0x14  }
0x177: {  	v10 =	vshrl.u32 v35, $0x11;
	v41 =	vshrl.u32 v8, $0x14;
	v8 =	vshrl.u32 v8, $0x11  }
0x178: {  	v37 =	vand.u32 $0x7F, v36;
	v38 =	vand.u32 $0x7C00, v14;
	v9 =	vand.u32 $0x7F, v39  }
0x179: {  	v10 =	vand.u32 $0x7C00, v10;
	v14 =	vand.u32 $0x7F, v41;
	v6 =	vor.u32 v37, v38  }
0x17a: {  	v42 =	vld [tilespmem:s13+$0xFFFFFFF0];
	v8 =	vand.u32 $0x7C00, v8;
	v9 =	vor.u32 v9, v10;
	v6 =	vadd.s32 v1, v6  }
0x17b: {  	[tilespmem:v4+s9+$0x0] =	vst.idx.add.s32.msk $0xffff, v2;
	v43 =	vor.u32 v14, v8;
	v9 =	vadd.s32 v1, v9  }
0x17c: {  	v45 =	vld [tilespmem:s13+$0x30];
	v4 =	vadd.s32 v1, v43  }
0x17d: {  	[tilespmem:v34+s9+$0x0] =	vst.idx.add.s32.msk $0xffff, v2  }
0x17e: {  	v3 =	vadd.s32 v1, v3;
	v40 =	vld [tilespmem:s14+$0x70]  }
0x17f: {  	v12 =	vor.u32 v12, v13;
	v5 =	vadd.s32 v1, v5;
	v46 =	vshrl.u32 v7, $0x14;
	[tilespmem:v6+s9+$0x0] =	vst.idx.add.s32.msk $0xffff, v2  }
0x180: {  	v44 =	vadd.s32 v1, v12;
	v48 =	vshrl.u32 v7, $0x11;
	v13 =	vand.u32 $0x7F, v46;
	[tilespmem:v9+s9+$0x0] =	vst.idx.add.s32.msk $0xffff, v2  }
0x181: {  	v51 =	vshrl.u32 v42, $0x14;
	v53 =	vshrl.u32 v45, $0x14;
	v10 =	vshrl.u32 v42, $0x11;
	[tilespmem:v4+s9+$0x0] =	vst.idx.add.s32.msk $0xffff, v2  }
0x182: {  	v54 =	vshrl.u32 v45, $0x11;
	v55 =	vand.u32 $0x7F, v53;
	v10 =	vand.u32 $0x7C00, v10;
	v50 =	vld [tilespmem:s14+$0xFFFFFFB0]  }
0x183: {  	v6 =	vand.u32 $0x7C00, v48;
	v9 =	vand.u32 $0x7F, v51;
	v4 =	vand.u32 $0x7C00, v54;
	v52 =	vld [tilespmem:s14+$0xFFFFFFF0]  }
0x184: {  	v47 =	vshrl.u32 v40, $0x14;
	v11 =	vshrl.u32 v40, $0x11;
	v6 =	vor.u32 v13, v6;
	v56 =	vld [tilespmem:s14+$0x30]  }
0x185: {  	v9 =	vor.u32 v9, v10;
	v49 =	vand.u32 $0x7F, v47;
	v11 =	vand.u32 $0x7C00, v11  }
0x186: {  	v4 =	vor.u32 v55, v4;
	v6 =	vadd.s32 v1, v6;
	v7 =	vor.u32 v49, v11  }
0x187: {  	v9 =	vadd.s32 v1, v9;
	v4 =	vadd.s32 v1, v4;
	v7 =	vadd.s32 v1, v7  }
0x188: {  	v57 =	vshrl.u32 v50, $0x14;
	v58 =	vshrl.u32 v50, $0x11;
	v59 =	vshrl.u32 v52, $0x14  }
0x189: {  	[tilespmem:v3+s9+$0x0] =	vst.idx.add.s32.msk $0xffff, v2;
	v60 =	vshrl.u32 v52, $0x11;
	v62 =	vshrl.u32 v56, $0x14;
	v3 =	vshrl.u32 v56, $0x11  }
0x18a: {  	v10 =	vand.u32 $0x7F, v57;
	v12 =	vand.u32 $0x7C00, v58;
	v61 =	vand.u32 $0x7F, v59  }
0x18b: {  	[tilespmem:v5+s9+$0x0] =	vst.idx.add.s32.msk $0xffff, v2;
	v3 =	vand.u32 $0x7C00, v3;
	v10 =	vor.u32 v10, v12;
	v12 =	vand.u32 $0x7F, v62  }
0x18c: {  	[tilespmem:v7+s9+$0x0] =	vst.idx.add.s32.msk $0xffff, v2;
	v7 =	vand.u32 $0x7C00, v60;
	v63 =	vadd.s32 v1, v10;
	v3 =	vor.u32 v12, v3  }
0x18d: {  	[tilespmem:v44+s9+$0x0] =	vst.idx.add.s32.msk $0xffff, v2;
	v7 =	vor.u32 v61, v7;
	v3 =	vadd.s32 v1, v3  }
0x18e: {  	[tilespmem:v6+s9+$0x0] =	vst.idx.add.s32.msk $0xffff, v2;
	v7 =	vadd.s32 v1, v7  }
0x18f: {  	[tilespmem:v9+s9+$0x0] =	vst.idx.add.s32.msk $0xffff, v2  }
0x190: {  	[tilespmem:v4+s9+$0x0] =	vst.idx.add.s32.msk $0xffff, v2  }
0x191: {  	s12 =	sadd.s32 $0x1, s12;
	[tilespmem:v63+s9+$0x0] =	vst.idx.add.s32.msk $0xffff, v2  }
0x192: {  	p0 =	sne.s32 s12, s6;
	[tilespmem:v3+s9+$0x0] =	vst.idx.add.s32.msk $0xffff, v2  }
.Ltmp3:
0x193: {  	[tilespmem:v7+s9+$0x0] =	vst.idx.add.s32.msk $0xffff, v2;
	(pc) =	sbr.rel @p0 .LBB2_1-.Ltmp3, $4  }
0x194: {  	[hbm4b:s5+s2] =	stream.linear.scatter [tilespmem:s9], [sflag:$0x3], $0x8800, $0x38;
	[tilespmem:$0x18800] =	vst v63  }
0x195: {  	_ =	swait.ge [sflag:s11], $0x8800  }
0x196: {  	[sflag:s11] =	ssyncset.done $0x0  }
0x197: {  	[sflag:s11] =	ssyncadd.s32 $0xFFFF7800  }
0x198: {  	_ =	sfence.sel $0x180000  }
0x199: {  	[bflag:$0x0] =	sbarrier.arrive $0xFFFF  }
0x19a: {  	_ =	strace $0x90000047  }
0x19b: {  	s0 =	stileid.u32;
	[bflag:$0x2] =	sbarrier.arrive $0xFFFF  }
0x19c: {  	p0 =	sne.s32 s0, $0x0;
	s0 =	rddreg [dreg:$0x1]  }
0x19d: {  	s0 =	sadd.s32 @!p0 $0x100000, s0  }
0x19e: {  	[sflag:s0] =	ssyncadd.tile.s32 @!p0 $0x1;
	_ =	shalt  }
.Lfunc_end2:
_tile_overlayer_lowered:
.L_overlay_start_2:
0x19f: {  	(tag) =	ssettag $0x2  }
0x1a0: {  	s0 =	rddreg [dreg:$0x0];
	s2 =	stileid.u32  }
0x1a1: {  	s1 =	rddreg [dreg:$0x1];
	p0 =	sne.s32 s2, $0x0  }
0x1a2: {  	s3 =	rddreg [dreg:$0x2];
	[bflag:$0x3] =	sbarrier.arrive $0xFFFF;
	s2 =	simm.s32 @!p0 $0x1C03  }
0x1a3: {  	[timem:s3], [sflag:s2] =	dma.local @!p0 [hbm:s0], s1  }
0x1a4: {  	s0 =	simm.s32 @!p0 $0x3  }
0x1a5: {  	_ =	swait.ge @!p0 [sflag:s0], s1  }
0x1a6: {  	s1 =	ssub.s32 @!p0 $0x0, s1;
	[sflag:s0] =	ssyncset.done @!p0 $0x0  }
0x1a7: {  	[sflag:s0] =	ssyncadd.s32 @!p0 s1  }
0x1a8: {  	[bflag:$0x3] =	sbarrier.arrive $0xFFFF  }
0x1a9: {  	_ =	shalt  }

</sc_bundles>
